<compile_context>
chip_gen: v7x
topology: tpu7x:2x2x1
jax: 0.10.2.dev20260603
libtpu: 0.0.44.dev20260713+nightly
codegen_flags: <defaults>
</compile_context>

<pallas_src>
import jax
import jax.numpy as jnp
from jax import lax
from jax.experimental import pallas as pl
from jax.experimental.pallas import tpu as pltpu
from jax.experimental.pallas import tpu_sc as plsc

N_NODES = 50000
NW = 32
NREL = 128
ROW_GS, ROW_GD, ROW_P5, ROW_P6, N_ROWS = 0, 72, 144, 184, 224
HTOT = N_ROWS * NREL
PTAB = 4240
CHUNKS = (6256, 6248, 6248, 6248)
CBUF = 6256


def _sc_hist_body(ei_hbm, typ_hbm, aux_hbm, out_hbm,
                  table_v, hist_v, ptab_v, aux_v,
                  src_v, dst_v, typ_v, sem):
  wid = lax.axis_index("s") * 2 + lax.axis_index("c")
  z16i = jnp.zeros((16,), jnp.int32)
  z16f = jnp.zeros((16,), jnp.float32)
  ones16 = jnp.ones((16,), jnp.float32)
  lanes = lax.iota(jnp.int32, 16)

  def zero_i(ref, n):
    def b(i, carry):
      ref[pl.ds(i * 16, 16)] = z16i
      return carry
    lax.fori_loop(0, n // 16, b, 0, unroll=8)

  def zero_f(ref, n):
    def b(i, carry):
      ref[pl.ds(i * 16, 16)] = z16f
      return carry
    lax.fori_loop(0, n // 16, b, 0, unroll=8)

  n_edges = ei_hbm.shape[0] // 2
  epw = n_edges // NW
  base = wid * epw
  n_chunks = len(CHUNKS)
  offs = [sum(CHUNKS[:c]) for c in range(n_chunks)]

  def start_chunk(c):
    b = c % 2
    o = base + offs[c]
    clen = CHUNKS[c]
    return (
        pltpu.async_copy(ei_hbm.at[pl.ds(o, clen)],
                         src_v.at[pl.ds(b * CBUF, clen)], sem),
        pltpu.async_copy(ei_hbm.at[pl.ds(n_edges + o, clen)],
                         dst_v.at[pl.ds(b * CBUF, clen)], sem),
        pltpu.async_copy(typ_hbm.at[pl.ds(o, clen)],
                         typ_v.at[pl.ds(b * CBUF, clen)], sem),
    )

  pending = [start_chunk(0), start_chunk(1)]

  zero_i(table_v, N_NODES)
  zero_i(ptab_v, PTAB)
  zero_f(hist_v, HTOT)

  pltpu.sync_copy(aux_hbm, aux_v)

  for j in range(4):
    ids_j = aux_v[pl.ds(j * 16, 16)]
    cod_j = aux_v[pl.ds(64 + j * 16, 16)]
    fm_j = aux_v[pl.ds(192 + j * 16, 16)]
    plsc.addupdate_scatter(table_v, [ids_j], cod_j, mask=fm_j > 0)
  for j in range(2):
    pk_j = aux_v[pl.ds(128 + j * 16, 16)]
    pv_j = aux_v[pl.ds(160 + j * 16, 16)]
    pfm_j = aux_v[pl.ds(256 + j * 16, 16)]
    plsc.addupdate_scatter(ptab_v, [pk_j], pv_j, mask=pfm_j > 0)

  def accumulate(s, d, t, msk):
    cs = plsc.load_gather(table_v, [s])
    cd = plsc.load_gather(table_v, [d])
    k5 = plsc.load_gather(ptab_v, [cs * 65 + cd])
    k6 = plsc.load_gather(ptab_v, [cd * 65 + cs])
    m_s, m_d = cs > 0, cd > 0
    m5, m6 = k5 > 0, k6 > 0
    if msk is not None:
      m_s, m_d = msk & m_s, msk & m_d
      m5, m6 = msk & m5, msk & m6
    plsc.addupdate_scatter(hist_v, [(ROW_GS + cs) * NREL + t], ones16, mask=m_s)
    plsc.addupdate_scatter(hist_v, [(ROW_GD + cd) * NREL + t], ones16, mask=m_d)
    plsc.addupdate_scatter(hist_v, [(ROW_P5 + k5) * NREL + t], ones16, mask=m5)
    plsc.addupdate_scatter(hist_v, [(ROW_P6 + k6) * NREL + t], ones16, mask=m6)

  def make_ebody(bb):
    def ebody(i):
      off = bb + i * 16
      accumulate(src_v[pl.ds(off, 16)], dst_v[pl.ds(off, 16)],
                 typ_v[pl.ds(off, 16)], None)
    return ebody

  for c in range(n_chunks):
    b = c % 2
    for h in pending[b]:
      h.wait()
    bb = b * CBUF
    clen = CHUNKS[c]
    n_full = clen // 16
    plsc.parallel_loop(0, n_full, unroll=4)(make_ebody(bb))
    rem = clen - n_full * 16
    if rem:
      moff = bb + n_full * 16
      mt = lanes < rem
      accumulate(jnp.where(mt, src_v[pl.ds(moff, 16)], 0),
                 jnp.where(mt, dst_v[pl.ds(moff, 16)], 0),
                 jnp.where(mt, typ_v[pl.ds(moff, 16)], 0), mt)
    if c + 2 < n_chunks:
      pending[b] = start_chunk(c + 2)

  pltpu.sync_copy(hist_v, out_hbm.at[pl.ds(wid * HTOT, HTOT)])


def _sc_hist(ei, etype, aux):
  call = pl.kernel(
      _sc_hist_body,
      out_type=jax.ShapeDtypeStruct((NW * HTOT,), jnp.float32),
      mesh=plsc.VectorSubcoreMesh(core_axis_name="c", subcore_axis_name="s"),
      compiler_params=pltpu.CompilerParams(needs_layout_passes=False),
      scratch_types=[
          pltpu.VMEM((N_NODES,), jnp.int32),
          pltpu.VMEM((HTOT,), jnp.float32),
          pltpu.VMEM((PTAB,), jnp.int32),
          pltpu.VMEM((288,), jnp.int32),
          pltpu.VMEM((2 * CBUF,), jnp.int32),
          pltpu.VMEM((2 * CBUF,), jnp.int32),
          pltpu.VMEM((2 * CBUF,), jnp.int32),
          pltpu.SemaphoreType.DMA,
      ],
  )
  return call(ei, etype, aux)


def _combine_body(hist_ref, meta_ref, rel_emb_ref, w6_ref, b6_ref, wr_ref,
                  br_ref, wf_ref, bf_ref, out_ref):
  f32 = jnp.float32
  H = hist_ref[0:N_ROWS, :]
  for k in range(1, NW):
    H = H + hist_ref[k * N_ROWS:(k + 1) * N_ROWS, :]
  Gs = H[ROW_GS:ROW_GS + 72]
  Gd = H[ROW_GD:ROW_GD + 72]
  P5 = H[ROW_P5:ROW_P5 + 40]
  P6 = H[ROW_P6:ROW_P6 + 40]
  Emb = rel_emb_ref[...]
  dot = lambda a, b: jnp.dot(a, b, preferred_element_type=f32)
  GsE, GdE, P5E, P6E = dot(Gs, Emb), dot(Gd, Emb), dot(P5, Emb), dot(P6, Emb)
  Gs_c = jnp.sum(Gs, axis=1, keepdims=True)
  Gd_c = jnp.sum(Gd, axis=1, keepdims=True)
  P5_c = jnp.sum(P5, axis=1, keepdims=True)
  P6_c = jnp.sum(P6, axis=1, keepdims=True)
  meta = meta_ref[...]
  B = meta.shape[1]
  ch = jnp.transpose(meta[0:1, :])
  ct = jnp.transpose(meta[1:2, :])
  pr = jnp.transpose(meta[2:3, :])
  rl = jnp.transpose(meta[3:4, :])
  Oh = (lax.broadcasted_iota(jnp.int32, (B, 72), 1) == ch).astype(f32)
  Ot = (lax.broadcasted_iota(jnp.int32, (B, 72), 1) == ct).astype(f32)
  Op = (lax.broadcasted_iota(jnp.int32, (B, 40), 1) == pr).astype(f32)
  Orl = (lax.broadcasted_iota(jnp.int32, (B, NREL), 1) == rl).astype(f32)
  S1, c1 = dot(Oh, GdE), dot(Oh, Gd_c)
  S2, c2 = dot(Oh, GsE), dot(Oh, Gs_c)
  S3, c3 = dot(Ot, GdE), dot(Ot, Gd_c)
  S4, c4 = dot(Ot, GsE), dot(Ot, Gs_c)
  M5, n5 = dot(Op, P5E), dot(Op, P5_c)
  M6, n6 = dot(Op, P6E), dot(Op, P6_c)
  W6 = w6_ref[...]
  b6 = b6_ref[...]
  cat1 = dot(S1 - M6, W6[0]) + (c1 - n6) * b6[0:1, :]
  cat2 = dot(S2 - M5, W6[1]) + (c2 - n5) * b6[1:2, :]
  cat3 = dot(S3 - M5, W6[2]) + (c3 - n5) * b6[2:3, :]
  cat4 = dot(S4 - M6, W6[3]) + (c4 - n6) * b6[3:4, :]
  cat5 = dot(M5, W6[4]) + n5 * b6[4:5, :]
  cat6 = dot(M6, W6[5]) + n6 * b6[5:6, :]
  agg = cat1 + cat2 + cat3 + cat4 + cat5 + cat6
  agg = jnp.where(agg > 0, agg, 0.2 * agg)
  tr = dot(dot(Orl, Emb), wr_ref[...]) + br_ref[...]
  rep = tr + agg
  out_ref[...] = dot(rep, wf_ref[...]) + bf_ref[...]


def kernel(edge_index, edge_type, head_ids, tail_ids, rel_labels,
           rel_emb, W6, b6, Wr, br, Wf, bf):
  B = head_ids.shape[0]
  ei = edge_index.astype(jnp.int32).reshape(-1)
  et = edge_type.astype(jnp.int32)

  ids = jnp.concatenate([head_ids, tail_ids]).astype(jnp.int32)
  eq = ids[:, None] == ids[None, :]
  codes = (jnp.argmax(eq, axis=1) + 1).astype(jnp.int32)
  ch, ct = codes[:B], codes[B:]
  pkey = ch * 65 + ct
  pfirst = jnp.argmax(pkey[:, None] == pkey[None, :], axis=1)
  pr = (pfirst + 1).astype(jnp.int32)
  nid = ids.shape[0]
  fmask = (jnp.argmax(eq, axis=1) == jnp.arange(nid)).astype(jnp.int32)
  pfmask = (pfirst == jnp.arange(B)).astype(jnp.int32)
  aux = jnp.concatenate([ids, codes, pkey, pr, fmask, pfmask]).astype(jnp.int32)

  hist = _sc_hist(ei, et, aux).reshape(NW * N_ROWS, NREL)
  meta = jnp.stack([ch, ct, pr, rel_labels.astype(jnp.int32)])

  scores = pl.pallas_call(
      _combine_body,
      out_shape=jax.ShapeDtypeStruct((B, 1), jnp.float32),
  )(hist, meta, rel_emb, W6, b6, Wr, br.reshape(1, -1), Wf, bf.reshape(1, 1))
  return scores

# --- scband reference (transcript-rebuilt; emitter-appended) ---
"""Pipeline reference for scband-graph-classifier-64750926954630 (READ-ONLY COPY).

The authoritative reference and input builder live on the scoring server;
editing this copy changes nothing except your own understanding.
"""

import jax, jax.numpy as jnp
import numpy as np

N_NODES = 50000
N_EDGES = 800000
DIM = 32
NUM_RELS = 128
B = 32


def setup_inputs(seed: int = 0) -> dict:
    key = jax.random.key(seed)
    ks = jax.random.split(key, 12)
    edge_index = jax.random.randint(ks[0], (2, N_EDGES), 0, N_NODES)
    edge_type = jax.random.randint(ks[1], (N_EDGES,), 0, NUM_RELS)
    head_ids = jax.random.randint(ks[2], (B,), 0, N_NODES)
    tail_ids = jax.random.randint(ks[3], (B,), 0, N_NODES)
    rel_labels = jax.random.randint(ks[4], (B,), 0, NUM_RELS)
    scale = 1.0 / np.sqrt(DIM)
    rel_emb = jax.random.normal(ks[5], (NUM_RELS, DIM), dtype=jnp.float32)
    W6 = jax.random.normal(ks[6], (6, DIM, DIM), dtype=jnp.float32) * scale
    b6 = jax.random.normal(ks[7], (6, DIM), dtype=jnp.float32) * 0.01
    Wr = jax.random.normal(ks[8], (DIM, DIM), dtype=jnp.float32) * scale
    br = jax.random.normal(ks[9], (DIM,), dtype=jnp.float32) * 0.01
    Wf = jax.random.normal(ks[10], (DIM, 1), dtype=jnp.float32) * scale
    bf = jnp.zeros((1,), jnp.float32)
    return {
        'edge_index': edge_index, 'edge_type': edge_type,
        'head_ids': head_ids, 'tail_ids': tail_ids, 'rel_labels': rel_labels,
        'rel_emb': rel_emb, 'W6': W6, 'b6': b6, 'Wr': Wr, 'br': br, 'Wf': Wf, 'bf': bf,
    }


def reference(edge_index, edge_type, head_ids, tail_ids, rel_labels,
              rel_emb, W6, b6, Wr, br, Wf, bf):
    src = edge_index[0]
    dst = edge_index[1]
    # edge relation embeddings (rel_emb lookup per edge type)
    h = jnp.take(rel_emb, edge_type, axis=0)  # [E, DIM]
    # six per-link-mode linear transforms (fc_reld2[i])
    f0 = h @ W6[0] + b6[0]
    f1 = h @ W6[1] + b6[1]
    f2 = h @ W6[2] + b6[2]
    f3 = h @ W6[3] + b6[3]
    f4 = h @ W6[4] + b6[4]
    f5 = h @ W6[5] + b6[5]
    # incidence aggregation: sparse_mm(M_i, fc_i(h)) realized as segment_sum + gather
    cat1 = jax.ops.segment_sum(f0, dst, num_segments=N_NODES)[head_ids]  # in_edge_out
    cat2 = jax.ops.segment_sum(f1, src, num_segments=N_NODES)[head_ids]  # out_edge_out
    cat3 = jax.ops.segment_sum(f2, dst, num_segments=N_NODES)[tail_ids]  # in_edge_in
    cat4 = jax.ops.segment_sum(f3, src, num_segments=N_NODES)[tail_ids]  # out_edge_in
    # mode5: src==u and dst==v ; mode6: dst==u and src==v
    m5 = ((src[None, :] == head_ids[:, None]) & (dst[None, :] == tail_ids[:, None])).astype(jnp.float32)
    m6 = ((dst[None, :] == head_ids[:, None]) & (src[None, :] == tail_ids[:, None])).astype(jnp.float32)
    # subtract overlap modes from the four directional incidences (matches .sub in torch)
    cat1 = cat1 - m6 @ f0
    cat2 = cat2 - m5 @ f1
    cat3 = cat3 - m5 @ f2
    cat4 = cat4 - m6 @ f3
    cat5 = m5 @ f4
    cat6 = m6 @ f5
    agg = cat1 + cat2 + cat3 + cat4 + cat5 + cat6  # [B, DIM]
    agg = jax.nn.leaky_relu(agg, negative_slope=0.2)
    target_rel = jnp.take(rel_emb, rel_labels, axis=0) @ Wr + br  # fc_reld(rel_emb(rel_labels))
    rep = target_rel + agg
    scores = rep @ Wf + bf  # fc_layer -> [B, 1]
    return scores

if __name__ == "__main__":
    import jax
    _d = setup_inputs()
    print(jax.jit(kernel)(*tuple(_d.values())))

</pallas_src>

<mosaic_0001>
#map = affine_map<(d0, d1) -> (0)>
module attributes {stable_mosaic.version = 14 : i64} {
  func.func @_sc_hist_body(%arg0: i32, %arg1: i32, %arg2: memref<1600000xi32, #tpu.memory_space<hbm>>, %arg3: memref<800000xi32, #tpu.memory_space<hbm>>, %arg4: memref<288xi32, #tpu.memory_space<hbm>>, %arg5: memref<917504xf32, #tpu.memory_space<hbm>>, %arg6: memref<50000xi32, #tpu.memory_space<vmem>>, %arg7: memref<28672xf32, #tpu.memory_space<vmem>>, %arg8: memref<4240xi32, #tpu.memory_space<vmem>>, %arg9: memref<288xi32, #tpu.memory_space<vmem>>, %arg10: memref<12512xi32, #tpu.memory_space<vmem>>, %arg11: memref<12512xi32, #tpu.memory_space<vmem>>, %arg12: memref<12512xi32, #tpu.memory_space<vmem>>, %arg13: memref<!tpu.dma_semaphore, #tpu.memory_space<semaphore_mem>>) attributes {dimension_semantics = [#tpu.dimension_semantics<core_parallel>, #tpu.dimension_semantics<subcore_parallel>], iteration_bounds = array<i64: 2, 16>, scalar_prefetch = 0 : i64, scratch_operands = 8 : i64, tpu.core_type = #tpu.core_type<sc_vector_subcore>, window_params = [{transform_indices = #map}, {transform_indices = #map}, {transform_indices = #map}, {transform_indices = #map}]} {
    %mul3A = arith.constant 2 : i32
    %mul3A_0 = arith.muli %arg1, %mul3A : i32
    %add3A = arith.addi %mul3A_0, %arg0 : i32
    %broadcast_in_dim3A = arith.constant 0 : i32
    %broadcast_in_dim3A_1 = vector.broadcast %broadcast_in_dim3A : i32 to vector<16xi32>
    %broadcast_in_dim3A_2 = arith.constant 0.000000e+00 : f32
    %broadcast_in_dim3A_3 = vector.broadcast %broadcast_in_dim3A_2 : f32 to vector<16xf32>
    %broadcast_in_dim3A_4 = arith.constant 1.000000e+00 : f32
    %broadcast_in_dim3A_5 = vector.broadcast %broadcast_in_dim3A_4 : f32 to vector<16xf32>
    %iota3A = tpu.iota {dimensions = array<i32: 0>} : vector<16xi32>
    %mul3A_6 = arith.constant 25000 : i32
    %mul3A_7 = arith.muli %add3A, %mul3A_6 : i32
    %add3A_8 = arith.constant 0 : i32
    %add3A_9 = arith.addi %mul3A_7, %add3A_8 : i32
    %dma_start3A = arith.constant 0 : i32
    %dma_start3A_10 = tpu.memref_slice %arg10[%dma_start3A] : memref<12512xi32, #tpu.memory_space<vmem>> -> memref<6256xi32, #tpu.memory_space<vmem>>
    %dma_start3A_11 = tpu.memref_slice %arg2[%add3A_9] : memref<1600000xi32, #tpu.memory_space<hbm>> -> memref<6256xi32, #tpu.memory_space<hbm>>
    %dma_start3A_12 = arith.constant 0 : i32
    %dma_start3A_13 = tpu.memref_slice %arg10[%dma_start3A_12] : memref<12512xi32, #tpu.memory_space<vmem>> -> memref<6256xi32, #tpu.memory_space<vmem>>
    %dma_start3A_14 = tpu.memref_slice %arg2[%add3A_9] : memref<1600000xi32, #tpu.memory_space<hbm>> -> memref<6256xi32, #tpu.memory_space<hbm>>
    tpu.enqueue_dma source(%dma_start3A_14 : memref<6256xi32, #tpu.memory_space<hbm>>) target(%dma_start3A_13 : memref<6256xi32, #tpu.memory_space<vmem>>) target_semaphore(%arg13 : memref<!tpu.dma_semaphore, #tpu.memory_space<semaphore_mem>>)
    %add3A_15 = arith.constant 800000 : i32
    %add3A_16 = arith.addi %add3A_15, %add3A_9 : i32
    %dma_start3A_17 = arith.constant 0 : i32
    %dma_start3A_18 = tpu.memref_slice %arg11[%dma_start3A_17] : memref<12512xi32, #tpu.memory_space<vmem>> -> memref<6256xi32, #tpu.memory_space<vmem>>
    %dma_start3A_19 = tpu.memref_slice %arg2[%add3A_16] : memref<1600000xi32, #tpu.memory_space<hbm>> -> memref<6256xi32, #tpu.memory_space<hbm>>
    %dma_start3A_20 = arith.constant 0 : i32
    %dma_start3A_21 = tpu.memref_slice %arg11[%dma_start3A_20] : memref<12512xi32, #tpu.memory_space<vmem>> -> memref<6256xi32, #tpu.memory_space<vmem>>
    %dma_start3A_22 = tpu.memref_slice %arg2[%add3A_16] : memref<1600000xi32, #tpu.memory_space<hbm>> -> memref<6256xi32, #tpu.memory_space<hbm>>
    tpu.enqueue_dma source(%dma_start3A_22 : memref<6256xi32, #tpu.memory_space<hbm>>) target(%dma_start3A_21 : memref<6256xi32, #tpu.memory_space<vmem>>) target_semaphore(%arg13 : memref<!tpu.dma_semaphore, #tpu.memory_space<semaphore_mem>>)
    %dma_start3A_23 = arith.constant 0 : i32
    %dma_start3A_24 = tpu.memref_slice %arg12[%dma_start3A_23] : memref<12512xi32, #tpu.memory_space<vmem>> -> memref<6256xi32, #tpu.memory_space<vmem>>
    %dma_start3A_25 = tpu.memref_slice %arg3[%add3A_9] : memref<800000xi32, #tpu.memory_space<hbm>> -> memref<6256xi32, #tpu.memory_space<hbm>>
    %dma_start3A_26 = arith.constant 0 : i32
    %dma_start3A_27 = tpu.memref_slice %arg12[%dma_start3A_26] : memref<12512xi32, #tpu.memory_space<vmem>> -> memref<6256xi32, #tpu.memory_space<vmem>>
    %dma_start3A_28 = tpu.memref_slice %arg3[%add3A_9] : memref<800000xi32, #tpu.memory_space<hbm>> -> memref<6256xi32, #tpu.memory_space<hbm>>
    tpu.enqueue_dma source(%dma_start3A_28 : memref<6256xi32, #tpu.memory_space<hbm>>) target(%dma_start3A_27 : memref<6256xi32, #tpu.memory_space<vmem>>) target_semaphore(%arg13 : memref<!tpu.dma_semaphore, #tpu.memory_space<semaphore_mem>>)
    %add3A_29 = arith.constant 6256 : i32
    %add3A_30 = arith.addi %mul3A_7, %add3A_29 : i32
    %dma_start3A_31 = arith.constant 6256 : i32
    %dma_start3A_32 = tpu.memref_slice %arg10[%dma_start3A_31] : memref<12512xi32, #tpu.memory_space<vmem>> -> memref<6248xi32, #tpu.memory_space<vmem>>
    %dma_start3A_33 = tpu.memref_slice %arg2[%add3A_30] : memref<1600000xi32, #tpu.memory_space<hbm>> -> memref<6248xi32, #tpu.memory_space<hbm>>
    %dma_start3A_34 = arith.constant 6256 : i32
    %dma_start3A_35 = tpu.memref_slice %arg10[%dma_start3A_34] : memref<12512xi32, #tpu.memory_space<vmem>> -> memref<6248xi32, #tpu.memory_space<vmem>>
    %dma_start3A_36 = tpu.memref_slice %arg2[%add3A_30] : memref<1600000xi32, #tpu.memory_space<hbm>> -> memref<6248xi32, #tpu.memory_space<hbm>>
    tpu.enqueue_dma source(%dma_start3A_36 : memref<6248xi32, #tpu.memory_space<hbm>>) target(%dma_start3A_35 : memref<6248xi32, #tpu.memory_space<vmem>>) target_semaphore(%arg13 : memref<!tpu.dma_semaphore, #tpu.memory_space<semaphore_mem>>)
    %add3A_37 = arith.constant 800000 : i32
    %add3A_38 = arith.addi %add3A_37, %add3A_30 : i32
    %dma_start3A_39 = arith.constant 6256 : i32
    %dma_start3A_40 = tpu.memref_slice %arg11[%dma_start3A_39] : memref<12512xi32, #tpu.memory_space<vmem>> -> memref<6248xi32, #tpu.memory_space<vmem>>
    %dma_start3A_41 = tpu.memref_slice %arg2[%add3A_38] : memref<1600000xi32, #tpu.memory_space<hbm>> -> memref<6248xi32, #tpu.memory_space<hbm>>
    %dma_start3A_42 = arith.constant 6256 : i32
    %dma_start3A_43 = tpu.memref_slice %arg11[%dma_start3A_42] : memref<12512xi32, #tpu.memory_space<vmem>> -> memref<6248xi32, #tpu.memory_space<vmem>>
    %dma_start3A_44 = tpu.memref_slice %arg2[%add3A_38] : memref<1600000xi32, #tpu.memory_space<hbm>> -> memref<6248xi32, #tpu.memory_space<hbm>>
    tpu.enqueue_dma source(%dma_start3A_44 : memref<6248xi32, #tpu.memory_space<hbm>>) target(%dma_start3A_43 : memref<6248xi32, #tpu.memory_space<vmem>>) target_semaphore(%arg13 : memref<!tpu.dma_semaphore, #tpu.memory_space<semaphore_mem>>)
    %dma_start3A_45 = arith.constant 6256 : i32
    %dma_start3A_46 = tpu.memref_slice %arg12[%dma_start3A_45] : memref<12512xi32, #tpu.memory_space<vmem>> -> memref<6248xi32, #tpu.memory_space<vmem>>
    %dma_start3A_47 = tpu.memref_slice %arg3[%add3A_30] : memref<800000xi32, #tpu.memory_space<hbm>> -> memref<6248xi32, #tpu.memory_space<hbm>>
    %dma_start3A_48 = arith.constant 6256 : i32
    %dma_start3A_49 = tpu.memref_slice %arg12[%dma_start3A_48] : memref<12512xi32, #tpu.memory_space<vmem>> -> memref<6248xi32, #tpu.memory_space<vmem>>
    %dma_start3A_50 = tpu.memref_slice %arg3[%add3A_30] : memref<800000xi32, #tpu.memory_space<hbm>> -> memref<6248xi32, #tpu.memory_space<hbm>>
    tpu.enqueue_dma source(%dma_start3A_50 : memref<6248xi32, #tpu.memory_space<hbm>>) target(%dma_start3A_49 : memref<6248xi32, #tpu.memory_space<vmem>>) target_semaphore(%arg13 : memref<!tpu.dma_semaphore, #tpu.memory_space<semaphore_mem>>)
    %scan3A = arith.constant 0 : i32
    %scan3A_51 = arith.constant 0 : i32
    %scan3A_52 = arith.constant 3120 : i32
    %scan3A_53 = arith.addi %scan3A_51, %scan3A_52 : i32
    %scan3A_54 = arith.constant 8 : i32
    scf.for %scan3A_500 = %scan3A_51 to %scan3A_53 step %scan3A_54  : i32 {
      %mul3A_501 = arith.constant 16 : i32
      %mul3A_502 = arith.muli %scan3A_500, %mul3A_501 : i32
      %swap3A_503 = arith.index_cast %mul3A_502 : i32 to index
      %swap3A_504 = tpu.vector_load %arg6[%swap3A_503] {strides = array<i32>} : memref<50000xi32, #tpu.memory_space<vmem>>, vector<16xi32>,
      tpu.vector_store %arg6[%swap3A_503], %broadcast_in_dim3A_1 {strides = array<i32>} : memref<50000xi32, #tpu.memory_space<vmem>>, vector<16xi32>,
      %scan3A_505 = arith.constant 1 : i32
      %scan3A_506 = arith.addi %scan3A_500, %scan3A_505 : i32
      %mul3A_507 = arith.constant 16 : i32
      %mul3A_508 = arith.muli %scan3A_506, %mul3A_507 : i32
      %swap3A_509 = arith.index_cast %mul3A_508 : i32 to index
      %swap3A_510 = tpu.vector_load %arg6[%swap3A_509] {strides = array<i32>} : memref<50000xi32, #tpu.memory_space<vmem>>, vector<16xi32>,
      tpu.vector_store %arg6[%swap3A_509], %broadcast_in_dim3A_1 {strides = array<i32>} : memref<50000xi32, #tpu.memory_space<vmem>>, vector<16xi32>,
      %scan3A_511 = arith.constant 2 : i32
      %scan3A_512 = arith.addi %scan3A_500, %scan3A_511 : i32
      %mul3A_513 = arith.constant 16 : i32
      %mul3A_514 = arith.muli %scan3A_512, %mul3A_513 : i32
      %swap3A_515 = arith.index_cast %mul3A_514 : i32 to index
      %swap3A_516 = tpu.vector_load %arg6[%swap3A_515] {strides = array<i32>} : memref<50000xi32, #tpu.memory_space<vmem>>, vector<16xi32>,
      tpu.vector_store %arg6[%swap3A_515], %broadcast_in_dim3A_1 {strides = array<i32>} : memref<50000xi32, #tpu.memory_space<vmem>>, vector<16xi32>,
      %scan3A_517 = arith.constant 3 : i32
      %scan3A_518 = arith.addi %scan3A_500, %scan3A_517 : i32
      %mul3A_519 = arith.constant 16 : i32
      %mul3A_520 = arith.muli %scan3A_518, %mul3A_519 : i32
      %swap3A_521 = arith.index_cast %mul3A_520 : i32 to index
      %swap3A_522 = tpu.vector_load %arg6[%swap3A_521] {strides = array<i32>} : memref<50000xi32, #tpu.memory_space<vmem>>, vector<16xi32>,
      tpu.vector_store %arg6[%swap3A_521], %broadcast_in_dim3A_1 {strides = array<i32>} : memref<50000xi32, #tpu.memory_space<vmem>>, vector<16xi32>,
      %scan3A_523 = arith.constant 4 : i32
      %scan3A_524 = arith.addi %scan3A_500, %scan3A_523 : i32
      %mul3A_525 = arith.constant 16 : i32
      %mul3A_526 = arith.muli %scan3A_524, %mul3A_525 : i32
      %swap3A_527 = arith.index_cast %mul3A_526 : i32 to index
      %swap3A_528 = tpu.vector_load %arg6[%swap3A_527] {strides = array<i32>} : memref<50000xi32, #tpu.memory_space<vmem>>, vector<16xi32>,
      tpu.vector_store %arg6[%swap3A_527], %broadcast_in_dim3A_1 {strides = array<i32>} : memref<50000xi32, #tpu.memory_space<vmem>>, vector<16xi32>,
      %scan3A_529 = arith.constant 5 : i32
      %scan3A_530 = arith.addi %scan3A_500, %scan3A_529 : i32
      %mul3A_531 = arith.constant 16 : i32
      %mul3A_532 = arith.muli %scan3A_530, %mul3A_531 : i32
      %swap3A_533 = arith.index_cast %mul3A_532 : i32 to index
      %swap3A_534 = tpu.vector_load %arg6[%swap3A_533] {strides = array<i32>} : memref<50000xi32, #tpu.memory_space<vmem>>, vector<16xi32>,
      tpu.vector_store %arg6[%swap3A_533], %broadcast_in_dim3A_1 {strides = array<i32>} : memref<50000xi32, #tpu.memory_space<vmem>>, vector<16xi32>,
      %scan3A_535 = arith.constant 6 : i32
      %scan3A_536 = arith.addi %scan3A_500, %scan3A_535 : i32
      %mul3A_537 = arith.constant 16 : i32
      %mul3A_538 = arith.muli %scan3A_536, %mul3A_537 : i32
      %swap3A_539 = arith.index_cast %mul3A_538 : i32 to index
      %swap3A_540 = tpu.vector_load %arg6[%swap3A_539] {strides = array<i32>} : memref<50000xi32, #tpu.memory_space<vmem>>, vector<16xi32>,
      tpu.vector_store %arg6[%swap3A_539], %broadcast_in_dim3A_1 {strides = array<i32>} : memref<50000xi32, #tpu.memory_space<vmem>>, vector<16xi32>,
      %scan3A_541 = arith.constant 7 : i32
      %scan3A_542 = arith.addi %scan3A_500, %scan3A_541 : i32
      %mul3A_543 = arith.constant 16 : i32
      %mul3A_544 = arith.muli %scan3A_542, %mul3A_543 : i32
      %swap3A_545 = arith.index_cast %mul3A_544 : i32 to index
      %swap3A_546 = tpu.vector_load %arg6[%swap3A_545] {strides = array<i32>} : memref<50000xi32, #tpu.memory_space<vmem>>, vector<16xi32>,
      tpu.vector_store %arg6[%swap3A_545], %broadcast_in_dim3A_1 {strides = array<i32>} : memref<50000xi32, #tpu.memory_space<vmem>>, vector<16xi32>,
    }
    %scan3A_55 = arith.constant 3120 : i32
    %scan3A_56 = arith.addi %scan3A_51, %scan3A_55 : i32
    %mul3A_57 = arith.constant 16 : i32
    %mul3A_58 = arith.muli %scan3A_56, %mul3A_57 : i32
    %swap3A = arith.index_cast %mul3A_58 : i32 to index
    %swap3A_59 = tpu.vector_load %arg6[%swap3A] {strides = array<i32>} : memref<50000xi32, #tpu.memory_space<vmem>>, vector<16xi32>,
    tpu.vector_store %arg6[%swap3A], %broadcast_in_dim3A_1 {strides = array<i32>} : memref<50000xi32, #tpu.memory_space<vmem>>, vector<16xi32>,
    %scan3A_60 = arith.constant 3121 : i32
    %scan3A_61 = arith.addi %scan3A_51, %scan3A_60 : i32
    %mul3A_62 = arith.constant 16 : i32
    %mul3A_63 = arith.muli %scan3A_61, %mul3A_62 : i32
    %swap3A_64 = arith.index_cast %mul3A_63 : i32 to index
    %swap3A_65 = tpu.vector_load %arg6[%swap3A_64] {strides = array<i32>} : memref<50000xi32, #tpu.memory_space<vmem>>, vector<16xi32>,
    tpu.vector_store %arg6[%swap3A_64], %broadcast_in_dim3A_1 {strides = array<i32>} : memref<50000xi32, #tpu.memory_space<vmem>>, vector<16xi32>,
    %scan3A_66 = arith.constant 3122 : i32
    %scan3A_67 = arith.addi %scan3A_51, %scan3A_66 : i32
    %mul3A_68 = arith.constant 16 : i32
    %mul3A_69 = arith.muli %scan3A_67, %mul3A_68 : i32
    %swap3A_70 = arith.index_cast %mul3A_69 : i32 to index
    %swap3A_71 = tpu.vector_load %arg6[%swap3A_70] {strides = array<i32>} : memref<50000xi32, #tpu.memory_space<vmem>>, vector<16xi32>,
    tpu.vector_store %arg6[%swap3A_70], %broadcast_in_dim3A_1 {strides = array<i32>} : memref<50000xi32, #tpu.memory_space<vmem>>, vector<16xi32>,
    %scan3A_72 = arith.constant 3123 : i32
    %scan3A_73 = arith.addi %scan3A_51, %scan3A_72 : i32
    %mul3A_74 = arith.constant 16 : i32
    %mul3A_75 = arith.muli %scan3A_73, %mul3A_74 : i32
    %swap3A_76 = arith.index_cast %mul3A_75 : i32 to index
    %swap3A_77 = tpu.vector_load %arg6[%swap3A_76] {strides = array<i32>} : memref<50000xi32, #tpu.memory_space<vmem>>, vector<16xi32>,
    tpu.vector_store %arg6[%swap3A_76], %broadcast_in_dim3A_1 {strides = array<i32>} : memref<50000xi32, #tpu.memory_space<vmem>>, vector<16xi32>,
    %scan3A_78 = arith.constant 3124 : i32
    %scan3A_79 = arith.addi %scan3A_51, %scan3A_78 : i32
    %mul3A_80 = arith.constant 16 : i32
    %mul3A_81 = arith.muli %scan3A_79, %mul3A_80 : i32
    %swap3A_82 = arith.index_cast %mul3A_81 : i32 to index
    %swap3A_83 = tpu.vector_load %arg6[%swap3A_82] {strides = array<i32>} : memref<50000xi32, #tpu.memory_space<vmem>>, vector<16xi32>,
    tpu.vector_store %arg6[%swap3A_82], %broadcast_in_dim3A_1 {strides = array<i32>} : memref<50000xi32, #tpu.memory_space<vmem>>, vector<16xi32>,
    %scan3A_84 = arith.constant 3125 : i32
    %scan3A_85 = arith.constant 0 : i32
    %scan3A_86 = arith.constant 0 : i32
    %scan3A_87 = arith.constant 264 : i32
    %scan3A_88 = arith.addi %scan3A_86, %scan3A_87 : i32
    %scan3A_89 = arith.constant 8 : i32
    scf.for %scan3A_500 = %scan3A_86 to %scan3A_88 step %scan3A_89  : i32 {
      %mul3A_501 = arith.constant 16 : i32
      %mul3A_502 = arith.muli %scan3A_500, %mul3A_501 : i32
      %swap3A_503 = arith.index_cast %mul3A_502 : i32 to index
      %swap3A_504 = tpu.vector_load %arg8[%swap3A_503] {strides = array<i32>} : memref<4240xi32, #tpu.memory_space<vmem>>, vector<16xi32>,
      tpu.vector_store %arg8[%swap3A_503], %broadcast_in_dim3A_1 {strides = array<i32>} : memref<4240xi32, #tpu.memory_space<vmem>>, vector<16xi32>,
      %scan3A_505 = arith.constant 1 : i32
      %scan3A_506 = arith.addi %scan3A_500, %scan3A_505 : i32
      %mul3A_507 = arith.constant 16 : i32
      %mul3A_508 = arith.muli %scan3A_506, %mul3A_507 : i32
      %swap3A_509 = arith.index_cast %mul3A_508 : i32 to index
      %swap3A_510 = tpu.vector_load %arg8[%swap3A_509] {strides = array<i32>} : memref<4240xi32, #tpu.memory_space<vmem>>, vector<16xi32>,
      tpu.vector_store %arg8[%swap3A_509], %broadcast_in_dim3A_1 {strides = array<i32>} : memref<4240xi32, #tpu.memory_space<vmem>>, vector<16xi32>,
      %scan3A_511 = arith.constant 2 : i32
      %scan3A_512 = arith.addi %scan3A_500, %scan3A_511 : i32
      %mul3A_513 = arith.constant 16 : i32
      %mul3A_514 = arith.muli %scan3A_512, %mul3A_513 : i32
      %swap3A_515 = arith.index_cast %mul3A_514 : i32 to index
      %swap3A_516 = tpu.vector_load %arg8[%swap3A_515] {strides = array<i32>} : memref<4240xi32, #tpu.memory_space<vmem>>, vector<16xi32>,
      tpu.vector_store %arg8[%swap3A_515], %broadcast_in_dim3A_1 {strides = array<i32>} : memref<4240xi32, #tpu.memory_space<vmem>>, vector<16xi32>,
      %scan3A_517 = arith.constant 3 : i32
      %scan3A_518 = arith.addi %scan3A_500, %scan3A_517 : i32
      %mul3A_519 = arith.constant 16 : i32
      %mul3A_520 = arith.muli %scan3A_518, %mul3A_519 : i32
      %swap3A_521 = arith.index_cast %mul3A_520 : i32 to index
      %swap3A_522 = tpu.vector_load %arg8[%swap3A_521] {strides = array<i32>} : memref<4240xi32, #tpu.memory_space<vmem>>, vector<16xi32>,
      tpu.vector_store %arg8[%swap3A_521], %broadcast_in_dim3A_1 {strides = array<i32>} : memref<4240xi32, #tpu.memory_space<vmem>>, vector<16xi32>,
      %scan3A_523 = arith.constant 4 : i32
      %scan3A_524 = arith.addi %scan3A_500, %scan3A_523 : i32
      %mul3A_525 = arith.constant 16 : i32
      %mul3A_526 = arith.muli %scan3A_524, %mul3A_525 : i32
      %swap3A_527 = arith.index_cast %mul3A_526 : i32 to index
      %swap3A_528 = tpu.vector_load %arg8[%swap3A_527] {strides = array<i32>} : memref<4240xi32, #tpu.memory_space<vmem>>, vector<16xi32>,
      tpu.vector_store %arg8[%swap3A_527], %broadcast_in_dim3A_1 {strides = array<i32>} : memref<4240xi32, #tpu.memory_space<vmem>>, vector<16xi32>,
      %scan3A_529 = arith.constant 5 : i32
      %scan3A_530 = arith.addi %scan3A_500, %scan3A_529 : i32
      %mul3A_531 = arith.constant 16 : i32
      %mul3A_532 = arith.muli %scan3A_530, %mul3A_531 : i32
      %swap3A_533 = arith.index_cast %mul3A_532 : i32 to index
      %swap3A_534 = tpu.vector_load %arg8[%swap3A_533] {strides = array<i32>} : memref<4240xi32, #tpu.memory_space<vmem>>, vector<16xi32>,
      tpu.vector_store %arg8[%swap3A_533], %broadcast_in_dim3A_1 {strides = array<i32>} : memref<4240xi32, #tpu.memory_space<vmem>>, vector<16xi32>,
      %scan3A_535 = arith.constant 6 : i32
      %scan3A_536 = arith.addi %scan3A_500, %scan3A_535 : i32
      %mul3A_537 = arith.constant 16 : i32
      %mul3A_538 = arith.muli %scan3A_536, %mul3A_537 : i32
      %swap3A_539 = arith.index_cast %mul3A_538 : i32 to index
      %swap3A_540 = tpu.vector_load %arg8[%swap3A_539] {strides = array<i32>} : memref<4240xi32, #tpu.memory_space<vmem>>, vector<16xi32>,
      tpu.vector_store %arg8[%swap3A_539], %broadcast_in_dim3A_1 {strides = array<i32>} : memref<4240xi32, #tpu.memory_space<vmem>>, vector<16xi32>,
      %scan3A_541 = arith.constant 7 : i32
      %scan3A_542 = arith.addi %scan3A_500, %scan3A_541 : i32
      %mul3A_543 = arith.constant 16 : i32
      %mul3A_544 = arith.muli %scan3A_542, %mul3A_543 : i32
      %swap3A_545 = arith.index_cast %mul3A_544 : i32 to index
      %swap3A_546 = tpu.vector_load %arg8[%swap3A_545] {strides = array<i32>} : memref<4240xi32, #tpu.memory_space<vmem>>, vector<16xi32>,
      tpu.vector_store %arg8[%swap3A_545], %broadcast_in_dim3A_1 {strides = array<i32>} : memref<4240xi32, #tpu.memory_space<vmem>>, vector<16xi32>,
    }
    %scan3A_90 = arith.constant 264 : i32
    %scan3A_91 = arith.addi %scan3A_86, %scan3A_90 : i32
    %mul3A_92 = arith.constant 16 : i32
    %mul3A_93 = arith.muli %scan3A_91, %mul3A_92 : i32
    %swap3A_94 = arith.index_cast %mul3A_93 : i32 to index
    %swap3A_95 = tpu.vector_load %arg8[%swap3A_94] {strides = array<i32>} : memref<4240xi32, #tpu.memory_space<vmem>>, vector<16xi32>,
    tpu.vector_store %arg8[%swap3A_94], %broadcast_in_dim3A_1 {strides = array<i32>} : memref<4240xi32, #tpu.memory_space<vmem>>, vector<16xi32>,
    %scan3A_96 = arith.constant 265 : i32
    %scan3A_97 = arith.constant 0 : i32
    %scan3A_98 = arith.constant 0 : i32
    %scan3A_99 = arith.constant 1792 : i32
    %scan3A_100 = arith.addi %scan3A_98, %scan3A_99 : i32
    %scan3A_101 = arith.constant 8 : i32
    scf.for %scan3A_500 = %scan3A_98 to %scan3A_100 step %scan3A_101  : i32 {
      %mul3A_501 = arith.constant 16 : i32
      %mul3A_502 = arith.muli %scan3A_500, %mul3A_501 : i32
      %swap3A_503 = arith.index_cast %mul3A_502 : i32 to index
      %swap3A_504 = tpu.vector_load %arg7[%swap3A_503] {strides = array<i32>} : memref<28672xf32, #tpu.memory_space<vmem>>, vector<16xf32>,
      tpu.vector_store %arg7[%swap3A_503], %broadcast_in_dim3A_3 {strides = array<i32>} : memref<28672xf32, #tpu.memory_space<vmem>>, vector<16xf32>,
      %scan3A_505 = arith.constant 1 : i32
      %scan3A_506 = arith.addi %scan3A_500, %scan3A_505 : i32
      %mul3A_507 = arith.constant 16 : i32
      %mul3A_508 = arith.muli %scan3A_506, %mul3A_507 : i32
      %swap3A_509 = arith.index_cast %mul3A_508 : i32 to index
      %swap3A_510 = tpu.vector_load %arg7[%swap3A_509] {strides = array<i32>} : memref<28672xf32, #tpu.memory_space<vmem>>, vector<16xf32>,
      tpu.vector_store %arg7[%swap3A_509], %broadcast_in_dim3A_3 {strides = array<i32>} : memref<28672xf32, #tpu.memory_space<vmem>>, vector<16xf32>,
      %scan3A_511 = arith.constant 2 : i32
      %scan3A_512 = arith.addi %scan3A_500, %scan3A_511 : i32
      %mul3A_513 = arith.constant 16 : i32
      %mul3A_514 = arith.muli %scan3A_512, %mul3A_513 : i32
      %swap3A_515 = arith.index_cast %mul3A_514 : i32 to index
      %swap3A_516 = tpu.vector_load %arg7[%swap3A_515] {strides = array<i32>} : memref<28672xf32, #tpu.memory_space<vmem>>, vector<16xf32>,
      tpu.vector_store %arg7[%swap3A_515], %broadcast_in_dim3A_3 {strides = array<i32>} : memref<28672xf32, #tpu.memory_space<vmem>>, vector<16xf32>,
      %scan3A_517 = arith.constant 3 : i32
      %scan3A_518 = arith.addi %scan3A_500, %scan3A_517 : i32
      %mul3A_519 = arith.constant 16 : i32
      %mul3A_520 = arith.muli %scan3A_518, %mul3A_519 : i32
      %swap3A_521 = arith.index_cast %mul3A_520 : i32 to index
      %swap3A_522 = tpu.vector_load %arg7[%swap3A_521] {strides = array<i32>} : memref<28672xf32, #tpu.memory_space<vmem>>, vector<16xf32>,
      tpu.vector_store %arg7[%swap3A_521], %broadcast_in_dim3A_3 {strides = array<i32>} : memref<28672xf32, #tpu.memory_space<vmem>>, vector<16xf32>,
      %scan3A_523 = arith.constant 4 : i32
      %scan3A_524 = arith.addi %scan3A_500, %scan3A_523 : i32
      %mul3A_525 = arith.constant 16 : i32
      %mul3A_526 = arith.muli %scan3A_524, %mul3A_525 : i32
      %swap3A_527 = arith.index_cast %mul3A_526 : i32 to index
      %swap3A_528 = tpu.vector_load %arg7[%swap3A_527] {strides = array<i32>} : memref<28672xf32, #tpu.memory_space<vmem>>, vector<16xf32>,
      tpu.vector_store %arg7[%swap3A_527], %broadcast_in_dim3A_3 {strides = array<i32>} : memref<28672xf32, #tpu.memory_space<vmem>>, vector<16xf32>,
      %scan3A_529 = arith.constant 5 : i32
      %scan3A_530 = arith.addi %scan3A_500, %scan3A_529 : i32
      %mul3A_531 = arith.constant 16 : i32
      %mul3A_532 = arith.muli %scan3A_530, %mul3A_531 : i32
      %swap3A_533 = arith.index_cast %mul3A_532 : i32 to index
      %swap3A_534 = tpu.vector_load %arg7[%swap3A_533] {strides = array<i32>} : memref<28672xf32, #tpu.memory_space<vmem>>, vector<16xf32>,
      tpu.vector_store %arg7[%swap3A_533], %broadcast_in_dim3A_3 {strides = array<i32>} : memref<28672xf32, #tpu.memory_space<vmem>>, vector<16xf32>,
      %scan3A_535 = arith.constant 6 : i32
      %scan3A_536 = arith.addi %scan3A_500, %scan3A_535 : i32
      %mul3A_537 = arith.constant 16 : i32
      %mul3A_538 = arith.muli %scan3A_536, %mul3A_537 : i32
      %swap3A_539 = arith.index_cast %mul3A_538 : i32 to index
      %swap3A_540 = tpu.vector_load %arg7[%swap3A_539] {strides = array<i32>} : memref<28672xf32, #tpu.memory_space<vmem>>, vector<16xf32>,
      tpu.vector_store %arg7[%swap3A_539], %broadcast_in_dim3A_3 {strides = array<i32>} : memref<28672xf32, #tpu.memory_space<vmem>>, vector<16xf32>,
      %scan3A_541 = arith.constant 7 : i32
      %scan3A_542 = arith.addi %scan3A_500, %scan3A_541 : i32
      %mul3A_543 = arith.constant 16 : i32
      %mul3A_544 = arith.muli %scan3A_542, %mul3A_543 : i32
      %swap3A_545 = arith.index_cast %mul3A_544 : i32 to index
      %swap3A_546 = tpu.vector_load %arg7[%swap3A_545] {strides = array<i32>} : memref<28672xf32, #tpu.memory_space<vmem>>, vector<16xf32>,
      tpu.vector_store %arg7[%swap3A_545], %broadcast_in_dim3A_3 {strides = array<i32>} : memref<28672xf32, #tpu.memory_space<vmem>>, vector<16xf32>,
    }
    %scan3A_102 = arith.constant 1792 : i32
    "tpu.region"() ({
      %run_scoped3A = tpu.sem_alloc : memref<!tpu.dma_semaphore, #tpu.memory_space<semaphore_mem>>
      tpu.enqueue_dma source(%arg4 : memref<288xi32, #tpu.memory_space<hbm>>) target(%arg9 : memref<288xi32, #tpu.memory_space<vmem>>) target_semaphore(%run_scoped3A : memref<!tpu.dma_semaphore, #tpu.memory_space<semaphore_mem>>)
      tpu.wait_dma2 semaphore(%run_scoped3A : memref<!tpu.dma_semaphore, #tpu.memory_space<semaphore_mem>>) src(%arg4 : memref<288xi32, #tpu.memory_space<hbm>>) dst(%arg9 : memref<288xi32, #tpu.memory_space<vmem>>)
      tpu.yield
    }) : () -> ()
    %get3A = arith.constant 0 : index
    %get3A_103 = tpu.vector_load %arg9[%get3A] {strides = array<i32>} : memref<288xi32, #tpu.memory_space<vmem>>, vector<16xi32>,
    %get3A_104 = arith.constant 64 : index
    %get3A_105 = tpu.vector_load %arg9[%get3A_104] {strides = array<i32>} : memref<288xi32, #tpu.memory_space<vmem>>, vector<16xi32>,
    %get3A_106 = arith.constant 192 : index
    %get3A_107 = tpu.vector_load %arg9[%get3A_106] {strides = array<i32>} : memref<288xi32, #tpu.memory_space<vmem>>, vector<16xi32>,
    %gt3A = arith.constant 0 : i32
    %gt3A_108 = vector.broadcast %gt3A : i32 to vector<16xi32>
    %gt3A_109 = arith.cmpi sgt, %get3A_107, %gt3A_108 : vector<16xi32>
    tpu.vector_store_idx %arg6[%get3A_103], %get3A_105 masked %gt3A_109 {add = true} : memref<50000xi32, #tpu.memory_space<vmem>>[vector<16xi32>], vector<16xi32>, vector<16xi1>
    %get3A_110 = arith.constant 16 : index
    %get3A_111 = tpu.vector_load %arg9[%get3A_110] {strides = array<i32>} : memref<288xi32, #tpu.memory_space<vmem>>, vector<16xi32>,
    %get3A_112 = arith.constant 80 : index
    %get3A_113 = tpu.vector_load %arg9[%get3A_112] {strides = array<i32>} : memref<288xi32, #tpu.memory_space<vmem>>, vector<16xi32>,
    %get3A_114 = arith.constant 208 : index
    %get3A_115 = tpu.vector_load %arg9[%get3A_114] {strides = array<i32>} : memref<288xi32, #tpu.memory_space<vmem>>, vector<16xi32>,
    %gt3A_116 = arith.constant 0 : i32
    %gt3A_117 = vector.broadcast %gt3A_116 : i32 to vector<16xi32>
    %gt3A_118 = arith.cmpi sgt, %get3A_115, %gt3A_117 : vector<16xi32>
    tpu.vector_store_idx %arg6[%get3A_111], %get3A_113 masked %gt3A_118 {add = true} : memref<50000xi32, #tpu.memory_space<vmem>>[vector<16xi32>], vector<16xi32>, vector<16xi1>
    %get3A_119 = arith.constant 32 : index
    %get3A_120 = tpu.vector_load %arg9[%get3A_119] {strides = array<i32>} : memref<288xi32, #tpu.memory_space<vmem>>, vector<16xi32>,
    %get3A_121 = arith.constant 96 : index
    %get3A_122 = tpu.vector_load %arg9[%get3A_121] {strides = array<i32>} : memref<288xi32, #tpu.memory_space<vmem>>, vector<16xi32>,
    %get3A_123 = arith.constant 224 : index
    %get3A_124 = tpu.vector_load %arg9[%get3A_123] {strides = array<i32>} : memref<288xi32, #tpu.memory_space<vmem>>, vector<16xi32>,
    %gt3A_125 = arith.constant 0 : i32
    %gt3A_126 = vector.broadcast %gt3A_125 : i32 to vector<16xi32>
    %gt3A_127 = arith.cmpi sgt, %get3A_124, %gt3A_126 : vector<16xi32>
    tpu.vector_store_idx %arg6[%get3A_120], %get3A_122 masked %gt3A_127 {add = true} : memref<50000xi32, #tpu.memory_space<vmem>>[vector<16xi32>], vector<16xi32>, vector<16xi1>
    %get3A_128 = arith.constant 48 : index
    %get3A_129 = tpu.vector_load %arg9[%get3A_128] {strides = array<i32>} : memref<288xi32, #tpu.memory_space<vmem>>, vector<16xi32>,
    %get3A_130 = arith.constant 112 : index
    %get3A_131 = tpu.vector_load %arg9[%get3A_130] {strides = array<i32>} : memref<288xi32, #tpu.memory_space<vmem>>, vector<16xi32>,
    %get3A_132 = arith.constant 240 : index
    %get3A_133 = tpu.vector_load %arg9[%get3A_132] {strides = array<i32>} : memref<288xi32, #tpu.memory_space<vmem>>, vector<16xi32>,
    %gt3A_134 = arith.constant 0 : i32
    %gt3A_135 = vector.broadcast %gt3A_134 : i32 to vector<16xi32>
    %gt3A_136 = arith.cmpi sgt, %get3A_133, %gt3A_135 : vector<16xi32>
    tpu.vector_store_idx %arg6[%get3A_129], %get3A_131 masked %gt3A_136 {add = true} : memref<50000xi32, #tpu.memory_space<vmem>>[vector<16xi32>], vector<16xi32>, vector<16xi1>
    %get3A_137 = arith.constant 128 : index
    %get3A_138 = tpu.vector_load %arg9[%get3A_137] {strides = array<i32>} : memref<288xi32, #tpu.memory_space<vmem>>, vector<16xi32>,
    %get3A_139 = arith.constant 160 : index
    %get3A_140 = tpu.vector_load %arg9[%get3A_139] {strides = array<i32>} : memref<288xi32, #tpu.memory_space<vmem>>, vector<16xi32>,
    %get3A_141 = arith.constant 256 : index
    %get3A_142 = tpu.vector_load %arg9[%get3A_141] {strides = array<i32>} : memref<288xi32, #tpu.memory_space<vmem>>, vector<16xi32>,
    %gt3A_143 = arith.constant 0 : i32
    %gt3A_144 = vector.broadcast %gt3A_143 : i32 to vector<16xi32>
    %gt3A_145 = arith.cmpi sgt, %get3A_142, %gt3A_144 : vector<16xi32>
    tpu.vector_store_idx %arg8[%get3A_138], %get3A_140 masked %gt3A_145 {add = true} : memref<4240xi32, #tpu.memory_space<vmem>>[vector<16xi32>], vector<16xi32>, vector<16xi1>
    %get3A_146 = arith.constant 144 : index
    %get3A_147 = tpu.vector_load %arg9[%get3A_146] {strides = array<i32>} : memref<288xi32, #tpu.memory_space<vmem>>, vector<16xi32>,
    %get3A_148 = arith.constant 176 : index
    %get3A_149 = tpu.vector_load %arg9[%get3A_148] {strides = array<i32>} : memref<288xi32, #tpu.memory_space<vmem>>, vector<16xi32>,
    %get3A_150 = arith.constant 272 : index
    %get3A_151 = tpu.vector_load %arg9[%get3A_150] {strides = array<i32>} : memref<288xi32, #tpu.memory_space<vmem>>, vector<16xi32>,
    %gt3A_152 = arith.constant 0 : i32
    %gt3A_153 = vector.broadcast %gt3A_152 : i32 to vector<16xi32>
    %gt3A_154 = arith.cmpi sgt, %get3A_151, %gt3A_153 : vector<16xi32>
    tpu.vector_store_idx %arg8[%get3A_147], %get3A_149 masked %gt3A_154 {add = true} : memref<4240xi32, #tpu.memory_space<vmem>>[vector<16xi32>], vector<16xi32>, vector<16xi1>
    %dma_wait3A = arith.constant 0 : i32
    %dma_wait3A_155 = tpu.memref_slice %arg10[%dma_wait3A] : memref<12512xi32, #tpu.memory_space<vmem>> -> memref<6256xi32, #tpu.memory_space<vmem>>
    %dma_wait3A_156 = tpu.memref_slice %arg2[%add3A_9] : memref<1600000xi32, #tpu.memory_space<hbm>> -> memref<6256xi32, #tpu.memory_space<hbm>>
    %dma_wait3A_157 = arith.constant 0 : i32
    %dma_wait3A_158 = tpu.memref_slice %arg10[%dma_wait3A_157] : memref<12512xi32, #tpu.memory_space<vmem>> -> memref<6256xi32, #tpu.memory_space<vmem>>
    %dma_wait3A_159 = tpu.memref_slice %arg2[%add3A_9] : memref<1600000xi32, #tpu.memory_space<hbm>> -> memref<6256xi32, #tpu.memory_space<hbm>>
    tpu.wait_dma2 semaphore(%arg13 : memref<!tpu.dma_semaphore, #tpu.memory_space<semaphore_mem>>) src(%dma_wait3A_159 : memref<6256xi32, #tpu.memory_space<hbm>>) dst(%dma_wait3A_158 : memref<6256xi32, #tpu.memory_space<vmem>>)
    %dma_wait3A_160 = arith.constant 0 : i32
    %dma_wait3A_161 = tpu.memref_slice %arg11[%dma_wait3A_160] : memref<12512xi32, #tpu.memory_space<vmem>> -> memref<6256xi32, #tpu.memory_space<vmem>>
    %dma_wait3A_162 = tpu.memref_slice %arg2[%add3A_16] : memref<1600000xi32, #tpu.memory_space<hbm>> -> memref<6256xi32, #tpu.memory_space<hbm>>
    %dma_wait3A_163 = arith.constant 0 : i32
    %dma_wait3A_164 = tpu.memref_slice %arg11[%dma_wait3A_163] : memref<12512xi32, #tpu.memory_space<vmem>> -> memref<6256xi32, #tpu.memory_space<vmem>>
    %dma_wait3A_165 = tpu.memref_slice %arg2[%add3A_16] : memref<1600000xi32, #tpu.memory_space<hbm>> -> memref<6256xi32, #tpu.memory_space<hbm>>
    tpu.wait_dma2 semaphore(%arg13 : memref<!tpu.dma_semaphore, #tpu.memory_space<semaphore_mem>>) src(%dma_wait3A_165 : memref<6256xi32, #tpu.memory_space<hbm>>) dst(%dma_wait3A_164 : memref<6256xi32, #tpu.memory_space<vmem>>)
    %dma_wait3A_166 = arith.constant 0 : i32
    %dma_wait3A_167 = tpu.memref_slice %arg12[%dma_wait3A_166] : memref<12512xi32, #tpu.memory_space<vmem>> -> memref<6256xi32, #tpu.memory_space<vmem>>
    %dma_wait3A_168 = tpu.memref_slice %arg3[%add3A_9] : memref<800000xi32, #tpu.memory_space<hbm>> -> memref<6256xi32, #tpu.memory_space<hbm>>
    %dma_wait3A_169 = arith.constant 0 : i32
    %dma_wait3A_170 = tpu.memref_slice %arg12[%dma_wait3A_169] : memref<12512xi32, #tpu.memory_space<vmem>> -> memref<6256xi32, #tpu.memory_space<vmem>>
    %dma_wait3A_171 = tpu.memref_slice %arg3[%add3A_9] : memref<800000xi32, #tpu.memory_space<hbm>> -> memref<6256xi32, #tpu.memory_space<hbm>>
    tpu.wait_dma2 semaphore(%arg13 : memref<!tpu.dma_semaphore, #tpu.memory_space<semaphore_mem>>) src(%dma_wait3A_171 : memref<6256xi32, #tpu.memory_space<hbm>>) dst(%dma_wait3A_170 : memref<6256xi32, #tpu.memory_space<vmem>>)
    %parallel_loop3A = arith.constant 0 : i32
    %parallel_loop3A_172 = arith.constant 391 : i32
    %parallel_loop3A_173 = arith.constant 1 : i32
    scf.for %parallel_loop3A_500 = %parallel_loop3A to %parallel_loop3A_172 step %parallel_loop3A_173  : i32 {
      %parallel_loop3A_501 = arith.constant 16 : i32
      %parallel_loop3A_502 = arith.muli %parallel_loop3A_500, %parallel_loop3A_501 : i32
      %parallel_loop3A_503 = arith.constant 0 : i32
      %parallel_loop3A_504 = arith.addi %parallel_loop3A_503, %parallel_loop3A_502 : i32
      %parallel_loop3A_505 = arith.index_cast %parallel_loop3A_504 : i32 to index
      %parallel_loop3A_506 = tpu.vector_load %arg10[%parallel_loop3A_505] {strides = array<i32>} : memref<12512xi32, #tpu.memory_space<vmem>>, vector<16xi32>,
      %parallel_loop3A_507 = arith.index_cast %parallel_loop3A_504 : i32 to index
      %parallel_loop3A_508 = tpu.vector_load %arg11[%parallel_loop3A_507] {strides = array<i32>} : memref<12512xi32, #tpu.memory_space<vmem>>, vector<16xi32>,
      %parallel_loop3A_509 = arith.index_cast %parallel_loop3A_504 : i32 to index
      %parallel_loop3A_510 = tpu.vector_load %arg12[%parallel_loop3A_509] {strides = array<i32>} : memref<12512xi32, #tpu.memory_space<vmem>>, vector<16xi32>,
      %parallel_loop3A_511 = tpu.vector_load_idx %arg6[%parallel_loop3A_506] : memref<50000xi32, #tpu.memory_space<vmem>>[vector<16xi32>], vector<16xi32>,
      %parallel_loop3A_512 = tpu.vector_load_idx %arg6[%parallel_loop3A_508] : memref<50000xi32, #tpu.memory_space<vmem>>[vector<16xi32>], vector<16xi32>,
      %parallel_loop3A_513 = arith.constant 65 : i32
      %parallel_loop3A_514 = vector.broadcast %parallel_loop3A_513 : i32 to vector<16xi32>
      %parallel_loop3A_515 = arith.muli %parallel_loop3A_511, %parallel_loop3A_514 : vector<16xi32>
      %parallel_loop3A_516 = arith.addi %parallel_loop3A_515, %parallel_loop3A_512 : vector<16xi32>
      %parallel_loop3A_517 = tpu.vector_load_idx %arg8[%parallel_loop3A_516] : memref<4240xi32, #tpu.memory_space<vmem>>[vector<16xi32>], vector<16xi32>,
      %parallel_loop3A_518 = arith.constant 65 : i32
      %parallel_loop3A_519 = vector.broadcast %parallel_loop3A_518 : i32 to vector<16xi32>
      %parallel_loop3A_520 = arith.muli %parallel_loop3A_512, %parallel_loop3A_519 : vector<16xi32>
      %parallel_loop3A_521 = arith.addi %parallel_loop3A_520, %parallel_loop3A_511 : vector<16xi32>
      %parallel_loop3A_522 = tpu.vector_load_idx %arg8[%parallel_loop3A_521] : memref<4240xi32, #tpu.memory_space<vmem>>[vector<16xi32>], vector<16xi32>,
      %parallel_loop3A_523 = arith.constant 0 : i32
      %parallel_loop3A_524 = vector.broadcast %parallel_loop3A_523 : i32 to vector<16xi32>
      %parallel_loop3A_525 = arith.cmpi sgt, %parallel_loop3A_511, %parallel_loop3A_524 : vector<16xi32>
      %parallel_loop3A_526 = arith.constant 0 : i32
      %parallel_loop3A_527 = vector.broadcast %parallel_loop3A_526 : i32 to vector<16xi32>
      %parallel_loop3A_528 = arith.cmpi sgt, %parallel_loop3A_512, %parallel_loop3A_527 : vector<16xi32>
      %parallel_loop3A_529 = arith.constant 0 : i32
      %parallel_loop3A_530 = vector.broadcast %parallel_loop3A_529 : i32 to vector<16xi32>
      %parallel_loop3A_531 = arith.cmpi sgt, %parallel_loop3A_517, %parallel_loop3A_530 : vector<16xi32>
      %parallel_loop3A_532 = arith.constant 0 : i32
      %parallel_loop3A_533 = vector.broadcast %parallel_loop3A_532 : i32 to vector<16xi32>
      %parallel_loop3A_534 = arith.cmpi sgt, %parallel_loop3A_522, %parallel_loop3A_533 : vector<16xi32>
      %parallel_loop3A_535 = arith.constant 0 : i32
      %parallel_loop3A_536 = vector.broadcast %parallel_loop3A_535 : i32 to vector<16xi32>
      %parallel_loop3A_537 = arith.addi %parallel_loop3A_536, %parallel_loop3A_511 : vector<16xi32>
      %parallel_loop3A_538 = arith.constant 128 : i32
      %parallel_loop3A_539 = vector.broadcast %parallel_loop3A_538 : i32 to vector<16xi32>
      %parallel_loop3A_540 = arith.muli %parallel_loop3A_537, %parallel_loop3A_539 : vector<16xi32>
      %parallel_loop3A_541 = arith.addi %parallel_loop3A_540, %parallel_loop3A_510 : vector<16xi32>
      tpu.vector_store_idx %arg7[%parallel_loop3A_541], %broadcast_in_dim3A_5 masked %parallel_loop3A_525 {add = true} : memref<28672xf32, #tpu.memory_space<vmem>>[vector<16xi32>], vector<16xf32>, vector<16xi1>
      %parallel_loop3A_542 = arith.constant 72 : i32
      %parallel_loop3A_543 = vector.broadcast %parallel_loop3A_542 : i32 to vector<16xi32>
      %parallel_loop3A_544 = arith.addi %parallel_loop3A_543, %parallel_loop3A_512 : vector<16xi32>
      %parallel_loop3A_545 = arith.constant 128 : i32
      %parallel_loop3A_546 = vector.broadcast %parallel_loop3A_545 : i32 to vector<16xi32>
      %parallel_loop3A_547 = arith.muli %parallel_loop3A_544, %parallel_loop3A_546 : vector<16xi32>
      %parallel_loop3A_548 = arith.addi %parallel_loop3A_547, %parallel_loop3A_510 : vector<16xi32>
      tpu.vector_store_idx %arg7[%parallel_loop3A_548], %broadcast_in_dim3A_5 masked %parallel_loop3A_528 {add = true} : memref<28672xf32, #tpu.memory_space<vmem>>[vector<16xi32>], vector<16xf32>, vector<16xi1>
      %parallel_loop3A_549 = arith.constant 144 : i32
      %parallel_loop3A_550 = vector.broadcast %parallel_loop3A_549 : i32 to vector<16xi32>
      %parallel_loop3A_551 = arith.addi %parallel_loop3A_550, %parallel_loop3A_517 : vector<16xi32>
      %parallel_loop3A_552 = arith.constant 128 : i32
      %parallel_loop3A_553 = vector.broadcast %parallel_loop3A_552 : i32 to vector<16xi32>
      %parallel_loop3A_554 = arith.muli %parallel_loop3A_551, %parallel_loop3A_553 : vector<16xi32>
      %parallel_loop3A_555 = arith.addi %parallel_loop3A_554, %parallel_loop3A_510 : vector<16xi32>
      tpu.vector_store_idx %arg7[%parallel_loop3A_555], %broadcast_in_dim3A_5 masked %parallel_loop3A_531 {add = true} : memref<28672xf32, #tpu.memory_space<vmem>>[vector<16xi32>], vector<16xf32>, vector<16xi1>
      %parallel_loop3A_556 = arith.constant 184 : i32
      %parallel_loop3A_557 = vector.broadcast %parallel_loop3A_556 : i32 to vector<16xi32>
      %parallel_loop3A_558 = arith.addi %parallel_loop3A_557, %parallel_loop3A_522 : vector<16xi32>
      %parallel_loop3A_559 = arith.constant 128 : i32
      %parallel_loop3A_560 = vector.broadcast %parallel_loop3A_559 : i32 to vector<16xi32>
      %parallel_loop3A_561 = arith.muli %parallel_loop3A_558, %parallel_loop3A_560 : vector<16xi32>
      %parallel_loop3A_562 = arith.addi %parallel_loop3A_561, %parallel_loop3A_510 : vector<16xi32>
      tpu.vector_store_idx %arg7[%parallel_loop3A_562], %broadcast_in_dim3A_5 masked %parallel_loop3A_534 {add = true} : memref<28672xf32, #tpu.memory_space<vmem>>[vector<16xi32>], vector<16xf32>, vector<16xi1>
    } {sc.loop_unroll_factor = 4 : i64, sc.parallel_access}
    %add3A_174 = arith.constant 12504 : i32
    %add3A_175 = arith.addi %mul3A_7, %add3A_174 : i32
    %dma_start3A_176 = arith.constant 0 : i32
    %dma_start3A_177 = tpu.memref_slice %arg10[%dma_start3A_176] : memref<12512xi32, #tpu.memory_space<vmem>> -> memref<6248xi32, #tpu.memory_space<vmem>>
    %dma_start3A_178 = tpu.memref_slice %arg2[%add3A_175] : memref<1600000xi32, #tpu.memory_space<hbm>> -> memref<6248xi32, #tpu.memory_space<hbm>>
    %dma_start3A_179 = arith.constant 0 : i32
    %dma_start3A_180 = tpu.memref_slice %arg10[%dma_start3A_179] : memref<12512xi32, #tpu.memory_space<vmem>> -> memref<6248xi32, #tpu.memory_space<vmem>>
    %dma_start3A_181 = tpu.memref_slice %arg2[%add3A_175] : memref<1600000xi32, #tpu.memory_space<hbm>> -> memref<6248xi32, #tpu.memory_space<hbm>>
    tpu.enqueue_dma source(%dma_start3A_181 : memref<6248xi32, #tpu.memory_space<hbm>>) target(%dma_start3A_180 : memref<6248xi32, #tpu.memory_space<vmem>>) target_semaphore(%arg13 : memref<!tpu.dma_semaphore, #tpu.memory_space<semaphore_mem>>)
    %add3A_182 = arith.constant 800000 : i32
    %add3A_183 = arith.addi %add3A_182, %add3A_175 : i32
    %dma_start3A_184 = arith.constant 0 : i32
    %dma_start3A_185 = tpu.memref_slice %arg11[%dma_start3A_184] : memref<12512xi32, #tpu.memory_space<vmem>> -> memref<6248xi32, #tpu.memory_space<vmem>>
    %dma_start3A_186 = tpu.memref_slice %arg2[%add3A_183] : memref<1600000xi32, #tpu.memory_space<hbm>> -> memref<6248xi32, #tpu.memory_space<hbm>>
    %dma_start3A_187 = arith.constant 0 : i32
    %dma_start3A_188 = tpu.memref_slice %arg11[%dma_start3A_187] : memref<12512xi32, #tpu.memory_space<vmem>> -> memref<6248xi32, #tpu.memory_space<vmem>>
    %dma_start3A_189 = tpu.memref_slice %arg2[%add3A_183] : memref<1600000xi32, #tpu.memory_space<hbm>> -> memref<6248xi32, #tpu.memory_space<hbm>>
    tpu.enqueue_dma source(%dma_start3A_189 : memref<6248xi32, #tpu.memory_space<hbm>>) target(%dma_start3A_188 : memref<6248xi32, #tpu.memory_space<vmem>>) target_semaphore(%arg13 : memref<!tpu.dma_semaphore, #tpu.memory_space<semaphore_mem>>)
    %dma_start3A_190 = arith.constant 0 : i32
    %dma_start3A_191 = tpu.memref_slice %arg12[%dma_start3A_190] : memref<12512xi32, #tpu.memory_space<vmem>> -> memref<6248xi32, #tpu.memory_space<vmem>>
    %dma_start3A_192 = tpu.memref_slice %arg3[%add3A_175] : memref<800000xi32, #tpu.memory_space<hbm>> -> memref<6248xi32, #tpu.memory_space<hbm>>
    %dma_start3A_193 = arith.constant 0 : i32
    %dma_start3A_194 = tpu.memref_slice %arg12[%dma_start3A_193] : memref<12512xi32, #tpu.memory_space<vmem>> -> memref<6248xi32, #tpu.memory_space<vmem>>
    %dma_start3A_195 = tpu.memref_slice %arg3[%add3A_175] : memref<800000xi32, #tpu.memory_space<hbm>> -> memref<6248xi32, #tpu.memory_space<hbm>>
    tpu.enqueue_dma source(%dma_start3A_195 : memref<6248xi32, #tpu.memory_space<hbm>>) target(%dma_start3A_194 : memref<6248xi32, #tpu.memory_space<vmem>>) target_semaphore(%arg13 : memref<!tpu.dma_semaphore, #tpu.memory_space<semaphore_mem>>)
    %dma_wait3A_196 = arith.constant 6256 : i32
    %dma_wait3A_197 = tpu.memref_slice %arg10[%dma_wait3A_196] : memref<12512xi32, #tpu.memory_space<vmem>> -> memref<6248xi32, #tpu.memory_space<vmem>>
    %dma_wait3A_198 = tpu.memref_slice %arg2[%add3A_30] : memref<1600000xi32, #tpu.memory_space<hbm>> -> memref<6248xi32, #tpu.memory_space<hbm>>
    %dma_wait3A_199 = arith.constant 6256 : i32
    %dma_wait3A_200 = tpu.memref_slice %arg10[%dma_wait3A_199] : memref<12512xi32, #tpu.memory_space<vmem>> -> memref<6248xi32, #tpu.memory_space<vmem>>
    %dma_wait3A_201 = tpu.memref_slice %arg2[%add3A_30] : memref<1600000xi32, #tpu.memory_space<hbm>> -> memref<6248xi32, #tpu.memory_space<hbm>>
    tpu.wait_dma2 semaphore(%arg13 : memref<!tpu.dma_semaphore, #tpu.memory_space<semaphore_mem>>) src(%dma_wait3A_201 : memref<6248xi32, #tpu.memory_space<hbm>>) dst(%dma_wait3A_200 : memref<6248xi32, #tpu.memory_space<vmem>>)
    %dma_wait3A_202 = arith.constant 6256 : i32
    %dma_wait3A_203 = tpu.memref_slice %arg11[%dma_wait3A_202] : memref<12512xi32, #tpu.memory_space<vmem>> -> memref<6248xi32, #tpu.memory_space<vmem>>
    %dma_wait3A_204 = tpu.memref_slice %arg2[%add3A_38] : memref<1600000xi32, #tpu.memory_space<hbm>> -> memref<6248xi32, #tpu.memory_space<hbm>>
    %dma_wait3A_205 = arith.constant 6256 : i32
    %dma_wait3A_206 = tpu.memref_slice %arg11[%dma_wait3A_205] : memref<12512xi32, #tpu.memory_space<vmem>> -> memref<6248xi32, #tpu.memory_space<vmem>>
    %dma_wait3A_207 = tpu.memref_slice %arg2[%add3A_38] : memref<1600000xi32, #tpu.memory_space<hbm>> -> memref<6248xi32, #tpu.memory_space<hbm>>
    tpu.wait_dma2 semaphore(%arg13 : memref<!tpu.dma_semaphore, #tpu.memory_space<semaphore_mem>>) src(%dma_wait3A_207 : memref<6248xi32, #tpu.memory_space<hbm>>) dst(%dma_wait3A_206 : memref<6248xi32, #tpu.memory_space<vmem>>)
    %dma_wait3A_208 = arith.constant 6256 : i32
    %dma_wait3A_209 = tpu.memref_slice %arg12[%dma_wait3A_208] : memref<12512xi32, #tpu.memory_space<vmem>> -> memref<6248xi32, #tpu.memory_space<vmem>>
    %dma_wait3A_210 = tpu.memref_slice %arg3[%add3A_30] : memref<800000xi32, #tpu.memory_space<hbm>> -> memref<6248xi32, #tpu.memory_space<hbm>>
    %dma_wait3A_211 = arith.constant 6256 : i32
    %dma_wait3A_212 = tpu.memref_slice %arg12[%dma_wait3A_211] : memref<12512xi32, #tpu.memory_space<vmem>> -> memref<6248xi32, #tpu.memory_space<vmem>>
    %dma_wait3A_213 = tpu.memref_slice %arg3[%add3A_30] : memref<800000xi32, #tpu.memory_space<hbm>> -> memref<6248xi32, #tpu.memory_space<hbm>>
    tpu.wait_dma2 semaphore(%arg13 : memref<!tpu.dma_semaphore, #tpu.memory_space<semaphore_mem>>) src(%dma_wait3A_213 : memref<6248xi32, #tpu.memory_space<hbm>>) dst(%dma_wait3A_212 : memref<6248xi32, #tpu.memory_space<vmem>>)
    %parallel_loop3A_214 = arith.constant 0 : i32
    %parallel_loop3A_215 = arith.constant 390 : i32
    %parallel_loop3A_216 = arith.constant 1 : i32
    scf.for %parallel_loop3A_500 = %parallel_loop3A_214 to %parallel_loop3A_215 step %parallel_loop3A_216  : i32 {
      %parallel_loop3A_501 = arith.constant 16 : i32
      %parallel_loop3A_502 = arith.muli %parallel_loop3A_500, %parallel_loop3A_501 : i32
      %parallel_loop3A_503 = arith.constant 6256 : i32
      %parallel_loop3A_504 = arith.addi %parallel_loop3A_503, %parallel_loop3A_502 : i32
      %parallel_loop3A_505 = arith.index_cast %parallel_loop3A_504 : i32 to index
      %parallel_loop3A_506 = tpu.vector_load %arg10[%parallel_loop3A_505] {strides = array<i32>} : memref<12512xi32, #tpu.memory_space<vmem>>, vector<16xi32>,
      %parallel_loop3A_507 = arith.index_cast %parallel_loop3A_504 : i32 to index
      %parallel_loop3A_508 = tpu.vector_load %arg11[%parallel_loop3A_507] {strides = array<i32>} : memref<12512xi32, #tpu.memory_space<vmem>>, vector<16xi32>,
      %parallel_loop3A_509 = arith.index_cast %parallel_loop3A_504 : i32 to index
      %parallel_loop3A_510 = tpu.vector_load %arg12[%parallel_loop3A_509] {strides = array<i32>} : memref<12512xi32, #tpu.memory_space<vmem>>, vector<16xi32>,
      %parallel_loop3A_511 = tpu.vector_load_idx %arg6[%parallel_loop3A_506] : memref<50000xi32, #tpu.memory_space<vmem>>[vector<16xi32>], vector<16xi32>,
      %parallel_loop3A_512 = tpu.vector_load_idx %arg6[%parallel_loop3A_508] : memref<50000xi32, #tpu.memory_space<vmem>>[vector<16xi32>], vector<16xi32>,
      %parallel_loop3A_513 = arith.constant 65 : i32
      %parallel_loop3A_514 = vector.broadcast %parallel_loop3A_513 : i32 to vector<16xi32>
      %parallel_loop3A_515 = arith.muli %parallel_loop3A_511, %parallel_loop3A_514 : vector<16xi32>
      %parallel_loop3A_516 = arith.addi %parallel_loop3A_515, %parallel_loop3A_512 : vector<16xi32>
      %parallel_loop3A_517 = tpu.vector_load_idx %arg8[%parallel_loop3A_516] : memref<4240xi32, #tpu.memory_space<vmem>>[vector<16xi32>], vector<16xi32>,
      %parallel_loop3A_518 = arith.constant 65 : i32
      %parallel_loop3A_519 = vector.broadcast %parallel_loop3A_518 : i32 to vector<16xi32>
      %parallel_loop3A_520 = arith.muli %parallel_loop3A_512, %parallel_loop3A_519 : vector<16xi32>
      %parallel_loop3A_521 = arith.addi %parallel_loop3A_520, %parallel_loop3A_511 : vector<16xi32>
      %parallel_loop3A_522 = tpu.vector_load_idx %arg8[%parallel_loop3A_521] : memref<4240xi32, #tpu.memory_space<vmem>>[vector<16xi32>], vector<16xi32>,
      %parallel_loop3A_523 = arith.constant 0 : i32
      %parallel_loop3A_524 = vector.broadcast %parallel_loop3A_523 : i32 to vector<16xi32>
      %parallel_loop3A_525 = arith.cmpi sgt, %parallel_loop3A_511, %parallel_loop3A_524 : vector<16xi32>
      %parallel_loop3A_526 = arith.constant 0 : i32
      %parallel_loop3A_527 = vector.broadcast %parallel_loop3A_526 : i32 to vector<16xi32>
      %parallel_loop3A_528 = arith.cmpi sgt, %parallel_loop3A_512, %parallel_loop3A_527 : vector<16xi32>
      %parallel_loop3A_529 = arith.constant 0 : i32
      %parallel_loop3A_530 = vector.broadcast %parallel_loop3A_529 : i32 to vector<16xi32>
      %parallel_loop3A_531 = arith.cmpi sgt, %parallel_loop3A_517, %parallel_loop3A_530 : vector<16xi32>
      %parallel_loop3A_532 = arith.constant 0 : i32
      %parallel_loop3A_533 = vector.broadcast %parallel_loop3A_532 : i32 to vector<16xi32>
      %parallel_loop3A_534 = arith.cmpi sgt, %parallel_loop3A_522, %parallel_loop3A_533 : vector<16xi32>
      %parallel_loop3A_535 = arith.constant 0 : i32
      %parallel_loop3A_536 = vector.broadcast %parallel_loop3A_535 : i32 to vector<16xi32>
      %parallel_loop3A_537 = arith.addi %parallel_loop3A_536, %parallel_loop3A_511 : vector<16xi32>
      %parallel_loop3A_538 = arith.constant 128 : i32
      %parallel_loop3A_539 = vector.broadcast %parallel_loop3A_538 : i32 to vector<16xi32>
      %parallel_loop3A_540 = arith.muli %parallel_loop3A_537, %parallel_loop3A_539 : vector<16xi32>
      %parallel_loop3A_541 = arith.addi %parallel_loop3A_540, %parallel_loop3A_510 : vector<16xi32>
      tpu.vector_store_idx %arg7[%parallel_loop3A_541], %broadcast_in_dim3A_5 masked %parallel_loop3A_525 {add = true} : memref<28672xf32, #tpu.memory_space<vmem>>[vector<16xi32>], vector<16xf32>, vector<16xi1>
      %parallel_loop3A_542 = arith.constant 72 : i32
      %parallel_loop3A_543 = vector.broadcast %parallel_loop3A_542 : i32 to vector<16xi32>
      %parallel_loop3A_544 = arith.addi %parallel_loop3A_543, %parallel_loop3A_512 : vector<16xi32>
      %parallel_loop3A_545 = arith.constant 128 : i32
      %parallel_loop3A_546 = vector.broadcast %parallel_loop3A_545 : i32 to vector<16xi32>
      %parallel_loop3A_547 = arith.muli %parallel_loop3A_544, %parallel_loop3A_546 : vector<16xi32>
      %parallel_loop3A_548 = arith.addi %parallel_loop3A_547, %parallel_loop3A_510 : vector<16xi32>
      tpu.vector_store_idx %arg7[%parallel_loop3A_548], %broadcast_in_dim3A_5 masked %parallel_loop3A_528 {add = true} : memref<28672xf32, #tpu.memory_space<vmem>>[vector<16xi32>], vector<16xf32>, vector<16xi1>
      %parallel_loop3A_549 = arith.constant 144 : i32
      %parallel_loop3A_550 = vector.broadcast %parallel_loop3A_549 : i32 to vector<16xi32>
      %parallel_loop3A_551 = arith.addi %parallel_loop3A_550, %parallel_loop3A_517 : vector<16xi32>
      %parallel_loop3A_552 = arith.constant 128 : i32
      %parallel_loop3A_553 = vector.broadcast %parallel_loop3A_552 : i32 to vector<16xi32>
      %parallel_loop3A_554 = arith.muli %parallel_loop3A_551, %parallel_loop3A_553 : vector<16xi32>
      %parallel_loop3A_555 = arith.addi %parallel_loop3A_554, %parallel_loop3A_510 : vector<16xi32>
      tpu.vector_store_idx %arg7[%parallel_loop3A_555], %broadcast_in_dim3A_5 masked %parallel_loop3A_531 {add = true} : memref<28672xf32, #tpu.memory_space<vmem>>[vector<16xi32>], vector<16xf32>, vector<16xi1>
      %parallel_loop3A_556 = arith.constant 184 : i32
      %parallel_loop3A_557 = vector.broadcast %parallel_loop3A_556 : i32 to vector<16xi32>
      %parallel_loop3A_558 = arith.addi %parallel_loop3A_557, %parallel_loop3A_522 : vector<16xi32>
      %parallel_loop3A_559 = arith.constant 128 : i32
      %parallel_loop3A_560 = vector.broadcast %parallel_loop3A_559 : i32 to vector<16xi32>
      %parallel_loop3A_561 = arith.muli %parallel_loop3A_558, %parallel_loop3A_560 : vector<16xi32>
      %parallel_loop3A_562 = arith.addi %parallel_loop3A_561, %parallel_loop3A_510 : vector<16xi32>
      tpu.vector_store_idx %arg7[%parallel_loop3A_562], %broadcast_in_dim3A_5 masked %parallel_loop3A_534 {add = true} : memref<28672xf32, #tpu.memory_space<vmem>>[vector<16xi32>], vector<16xf32>, vector<16xi1>
    } {sc.loop_unroll_factor = 4 : i64, sc.parallel_access}
    %lt3A = arith.constant 8 : i32
    %lt3A_217 = vector.broadcast %lt3A : i32 to vector<16xi32>
    %lt3A_218 = arith.cmpi slt, %iota3A, %lt3A_217 : vector<16xi32>
    %get3A_219 = arith.constant 12496 : index
    %get3A_220 = tpu.vector_load %arg10[%get3A_219] {strides = array<i32>} : memref<12512xi32, #tpu.memory_space<vmem>>, vector<16xi32>,
    %jit3A = arith.constant 0 : i32
    %broadcast_in_dim3A_221 = vector.broadcast %jit3A : i32 to vector<16xi32>
    %select_n3A = arith.select %lt3A_218, %get3A_220, %broadcast_in_dim3A_221 : vector<16xi1>, vector<16xi32>
    %get3A_222 = arith.constant 12496 : index
    %get3A_223 = tpu.vector_load %arg11[%get3A_222] {strides = array<i32>} : memref<12512xi32, #tpu.memory_space<vmem>>, vector<16xi32>,
    %jit3A_224 = arith.constant 0 : i32
    %broadcast_in_dim3A_225 = vector.broadcast %jit3A_224 : i32 to vector<16xi32>
    %select_n3A_226 = arith.select %lt3A_218, %get3A_223, %broadcast_in_dim3A_225 : vector<16xi1>, vector<16xi32>
    %get3A_227 = arith.constant 12496 : index
    %get3A_228 = tpu.vector_load %arg12[%get3A_227] {strides = array<i32>} : memref<12512xi32, #tpu.memory_space<vmem>>, vector<16xi32>,
    %jit3A_229 = arith.constant 0 : i32
    %broadcast_in_dim3A_230 = vector.broadcast %jit3A_229 : i32 to vector<16xi32>
    %select_n3A_231 = arith.select %lt3A_218, %get3A_228, %broadcast_in_dim3A_230 : vector<16xi1>, vector<16xi32>
    %gather3A = tpu.vector_load_idx %arg6[%select_n3A] : memref<50000xi32, #tpu.memory_space<vmem>>[vector<16xi32>], vector<16xi32>,
    %gather3A_232 = tpu.vector_load_idx %arg6[%select_n3A_226] : memref<50000xi32, #tpu.memory_space<vmem>>[vector<16xi32>], vector<16xi32>,
    %mul3A_233 = arith.constant 65 : i32
    %mul3A_234 = vector.broadcast %mul3A_233 : i32 to vector<16xi32>
    %mul3A_235 = arith.muli %gather3A, %mul3A_234 : vector<16xi32>
    %add3A_236 = arith.addi %mul3A_235, %gather3A_232 : vector<16xi32>
    %gather3A_237 = tpu.vector_load_idx %arg8[%add3A_236] : memref<4240xi32, #tpu.memory_space<vmem>>[vector<16xi32>], vector<16xi32>,
    %mul3A_238 = arith.constant 65 : i32
    %mul3A_239 = vector.broadcast %mul3A_238 : i32 to vector<16xi32>
    %mul3A_240 = arith.muli %gather3A_232, %mul3A_239 : vector<16xi32>
    %add3A_241 = arith.addi %mul3A_240, %gather3A : vector<16xi32>
    %gather3A_242 = tpu.vector_load_idx %arg8[%add3A_241] : memref<4240xi32, #tpu.memory_space<vmem>>[vector<16xi32>], vector<16xi32>,
    %gt3A_243 = arith.constant 0 : i32
    %gt3A_244 = vector.broadcast %gt3A_243 : i32 to vector<16xi32>
    %gt3A_245 = arith.cmpi sgt, %gather3A, %gt3A_244 : vector<16xi32>
    %gt3A_246 = arith.constant 0 : i32
    %gt3A_247 = vector.broadcast %gt3A_246 : i32 to vector<16xi32>
    %gt3A_248 = arith.cmpi sgt, %gather3A_232, %gt3A_247 : vector<16xi32>
    %gt3A_249 = arith.constant 0 : i32
    %gt3A_250 = vector.broadcast %gt3A_249 : i32 to vector<16xi32>
    %gt3A_251 = arith.cmpi sgt, %gather3A_237, %gt3A_250 : vector<16xi32>
    %gt3A_252 = arith.constant 0 : i32
    %gt3A_253 = vector.broadcast %gt3A_252 : i32 to vector<16xi32>
    %gt3A_254 = arith.cmpi sgt, %gather3A_242, %gt3A_253 : vector<16xi32>
    %and3A = arith.andi %lt3A_218, %gt3A_245 : vector<16xi1>
    %and3A_255 = arith.andi %lt3A_218, %gt3A_248 : vector<16xi1>
    %and3A_256 = arith.andi %lt3A_218, %gt3A_251 : vector<16xi1>
    %and3A_257 = arith.andi %lt3A_218, %gt3A_254 : vector<16xi1>
    %add3A_258 = arith.constant 0 : i32
    %add3A_259 = vector.broadcast %add3A_258 : i32 to vector<16xi32>
    %add3A_260 = arith.addi %add3A_259, %gather3A : vector<16xi32>
    %mul3A_261 = arith.constant 128 : i32
    %mul3A_262 = vector.broadcast %mul3A_261 : i32 to vector<16xi32>
    %mul3A_263 = arith.muli %add3A_260, %mul3A_262 : vector<16xi32>
    %add3A_264 = arith.addi %mul3A_263, %select_n3A_231 : vector<16xi32>
    tpu.vector_store_idx %arg7[%add3A_264], %broadcast_in_dim3A_5 masked %and3A {add = true} : memref<28672xf32, #tpu.memory_space<vmem>>[vector<16xi32>], vector<16xf32>, vector<16xi1>
    %add3A_265 = arith.constant 72 : i32
    %add3A_266 = vector.broadcast %add3A_265 : i32 to vector<16xi32>
    %add3A_267 = arith.addi %add3A_266, %gather3A_232 : vector<16xi32>
    %mul3A_268 = arith.constant 128 : i32
    %mul3A_269 = vector.broadcast %mul3A_268 : i32 to vector<16xi32>
    %mul3A_270 = arith.muli %add3A_267, %mul3A_269 : vector<16xi32>
    %add3A_271 = arith.addi %mul3A_270, %select_n3A_231 : vector<16xi32>
    tpu.vector_store_idx %arg7[%add3A_271], %broadcast_in_dim3A_5 masked %and3A_255 {add = true} : memref<28672xf32, #tpu.memory_space<vmem>>[vector<16xi32>], vector<16xf32>, vector<16xi1>
    %add3A_272 = arith.constant 144 : i32
    %add3A_273 = vector.broadcast %add3A_272 : i32 to vector<16xi32>
    %add3A_274 = arith.addi %add3A_273, %gather3A_237 : vector<16xi32>
    %mul3A_275 = arith.constant 128 : i32
    %mul3A_276 = vector.broadcast %mul3A_275 : i32 to vector<16xi32>
    %mul3A_277 = arith.muli %add3A_274, %mul3A_276 : vector<16xi32>
    %add3A_278 = arith.addi %mul3A_277, %select_n3A_231 : vector<16xi32>
    tpu.vector_store_idx %arg7[%add3A_278], %broadcast_in_dim3A_5 masked %and3A_256 {add = true} : memref<28672xf32, #tpu.memory_space<vmem>>[vector<16xi32>], vector<16xf32>, vector<16xi1>
    %add3A_279 = arith.constant 184 : i32
    %add3A_280 = vector.broadcast %add3A_279 : i32 to vector<16xi32>
    %add3A_281 = arith.addi %add3A_280, %gather3A_242 : vector<16xi32>
    %mul3A_282 = arith.constant 128 : i32
    %mul3A_283 = vector.broadcast %mul3A_282 : i32 to vector<16xi32>
    %mul3A_284 = arith.muli %add3A_281, %mul3A_283 : vector<16xi32>
    %add3A_285 = arith.addi %mul3A_284, %select_n3A_231 : vector<16xi32>
    tpu.vector_store_idx %arg7[%add3A_285], %broadcast_in_dim3A_5 masked %and3A_257 {add = true} : memref<28672xf32, #tpu.memory_space<vmem>>[vector<16xi32>], vector<16xf32>, vector<16xi1>
    %add3A_286 = arith.constant 18752 : i32
    %add3A_287 = arith.addi %mul3A_7, %add3A_286 : i32
    %dma_start3A_288 = arith.constant 6256 : i32
    %dma_start3A_289 = tpu.memref_slice %arg10[%dma_start3A_288] : memref<12512xi32, #tpu.memory_space<vmem>> -> memref<6248xi32, #tpu.memory_space<vmem>>
    %dma_start3A_290 = tpu.memref_slice %arg2[%add3A_287] : memref<1600000xi32, #tpu.memory_space<hbm>> -> memref<6248xi32, #tpu.memory_space<hbm>>
    %dma_start3A_291 = arith.constant 6256 : i32
    %dma_start3A_292 = tpu.memref_slice %arg10[%dma_start3A_291] : memref<12512xi32, #tpu.memory_space<vmem>> -> memref<6248xi32, #tpu.memory_space<vmem>>
    %dma_start3A_293 = tpu.memref_slice %arg2[%add3A_287] : memref<1600000xi32, #tpu.memory_space<hbm>> -> memref<6248xi32, #tpu.memory_space<hbm>>
    tpu.enqueue_dma source(%dma_start3A_293 : memref<6248xi32, #tpu.memory_space<hbm>>) target(%dma_start3A_292 : memref<6248xi32, #tpu.memory_space<vmem>>) target_semaphore(%arg13 : memref<!tpu.dma_semaphore, #tpu.memory_space<semaphore_mem>>)
    %add3A_294 = arith.constant 800000 : i32
    %add3A_295 = arith.addi %add3A_294, %add3A_287 : i32
    %dma_start3A_296 = arith.constant 6256 : i32
    %dma_start3A_297 = tpu.memref_slice %arg11[%dma_start3A_296] : memref<12512xi32, #tpu.memory_space<vmem>> -> memref<6248xi32, #tpu.memory_space<vmem>>
    %dma_start3A_298 = tpu.memref_slice %arg2[%add3A_295] : memref<1600000xi32, #tpu.memory_space<hbm>> -> memref<6248xi32, #tpu.memory_space<hbm>>
    %dma_start3A_299 = arith.constant 6256 : i32
    %dma_start3A_300 = tpu.memref_slice %arg11[%dma_start3A_299] : memref<12512xi32, #tpu.memory_space<vmem>> -> memref<6248xi32, #tpu.memory_space<vmem>>
    %dma_start3A_301 = tpu.memref_slice %arg2[%add3A_295] : memref<1600000xi32, #tpu.memory_space<hbm>> -> memref<6248xi32, #tpu.memory_space<hbm>>
    tpu.enqueue_dma source(%dma_start3A_301 : memref<6248xi32, #tpu.memory_space<hbm>>) target(%dma_start3A_300 : memref<6248xi32, #tpu.memory_space<vmem>>) target_semaphore(%arg13 : memref<!tpu.dma_semaphore, #tpu.memory_space<semaphore_mem>>)
    %dma_start3A_302 = arith.constant 6256 : i32
    %dma_start3A_303 = tpu.memref_slice %arg12[%dma_start3A_302] : memref<12512xi32, #tpu.memory_space<vmem>> -> memref<6248xi32, #tpu.memory_space<vmem>>
    %dma_start3A_304 = tpu.memref_slice %arg3[%add3A_287] : memref<800000xi32, #tpu.memory_space<hbm>> -> memref<6248xi32, #tpu.memory_space<hbm>>
    %dma_start3A_305 = arith.constant 6256 : i32
    %dma_start3A_306 = tpu.memref_slice %arg12[%dma_start3A_305] : memref<12512xi32, #tpu.memory_space<vmem>> -> memref<6248xi32, #tpu.memory_space<vmem>>
    %dma_start3A_307 = tpu.memref_slice %arg3[%add3A_287] : memref<800000xi32, #tpu.memory_space<hbm>> -> memref<6248xi32, #tpu.memory_space<hbm>>
    tpu.enqueue_dma source(%dma_start3A_307 : memref<6248xi32, #tpu.memory_space<hbm>>) target(%dma_start3A_306 : memref<6248xi32, #tpu.memory_space<vmem>>) target_semaphore(%arg13 : memref<!tpu.dma_semaphore, #tpu.memory_space<semaphore_mem>>)
    %dma_wait3A_308 = arith.constant 0 : i32
    %dma_wait3A_309 = tpu.memref_slice %arg10[%dma_wait3A_308] : memref<12512xi32, #tpu.memory_space<vmem>> -> memref<6248xi32, #tpu.memory_space<vmem>>
    %dma_wait3A_310 = tpu.memref_slice %arg2[%add3A_175] : memref<1600000xi32, #tpu.memory_space<hbm>> -> memref<6248xi32, #tpu.memory_space<hbm>>
    %dma_wait3A_311 = arith.constant 0 : i32
    %dma_wait3A_312 = tpu.memref_slice %arg10[%dma_wait3A_311] : memref<12512xi32, #tpu.memory_space<vmem>> -> memref<6248xi32, #tpu.memory_space<vmem>>
    %dma_wait3A_313 = tpu.memref_slice %arg2[%add3A_175] : memref<1600000xi32, #tpu.memory_space<hbm>> -> memref<6248xi32, #tpu.memory_space<hbm>>
    tpu.wait_dma2 semaphore(%arg13 : memref<!tpu.dma_semaphore, #tpu.memory_space<semaphore_mem>>) src(%dma_wait3A_313 : memref<6248xi32, #tpu.memory_space<hbm>>) dst(%dma_wait3A_312 : memref<6248xi32, #tpu.memory_space<vmem>>)
    %dma_wait3A_314 = arith.constant 0 : i32
    %dma_wait3A_315 = tpu.memref_slice %arg11[%dma_wait3A_314] : memref<12512xi32, #tpu.memory_space<vmem>> -> memref<6248xi32, #tpu.memory_space<vmem>>
    %dma_wait3A_316 = tpu.memref_slice %arg2[%add3A_183] : memref<1600000xi32, #tpu.memory_space<hbm>> -> memref<6248xi32, #tpu.memory_space<hbm>>
    %dma_wait3A_317 = arith.constant 0 : i32
    %dma_wait3A_318 = tpu.memref_slice %arg11[%dma_wait3A_317] : memref<12512xi32, #tpu.memory_space<vmem>> -> memref<6248xi32, #tpu.memory_space<vmem>>
    %dma_wait3A_319 = tpu.memref_slice %arg2[%add3A_183] : memref<1600000xi32, #tpu.memory_space<hbm>> -> memref<6248xi32, #tpu.memory_space<hbm>>
    tpu.wait_dma2 semaphore(%arg13 : memref<!tpu.dma_semaphore, #tpu.memory_space<semaphore_mem>>) src(%dma_wait3A_319 : memref<6248xi32, #tpu.memory_space<hbm>>) dst(%dma_wait3A_318 : memref<6248xi32, #tpu.memory_space<vmem>>)
    %dma_wait3A_320 = arith.constant 0 : i32
    %dma_wait3A_321 = tpu.memref_slice %arg12[%dma_wait3A_320] : memref<12512xi32, #tpu.memory_space<vmem>> -> memref<6248xi32, #tpu.memory_space<vmem>>
    %dma_wait3A_322 = tpu.memref_slice %arg3[%add3A_175] : memref<800000xi32, #tpu.memory_space<hbm>> -> memref<6248xi32, #tpu.memory_space<hbm>>
    %dma_wait3A_323 = arith.constant 0 : i32
    %dma_wait3A_324 = tpu.memref_slice %arg12[%dma_wait3A_323] : memref<12512xi32, #tpu.memory_space<vmem>> -> memref<6248xi32, #tpu.memory_space<vmem>>
    %dma_wait3A_325 = tpu.memref_slice %arg3[%add3A_175] : memref<800000xi32, #tpu.memory_space<hbm>> -> memref<6248xi32, #tpu.memory_space<hbm>>
    tpu.wait_dma2 semaphore(%arg13 : memref<!tpu.dma_semaphore, #tpu.memory_space<semaphore_mem>>) src(%dma_wait3A_325 : memref<6248xi32, #tpu.memory_space<hbm>>) dst(%dma_wait3A_324 : memref<6248xi32, #tpu.memory_space<vmem>>)
    %parallel_loop3A_326 = arith.constant 0 : i32
    %parallel_loop3A_327 = arith.constant 390 : i32
    %parallel_loop3A_328 = arith.constant 1 : i32
    scf.for %parallel_loop3A_500 = %parallel_loop3A_326 to %parallel_loop3A_327 step %parallel_loop3A_328  : i32 {
      %parallel_loop3A_501 = arith.constant 16 : i32
      %parallel_loop3A_502 = arith.muli %parallel_loop3A_500, %parallel_loop3A_501 : i32
      %parallel_loop3A_503 = arith.constant 0 : i32
      %parallel_loop3A_504 = arith.addi %parallel_loop3A_503, %parallel_loop3A_502 : i32
      %parallel_loop3A_505 = arith.index_cast %parallel_loop3A_504 : i32 to index
      %parallel_loop3A_506 = tpu.vector_load %arg10[%parallel_loop3A_505] {strides = array<i32>} : memref<12512xi32, #tpu.memory_space<vmem>>, vector<16xi32>,
      %parallel_loop3A_507 = arith.index_cast %parallel_loop3A_504 : i32 to index
      %parallel_loop3A_508 = tpu.vector_load %arg11[%parallel_loop3A_507] {strides = array<i32>} : memref<12512xi32, #tpu.memory_space<vmem>>, vector<16xi32>,
      %parallel_loop3A_509 = arith.index_cast %parallel_loop3A_504 : i32 to index
      %parallel_loop3A_510 = tpu.vector_load %arg12[%parallel_loop3A_509] {strides = array<i32>} : memref<12512xi32, #tpu.memory_space<vmem>>, vector<16xi32>,
      %parallel_loop3A_511 = tpu.vector_load_idx %arg6[%parallel_loop3A_506] : memref<50000xi32, #tpu.memory_space<vmem>>[vector<16xi32>], vector<16xi32>,
      %parallel_loop3A_512 = tpu.vector_load_idx %arg6[%parallel_loop3A_508] : memref<50000xi32, #tpu.memory_space<vmem>>[vector<16xi32>], vector<16xi32>,
      %parallel_loop3A_513 = arith.constant 65 : i32
      %parallel_loop3A_514 = vector.broadcast %parallel_loop3A_513 : i32 to vector<16xi32>
      %parallel_loop3A_515 = arith.muli %parallel_loop3A_511, %parallel_loop3A_514 : vector<16xi32>
      %parallel_loop3A_516 = arith.addi %parallel_loop3A_515, %parallel_loop3A_512 : vector<16xi32>
      %parallel_loop3A_517 = tpu.vector_load_idx %arg8[%parallel_loop3A_516] : memref<4240xi32, #tpu.memory_space<vmem>>[vector<16xi32>], vector<16xi32>,
      %parallel_loop3A_518 = arith.constant 65 : i32
      %parallel_loop3A_519 = vector.broadcast %parallel_loop3A_518 : i32 to vector<16xi32>
      %parallel_loop3A_520 = arith.muli %parallel_loop3A_512, %parallel_loop3A_519 : vector<16xi32>
      %parallel_loop3A_521 = arith.addi %parallel_loop3A_520, %parallel_loop3A_511 : vector<16xi32>
      %parallel_loop3A_522 = tpu.vector_load_idx %arg8[%parallel_loop3A_521] : memref<4240xi32, #tpu.memory_space<vmem>>[vector<16xi32>], vector<16xi32>,
      %parallel_loop3A_523 = arith.constant 0 : i32
      %parallel_loop3A_524 = vector.broadcast %parallel_loop3A_523 : i32 to vector<16xi32>
      %parallel_loop3A_525 = arith.cmpi sgt, %parallel_loop3A_511, %parallel_loop3A_524 : vector<16xi32>
      %parallel_loop3A_526 = arith.constant 0 : i32
      %parallel_loop3A_527 = vector.broadcast %parallel_loop3A_526 : i32 to vector<16xi32>
      %parallel_loop3A_528 = arith.cmpi sgt, %parallel_loop3A_512, %parallel_loop3A_527 : vector<16xi32>
      %parallel_loop3A_529 = arith.constant 0 : i32
      %parallel_loop3A_530 = vector.broadcast %parallel_loop3A_529 : i32 to vector<16xi32>
      %parallel_loop3A_531 = arith.cmpi sgt, %parallel_loop3A_517, %parallel_loop3A_530 : vector<16xi32>
      %parallel_loop3A_532 = arith.constant 0 : i32
      %parallel_loop3A_533 = vector.broadcast %parallel_loop3A_532 : i32 to vector<16xi32>
      %parallel_loop3A_534 = arith.cmpi sgt, %parallel_loop3A_522, %parallel_loop3A_533 : vector<16xi32>
      %parallel_loop3A_535 = arith.constant 0 : i32
      %parallel_loop3A_536 = vector.broadcast %parallel_loop3A_535 : i32 to vector<16xi32>
      %parallel_loop3A_537 = arith.addi %parallel_loop3A_536, %parallel_loop3A_511 : vector<16xi32>
      %parallel_loop3A_538 = arith.constant 128 : i32
      %parallel_loop3A_539 = vector.broadcast %parallel_loop3A_538 : i32 to vector<16xi32>
      %parallel_loop3A_540 = arith.muli %parallel_loop3A_537, %parallel_loop3A_539 : vector<16xi32>
      %parallel_loop3A_541 = arith.addi %parallel_loop3A_540, %parallel_loop3A_510 : vector<16xi32>
      tpu.vector_store_idx %arg7[%parallel_loop3A_541], %broadcast_in_dim3A_5 masked %parallel_loop3A_525 {add = true} : memref<28672xf32, #tpu.memory_space<vmem>>[vector<16xi32>], vector<16xf32>, vector<16xi1>
      %parallel_loop3A_542 = arith.constant 72 : i32
      %parallel_loop3A_543 = vector.broadcast %parallel_loop3A_542 : i32 to vector<16xi32>
      %parallel_loop3A_544 = arith.addi %parallel_loop3A_543, %parallel_loop3A_512 : vector<16xi32>
      %parallel_loop3A_545 = arith.constant 128 : i32
      %parallel_loop3A_546 = vector.broadcast %parallel_loop3A_545 : i32 to vector<16xi32>
      %parallel_loop3A_547 = arith.muli %parallel_loop3A_544, %parallel_loop3A_546 : vector<16xi32>
      %parallel_loop3A_548 = arith.addi %parallel_loop3A_547, %parallel_loop3A_510 : vector<16xi32>
      tpu.vector_store_idx %arg7[%parallel_loop3A_548], %broadcast_in_dim3A_5 masked %parallel_loop3A_528 {add = true} : memref<28672xf32, #tpu.memory_space<vmem>>[vector<16xi32>], vector<16xf32>, vector<16xi1>
      %parallel_loop3A_549 = arith.constant 144 : i32
      %parallel_loop3A_550 = vector.broadcast %parallel_loop3A_549 : i32 to vector<16xi32>
      %parallel_loop3A_551 = arith.addi %parallel_loop3A_550, %parallel_loop3A_517 : vector<16xi32>
      %parallel_loop3A_552 = arith.constant 128 : i32
      %parallel_loop3A_553 = vector.broadcast %parallel_loop3A_552 : i32 to vector<16xi32>
      %parallel_loop3A_554 = arith.muli %parallel_loop3A_551, %parallel_loop3A_553 : vector<16xi32>
      %parallel_loop3A_555 = arith.addi %parallel_loop3A_554, %parallel_loop3A_510 : vector<16xi32>
      tpu.vector_store_idx %arg7[%parallel_loop3A_555], %broadcast_in_dim3A_5 masked %parallel_loop3A_531 {add = true} : memref<28672xf32, #tpu.memory_space<vmem>>[vector<16xi32>], vector<16xf32>, vector<16xi1>
      %parallel_loop3A_556 = arith.constant 184 : i32
      %parallel_loop3A_557 = vector.broadcast %parallel_loop3A_556 : i32 to vector<16xi32>
      %parallel_loop3A_558 = arith.addi %parallel_loop3A_557, %parallel_loop3A_522 : vector<16xi32>
      %parallel_loop3A_559 = arith.constant 128 : i32
      %parallel_loop3A_560 = vector.broadcast %parallel_loop3A_559 : i32 to vector<16xi32>
      %parallel_loop3A_561 = arith.muli %parallel_loop3A_558, %parallel_loop3A_560 : vector<16xi32>
      %parallel_loop3A_562 = arith.addi %parallel_loop3A_561, %parallel_loop3A_510 : vector<16xi32>
      tpu.vector_store_idx %arg7[%parallel_loop3A_562], %broadcast_in_dim3A_5 masked %parallel_loop3A_534 {add = true} : memref<28672xf32, #tpu.memory_space<vmem>>[vector<16xi32>], vector<16xf32>, vector<16xi1>
    } {sc.loop_unroll_factor = 4 : i64, sc.parallel_access}
    %lt3A_329 = arith.constant 8 : i32
    %lt3A_330 = vector.broadcast %lt3A_329 : i32 to vector<16xi32>
    %lt3A_331 = arith.cmpi slt, %iota3A, %lt3A_330 : vector<16xi32>
    %get3A_332 = arith.constant 6240 : index
    %get3A_333 = tpu.vector_load %arg10[%get3A_332] {strides = array<i32>} : memref<12512xi32, #tpu.memory_space<vmem>>, vector<16xi32>,
    %jit3A_334 = arith.constant 0 : i32
    %broadcast_in_dim3A_335 = vector.broadcast %jit3A_334 : i32 to vector<16xi32>
    %select_n3A_336 = arith.select %lt3A_331, %get3A_333, %broadcast_in_dim3A_335 : vector<16xi1>, vector<16xi32>
    %get3A_337 = arith.constant 6240 : index
    %get3A_338 = tpu.vector_load %arg11[%get3A_337] {strides = array<i32>} : memref<12512xi32, #tpu.memory_space<vmem>>, vector<16xi32>,
    %jit3A_339 = arith.constant 0 : i32
    %broadcast_in_dim3A_340 = vector.broadcast %jit3A_339 : i32 to vector<16xi32>
    %select_n3A_341 = arith.select %lt3A_331, %get3A_338, %broadcast_in_dim3A_340 : vector<16xi1>, vector<16xi32>
    %get3A_342 = arith.constant 6240 : index
    %get3A_343 = tpu.vector_load %arg12[%get3A_342] {strides = array<i32>} : memref<12512xi32, #tpu.memory_space<vmem>>, vector<16xi32>,
    %jit3A_344 = arith.constant 0 : i32
    %broadcast_in_dim3A_345 = vector.broadcast %jit3A_344 : i32 to vector<16xi32>
    %select_n3A_346 = arith.select %lt3A_331, %get3A_343, %broadcast_in_dim3A_345 : vector<16xi1>, vector<16xi32>
    %gather3A_347 = tpu.vector_load_idx %arg6[%select_n3A_336] : memref<50000xi32, #tpu.memory_space<vmem>>[vector<16xi32>], vector<16xi32>,
    %gather3A_348 = tpu.vector_load_idx %arg6[%select_n3A_341] : memref<50000xi32, #tpu.memory_space<vmem>>[vector<16xi32>], vector<16xi32>,
    %mul3A_349 = arith.constant 65 : i32
    %mul3A_350 = vector.broadcast %mul3A_349 : i32 to vector<16xi32>
    %mul3A_351 = arith.muli %gather3A_347, %mul3A_350 : vector<16xi32>
    %add3A_352 = arith.addi %mul3A_351, %gather3A_348 : vector<16xi32>
    %gather3A_353 = tpu.vector_load_idx %arg8[%add3A_352] : memref<4240xi32, #tpu.memory_space<vmem>>[vector<16xi32>], vector<16xi32>,
    %mul3A_354 = arith.constant 65 : i32
    %mul3A_355 = vector.broadcast %mul3A_354 : i32 to vector<16xi32>
    %mul3A_356 = arith.muli %gather3A_348, %mul3A_355 : vector<16xi32>
    %add3A_357 = arith.addi %mul3A_356, %gather3A_347 : vector<16xi32>
    %gather3A_358 = tpu.vector_load_idx %arg8[%add3A_357] : memref<4240xi32, #tpu.memory_space<vmem>>[vector<16xi32>], vector<16xi32>,
    %gt3A_359 = arith.constant 0 : i32
    %gt3A_360 = vector.broadcast %gt3A_359 : i32 to vector<16xi32>
    %gt3A_361 = arith.cmpi sgt, %gather3A_347, %gt3A_360 : vector<16xi32>
    %gt3A_362 = arith.constant 0 : i32
    %gt3A_363 = vector.broadcast %gt3A_362 : i32 to vector<16xi32>
    %gt3A_364 = arith.cmpi sgt, %gather3A_348, %gt3A_363 : vector<16xi32>
    %gt3A_365 = arith.constant 0 : i32
    %gt3A_366 = vector.broadcast %gt3A_365 : i32 to vector<16xi32>
    %gt3A_367 = arith.cmpi sgt, %gather3A_353, %gt3A_366 : vector<16xi32>
    %gt3A_368 = arith.constant 0 : i32
    %gt3A_369 = vector.broadcast %gt3A_368 : i32 to vector<16xi32>
    %gt3A_370 = arith.cmpi sgt, %gather3A_358, %gt3A_369 : vector<16xi32>
    %and3A_371 = arith.andi %lt3A_331, %gt3A_361 : vector<16xi1>
    %and3A_372 = arith.andi %lt3A_331, %gt3A_364 : vector<16xi1>
    %and3A_373 = arith.andi %lt3A_331, %gt3A_367 : vector<16xi1>
    %and3A_374 = arith.andi %lt3A_331, %gt3A_370 : vector<16xi1>
    %add3A_375 = arith.constant 0 : i32
    %add3A_376 = vector.broadcast %add3A_375 : i32 to vector<16xi32>
    %add3A_377 = arith.addi %add3A_376, %gather3A_347 : vector<16xi32>
    %mul3A_378 = arith.constant 128 : i32
    %mul3A_379 = vector.broadcast %mul3A_378 : i32 to vector<16xi32>
    %mul3A_380 = arith.muli %add3A_377, %mul3A_379 : vector<16xi32>
    %add3A_381 = arith.addi %mul3A_380, %select_n3A_346 : vector<16xi32>
    tpu.vector_store_idx %arg7[%add3A_381], %broadcast_in_dim3A_5 masked %and3A_371 {add = true} : memref<28672xf32, #tpu.memory_space<vmem>>[vector<16xi32>], vector<16xf32>, vector<16xi1>
    %add3A_382 = arith.constant 72 : i32
    %add3A_383 = vector.broadcast %add3A_382 : i32 to vector<16xi32>
    %add3A_384 = arith.addi %add3A_383, %gather3A_348 : vector<16xi32>
    %mul3A_385 = arith.constant 128 : i32
    %mul3A_386 = vector.broadcast %mul3A_385 : i32 to vector<16xi32>
    %mul3A_387 = arith.muli %add3A_384, %mul3A_386 : vector<16xi32>
    %add3A_388 = arith.addi %mul3A_387, %select_n3A_346 : vector<16xi32>
    tpu.vector_store_idx %arg7[%add3A_388], %broadcast_in_dim3A_5 masked %and3A_372 {add = true} : memref<28672xf32, #tpu.memory_space<vmem>>[vector<16xi32>], vector<16xf32>, vector<16xi1>
    %add3A_389 = arith.constant 144 : i32
    %add3A_390 = vector.broadcast %add3A_389 : i32 to vector<16xi32>
    %add3A_391 = arith.addi %add3A_390, %gather3A_353 : vector<16xi32>
    %mul3A_392 = arith.constant 128 : i32
    %mul3A_393 = vector.broadcast %mul3A_392 : i32 to vector<16xi32>
    %mul3A_394 = arith.muli %add3A_391, %mul3A_393 : vector<16xi32>
    %add3A_395 = arith.addi %mul3A_394, %select_n3A_346 : vector<16xi32>
    tpu.vector_store_idx %arg7[%add3A_395], %broadcast_in_dim3A_5 masked %and3A_373 {add = true} : memref<28672xf32, #tpu.memory_space<vmem>>[vector<16xi32>], vector<16xf32>, vector<16xi1>
    %add3A_396 = arith.constant 184 : i32
    %add3A_397 = vector.broadcast %add3A_396 : i32 to vector<16xi32>
    %add3A_398 = arith.addi %add3A_397, %gather3A_358 : vector<16xi32>
    %mul3A_399 = arith.constant 128 : i32
    %mul3A_400 = vector.broadcast %mul3A_399 : i32 to vector<16xi32>
    %mul3A_401 = arith.muli %add3A_398, %mul3A_400 : vector<16xi32>
    %add3A_402 = arith.addi %mul3A_401, %select_n3A_346 : vector<16xi32>
    tpu.vector_store_idx %arg7[%add3A_402], %broadcast_in_dim3A_5 masked %and3A_374 {add = true} : memref<28672xf32, #tpu.memory_space<vmem>>[vector<16xi32>], vector<16xf32>, vector<16xi1>
    %dma_wait3A_403 = arith.constant 6256 : i32
    %dma_wait3A_404 = tpu.memref_slice %arg10[%dma_wait3A_403] : memref<12512xi32, #tpu.memory_space<vmem>> -> memref<6248xi32, #tpu.memory_space<vmem>>
    %dma_wait3A_405 = tpu.memref_slice %arg2[%add3A_287] : memref<1600000xi32, #tpu.memory_space<hbm>> -> memref<6248xi32, #tpu.memory_space<hbm>>
    %dma_wait3A_406 = arith.constant 6256 : i32
    %dma_wait3A_407 = tpu.memref_slice %arg10[%dma_wait3A_406] : memref<12512xi32, #tpu.memory_space<vmem>> -> memref<6248xi32, #tpu.memory_space<vmem>>
    %dma_wait3A_408 = tpu.memref_slice %arg2[%add3A_287] : memref<1600000xi32, #tpu.memory_space<hbm>> -> memref<6248xi32, #tpu.memory_space<hbm>>
    tpu.wait_dma2 semaphore(%arg13 : memref<!tpu.dma_semaphore, #tpu.memory_space<semaphore_mem>>) src(%dma_wait3A_408 : memref<6248xi32, #tpu.memory_space<hbm>>) dst(%dma_wait3A_407 : memref<6248xi32, #tpu.memory_space<vmem>>)
    %dma_wait3A_409 = arith.constant 6256 : i32
    %dma_wait3A_410 = tpu.memref_slice %arg11[%dma_wait3A_409] : memref<12512xi32, #tpu.memory_space<vmem>> -> memref<6248xi32, #tpu.memory_space<vmem>>
    %dma_wait3A_411 = tpu.memref_slice %arg2[%add3A_295] : memref<1600000xi32, #tpu.memory_space<hbm>> -> memref<6248xi32, #tpu.memory_space<hbm>>
    %dma_wait3A_412 = arith.constant 6256 : i32
    %dma_wait3A_413 = tpu.memref_slice %arg11[%dma_wait3A_412] : memref<12512xi32, #tpu.memory_space<vmem>> -> memref<6248xi32, #tpu.memory_space<vmem>>
    %dma_wait3A_414 = tpu.memref_slice %arg2[%add3A_295] : memref<1600000xi32, #tpu.memory_space<hbm>> -> memref<6248xi32, #tpu.memory_space<hbm>>
    tpu.wait_dma2 semaphore(%arg13 : memref<!tpu.dma_semaphore, #tpu.memory_space<semaphore_mem>>) src(%dma_wait3A_414 : memref<6248xi32, #tpu.memory_space<hbm>>) dst(%dma_wait3A_413 : memref<6248xi32, #tpu.memory_space<vmem>>)
    %dma_wait3A_415 = arith.constant 6256 : i32
    %dma_wait3A_416 = tpu.memref_slice %arg12[%dma_wait3A_415] : memref<12512xi32, #tpu.memory_space<vmem>> -> memref<6248xi32, #tpu.memory_space<vmem>>
    %dma_wait3A_417 = tpu.memref_slice %arg3[%add3A_287] : memref<800000xi32, #tpu.memory_space<hbm>> -> memref<6248xi32, #tpu.memory_space<hbm>>
    %dma_wait3A_418 = arith.constant 6256 : i32
    %dma_wait3A_419 = tpu.memref_slice %arg12[%dma_wait3A_418] : memref<12512xi32, #tpu.memory_space<vmem>> -> memref<6248xi32, #tpu.memory_space<vmem>>
    %dma_wait3A_420 = tpu.memref_slice %arg3[%add3A_287] : memref<800000xi32, #tpu.memory_space<hbm>> -> memref<6248xi32, #tpu.memory_space<hbm>>
    tpu.wait_dma2 semaphore(%arg13 : memref<!tpu.dma_semaphore, #tpu.memory_space<semaphore_mem>>) src(%dma_wait3A_420 : memref<6248xi32, #tpu.memory_space<hbm>>) dst(%dma_wait3A_419 : memref<6248xi32, #tpu.memory_space<vmem>>)
    %parallel_loop3A_421 = arith.constant 0 : i32
    %parallel_loop3A_422 = arith.constant 390 : i32
    %parallel_loop3A_423 = arith.constant 1 : i32
    scf.for %parallel_loop3A_500 = %parallel_loop3A_421 to %parallel_loop3A_422 step %parallel_loop3A_423  : i32 {
      %parallel_loop3A_501 = arith.constant 16 : i32
      %parallel_loop3A_502 = arith.muli %parallel_loop3A_500, %parallel_loop3A_501 : i32
      %parallel_loop3A_503 = arith.constant 6256 : i32
      %parallel_loop3A_504 = arith.addi %parallel_loop3A_503, %parallel_loop3A_502 : i32
      %parallel_loop3A_505 = arith.index_cast %parallel_loop3A_504 : i32 to index
      %parallel_loop3A_506 = tpu.vector_load %arg10[%parallel_loop3A_505] {strides = array<i32>} : memref<12512xi32, #tpu.memory_space<vmem>>, vector<16xi32>,
      %parallel_loop3A_507 = arith.index_cast %parallel_loop3A_504 : i32 to index
      %parallel_loop3A_508 = tpu.vector_load %arg11[%parallel_loop3A_507] {strides = array<i32>} : memref<12512xi32, #tpu.memory_space<vmem>>, vector<16xi32>,
      %parallel_loop3A_509 = arith.index_cast %parallel_loop3A_504 : i32 to index
      %parallel_loop3A_510 = tpu.vector_load %arg12[%parallel_loop3A_509] {strides = array<i32>} : memref<12512xi32, #tpu.memory_space<vmem>>, vector<16xi32>,
      %parallel_loop3A_511 = tpu.vector_load_idx %arg6[%parallel_loop3A_506] : memref<50000xi32, #tpu.memory_space<vmem>>[vector<16xi32>], vector<16xi32>,
      %parallel_loop3A_512 = tpu.vector_load_idx %arg6[%parallel_loop3A_508] : memref<50000xi32, #tpu.memory_space<vmem>>[vector<16xi32>], vector<16xi32>,
      %parallel_loop3A_513 = arith.constant 65 : i32
      %parallel_loop3A_514 = vector.broadcast %parallel_loop3A_513 : i32 to vector<16xi32>
      %parallel_loop3A_515 = arith.muli %parallel_loop3A_511, %parallel_loop3A_514 : vector<16xi32>
      %parallel_loop3A_516 = arith.addi %parallel_loop3A_515, %parallel_loop3A_512 : vector<16xi32>
      %parallel_loop3A_517 = tpu.vector_load_idx %arg8[%parallel_loop3A_516] : memref<4240xi32, #tpu.memory_space<vmem>>[vector<16xi32>], vector<16xi32>,
      %parallel_loop3A_518 = arith.constant 65 : i32
      %parallel_loop3A_519 = vector.broadcast %parallel_loop3A_518 : i32 to vector<16xi32>
      %parallel_loop3A_520 = arith.muli %parallel_loop3A_512, %parallel_loop3A_519 : vector<16xi32>
      %parallel_loop3A_521 = arith.addi %parallel_loop3A_520, %parallel_loop3A_511 : vector<16xi32>
      %parallel_loop3A_522 = tpu.vector_load_idx %arg8[%parallel_loop3A_521] : memref<4240xi32, #tpu.memory_space<vmem>>[vector<16xi32>], vector<16xi32>,
      %parallel_loop3A_523 = arith.constant 0 : i32
      %parallel_loop3A_524 = vector.broadcast %parallel_loop3A_523 : i32 to vector<16xi32>
      %parallel_loop3A_525 = arith.cmpi sgt, %parallel_loop3A_511, %parallel_loop3A_524 : vector<16xi32>
      %parallel_loop3A_526 = arith.constant 0 : i32
      %parallel_loop3A_527 = vector.broadcast %parallel_loop3A_526 : i32 to vector<16xi32>
      %parallel_loop3A_528 = arith.cmpi sgt, %parallel_loop3A_512, %parallel_loop3A_527 : vector<16xi32>
      %parallel_loop3A_529 = arith.constant 0 : i32
      %parallel_loop3A_530 = vector.broadcast %parallel_loop3A_529 : i32 to vector<16xi32>
      %parallel_loop3A_531 = arith.cmpi sgt, %parallel_loop3A_517, %parallel_loop3A_530 : vector<16xi32>
      %parallel_loop3A_532 = arith.constant 0 : i32
      %parallel_loop3A_533 = vector.broadcast %parallel_loop3A_532 : i32 to vector<16xi32>
      %parallel_loop3A_534 = arith.cmpi sgt, %parallel_loop3A_522, %parallel_loop3A_533 : vector<16xi32>
      %parallel_loop3A_535 = arith.constant 0 : i32
      %parallel_loop3A_536 = vector.broadcast %parallel_loop3A_535 : i32 to vector<16xi32>
      %parallel_loop3A_537 = arith.addi %parallel_loop3A_536, %parallel_loop3A_511 : vector<16xi32>
      %parallel_loop3A_538 = arith.constant 128 : i32
      %parallel_loop3A_539 = vector.broadcast %parallel_loop3A_538 : i32 to vector<16xi32>
      %parallel_loop3A_540 = arith.muli %parallel_loop3A_537, %parallel_loop3A_539 : vector<16xi32>
      %parallel_loop3A_541 = arith.addi %parallel_loop3A_540, %parallel_loop3A_510 : vector<16xi32>
      tpu.vector_store_idx %arg7[%parallel_loop3A_541], %broadcast_in_dim3A_5 masked %parallel_loop3A_525 {add = true} : memref<28672xf32, #tpu.memory_space<vmem>>[vector<16xi32>], vector<16xf32>, vector<16xi1>
      %parallel_loop3A_542 = arith.constant 72 : i32
      %parallel_loop3A_543 = vector.broadcast %parallel_loop3A_542 : i32 to vector<16xi32>
      %parallel_loop3A_544 = arith.addi %parallel_loop3A_543, %parallel_loop3A_512 : vector<16xi32>
      %parallel_loop3A_545 = arith.constant 128 : i32
      %parallel_loop3A_546 = vector.broadcast %parallel_loop3A_545 : i32 to vector<16xi32>
      %parallel_loop3A_547 = arith.muli %parallel_loop3A_544, %parallel_loop3A_546 : vector<16xi32>
      %parallel_loop3A_548 = arith.addi %parallel_loop3A_547, %parallel_loop3A_510 : vector<16xi32>
      tpu.vector_store_idx %arg7[%parallel_loop3A_548], %broadcast_in_dim3A_5 masked %parallel_loop3A_528 {add = true} : memref<28672xf32, #tpu.memory_space<vmem>>[vector<16xi32>], vector<16xf32>, vector<16xi1>
      %parallel_loop3A_549 = arith.constant 144 : i32
      %parallel_loop3A_550 = vector.broadcast %parallel_loop3A_549 : i32 to vector<16xi32>
      %parallel_loop3A_551 = arith.addi %parallel_loop3A_550, %parallel_loop3A_517 : vector<16xi32>
      %parallel_loop3A_552 = arith.constant 128 : i32
      %parallel_loop3A_553 = vector.broadcast %parallel_loop3A_552 : i32 to vector<16xi32>
      %parallel_loop3A_554 = arith.muli %parallel_loop3A_551, %parallel_loop3A_553 : vector<16xi32>
      %parallel_loop3A_555 = arith.addi %parallel_loop3A_554, %parallel_loop3A_510 : vector<16xi32>
      tpu.vector_store_idx %arg7[%parallel_loop3A_555], %broadcast_in_dim3A_5 masked %parallel_loop3A_531 {add = true} : memref<28672xf32, #tpu.memory_space<vmem>>[vector<16xi32>], vector<16xf32>, vector<16xi1>
      %parallel_loop3A_556 = arith.constant 184 : i32
      %parallel_loop3A_557 = vector.broadcast %parallel_loop3A_556 : i32 to vector<16xi32>
      %parallel_loop3A_558 = arith.addi %parallel_loop3A_557, %parallel_loop3A_522 : vector<16xi32>
      %parallel_loop3A_559 = arith.constant 128 : i32
      %parallel_loop3A_560 = vector.broadcast %parallel_loop3A_559 : i32 to vector<16xi32>
      %parallel_loop3A_561 = arith.muli %parallel_loop3A_558, %parallel_loop3A_560 : vector<16xi32>
      %parallel_loop3A_562 = arith.addi %parallel_loop3A_561, %parallel_loop3A_510 : vector<16xi32>
      tpu.vector_store_idx %arg7[%parallel_loop3A_562], %broadcast_in_dim3A_5 masked %parallel_loop3A_534 {add = true} : memref<28672xf32, #tpu.memory_space<vmem>>[vector<16xi32>], vector<16xf32>, vector<16xi1>
    } {sc.loop_unroll_factor = 4 : i64, sc.parallel_access}
    %lt3A_424 = arith.constant 8 : i32
    %lt3A_425 = vector.broadcast %lt3A_424 : i32 to vector<16xi32>
    %lt3A_426 = arith.cmpi slt, %iota3A, %lt3A_425 : vector<16xi32>
    %get3A_427 = arith.constant 12496 : index
    %get3A_428 = tpu.vector_load %arg10[%get3A_427] {strides = array<i32>} : memref<12512xi32, #tpu.memory_space<vmem>>, vector<16xi32>,
    %jit3A_429 = arith.constant 0 : i32
    %broadcast_in_dim3A_430 = vector.broadcast %jit3A_429 : i32 to vector<16xi32>
    %select_n3A_431 = arith.select %lt3A_426, %get3A_428, %broadcast_in_dim3A_430 : vector<16xi1>, vector<16xi32>
    %get3A_432 = arith.constant 12496 : index
    %get3A_433 = tpu.vector_load %arg11[%get3A_432] {strides = array<i32>} : memref<12512xi32, #tpu.memory_space<vmem>>, vector<16xi32>,
    %jit3A_434 = arith.constant 0 : i32
    %broadcast_in_dim3A_435 = vector.broadcast %jit3A_434 : i32 to vector<16xi32>
    %select_n3A_436 = arith.select %lt3A_426, %get3A_433, %broadcast_in_dim3A_435 : vector<16xi1>, vector<16xi32>
    %get3A_437 = arith.constant 12496 : index
    %get3A_438 = tpu.vector_load %arg12[%get3A_437] {strides = array<i32>} : memref<12512xi32, #tpu.memory_space<vmem>>, vector<16xi32>,
    %jit3A_439 = arith.constant 0 : i32
    %broadcast_in_dim3A_440 = vector.broadcast %jit3A_439 : i32 to vector<16xi32>
    %select_n3A_441 = arith.select %lt3A_426, %get3A_438, %broadcast_in_dim3A_440 : vector<16xi1>, vector<16xi32>
    %gather3A_442 = tpu.vector_load_idx %arg6[%select_n3A_431] : memref<50000xi32, #tpu.memory_space<vmem>>[vector<16xi32>], vector<16xi32>,
    %gather3A_443 = tpu.vector_load_idx %arg6[%select_n3A_436] : memref<50000xi32, #tpu.memory_space<vmem>>[vector<16xi32>], vector<16xi32>,
    %mul3A_444 = arith.constant 65 : i32
    %mul3A_445 = vector.broadcast %mul3A_444 : i32 to vector<16xi32>
    %mul3A_446 = arith.muli %gather3A_442, %mul3A_445 : vector<16xi32>
    %add3A_447 = arith.addi %mul3A_446, %gather3A_443 : vector<16xi32>
    %gather3A_448 = tpu.vector_load_idx %arg8[%add3A_447] : memref<4240xi32, #tpu.memory_space<vmem>>[vector<16xi32>], vector<16xi32>,
    %mul3A_449 = arith.constant 65 : i32
    %mul3A_450 = vector.broadcast %mul3A_449 : i32 to vector<16xi32>
    %mul3A_451 = arith.muli %gather3A_443, %mul3A_450 : vector<16xi32>
    %add3A_452 = arith.addi %mul3A_451, %gather3A_442 : vector<16xi32>
    %gather3A_453 = tpu.vector_load_idx %arg8[%add3A_452] : memref<4240xi32, #tpu.memory_space<vmem>>[vector<16xi32>], vector<16xi32>,
    %gt3A_454 = arith.constant 0 : i32
    %gt3A_455 = vector.broadcast %gt3A_454 : i32 to vector<16xi32>
    %gt3A_456 = arith.cmpi sgt, %gather3A_442, %gt3A_455 : vector<16xi32>
    %gt3A_457 = arith.constant 0 : i32
    %gt3A_458 = vector.broadcast %gt3A_457 : i32 to vector<16xi32>
    %gt3A_459 = arith.cmpi sgt, %gather3A_443, %gt3A_458 : vector<16xi32>
    %gt3A_460 = arith.constant 0 : i32
    %gt3A_461 = vector.broadcast %gt3A_460 : i32 to vector<16xi32>
    %gt3A_462 = arith.cmpi sgt, %gather3A_448, %gt3A_461 : vector<16xi32>
    %gt3A_463 = arith.constant 0 : i32
    %gt3A_464 = vector.broadcast %gt3A_463 : i32 to vector<16xi32>
    %gt3A_465 = arith.cmpi sgt, %gather3A_453, %gt3A_464 : vector<16xi32>
    %and3A_466 = arith.andi %lt3A_426, %gt3A_456 : vector<16xi1>
    %and3A_467 = arith.andi %lt3A_426, %gt3A_459 : vector<16xi1>
    %and3A_468 = arith.andi %lt3A_426, %gt3A_462 : vector<16xi1>
    %and3A_469 = arith.andi %lt3A_426, %gt3A_465 : vector<16xi1>
    %add3A_470 = arith.constant 0 : i32
    %add3A_471 = vector.broadcast %add3A_470 : i32 to vector<16xi32>
    %add3A_472 = arith.addi %add3A_471, %gather3A_442 : vector<16xi32>
    %mul3A_473 = arith.constant 128 : i32
    %mul3A_474 = vector.broadcast %mul3A_473 : i32 to vector<16xi32>
    %mul3A_475 = arith.muli %add3A_472, %mul3A_474 : vector<16xi32>
    %add3A_476 = arith.addi %mul3A_475, %select_n3A_441 : vector<16xi32>
    tpu.vector_store_idx %arg7[%add3A_476], %broadcast_in_dim3A_5 masked %and3A_466 {add = true} : memref<28672xf32, #tpu.memory_space<vmem>>[vector<16xi32>], vector<16xf32>, vector<16xi1>
    %add3A_477 = arith.constant 72 : i32
    %add3A_478 = vector.broadcast %add3A_477 : i32 to vector<16xi32>
    %add3A_479 = arith.addi %add3A_478, %gather3A_443 : vector<16xi32>
    %mul3A_480 = arith.constant 128 : i32
    %mul3A_481 = vector.broadcast %mul3A_480 : i32 to vector<16xi32>
    %mul3A_482 = arith.muli %add3A_479, %mul3A_481 : vector<16xi32>
    %add3A_483 = arith.addi %mul3A_482, %select_n3A_441 : vector<16xi32>
    tpu.vector_store_idx %arg7[%add3A_483], %broadcast_in_dim3A_5 masked %and3A_467 {add = true} : memref<28672xf32, #tpu.memory_space<vmem>>[vector<16xi32>], vector<16xf32>, vector<16xi1>
    %add3A_484 = arith.constant 144 : i32
    %add3A_485 = vector.broadcast %add3A_484 : i32 to vector<16xi32>
    %add3A_486 = arith.addi %add3A_485, %gather3A_448 : vector<16xi32>
    %mul3A_487 = arith.constant 128 : i32
    %mul3A_488 = vector.broadcast %mul3A_487 : i32 to vector<16xi32>
    %mul3A_489 = arith.muli %add3A_486, %mul3A_488 : vector<16xi32>
    %add3A_490 = arith.addi %mul3A_489, %select_n3A_441 : vector<16xi32>
    tpu.vector_store_idx %arg7[%add3A_490], %broadcast_in_dim3A_5 masked %and3A_468 {add = true} : memref<28672xf32, #tpu.memory_space<vmem>>[vector<16xi32>], vector<16xf32>, vector<16xi1>
    %add3A_491 = arith.constant 184 : i32
    %add3A_492 = vector.broadcast %add3A_491 : i32 to vector<16xi32>
    %add3A_493 = arith.addi %add3A_492, %gather3A_453 : vector<16xi32>
    %mul3A_494 = arith.constant 128 : i32
    %mul3A_495 = vector.broadcast %mul3A_494 : i32 to vector<16xi32>
    %mul3A_496 = arith.muli %add3A_493, %mul3A_495 : vector<16xi32>
    %add3A_497 = arith.addi %mul3A_496, %select_n3A_441 : vector<16xi32>
    tpu.vector_store_idx %arg7[%add3A_497], %broadcast_in_dim3A_5 masked %and3A_469 {add = true} : memref<28672xf32, #tpu.memory_space<vmem>>[vector<16xi32>], vector<16xf32>, vector<16xi1>
    %mul3A_498 = arith.constant 28672 : i32
    %mul3A_499 = arith.muli %add3A, %mul3A_498 : i32
    "tpu.region"() ({
      %run_scoped3A = tpu.sem_alloc : memref<!tpu.dma_semaphore, #tpu.memory_space<semaphore_mem>>
      %dma_start3A_500 = tpu.memref_slice %arg5[%mul3A_499] : memref<917504xf32, #tpu.memory_space<hbm>> -> memref<28672xf32, #tpu.memory_space<hbm>>
      %dma_start3A_501 = tpu.memref_slice %arg5[%mul3A_499] : memref<917504xf32, #tpu.memory_space<hbm>> -> memref<28672xf32, #tpu.memory_space<hbm>>
      tpu.enqueue_dma source(%arg7 : memref<28672xf32, #tpu.memory_space<vmem>>) target(%dma_start3A_501 : memref<28672xf32, #tpu.memory_space<hbm>>) target_semaphore(%run_scoped3A : memref<!tpu.dma_semaphore, #tpu.memory_space<semaphore_mem>>)
      %dma_wait3A_502 = tpu.memref_slice %arg5[%mul3A_499] : memref<917504xf32, #tpu.memory_space<hbm>> -> memref<28672xf32, #tpu.memory_space<hbm>>
      %dma_wait3A_503 = tpu.memref_slice %arg5[%mul3A_499] : memref<917504xf32, #tpu.memory_space<hbm>> -> memref<28672xf32, #tpu.memory_space<hbm>>
      tpu.wait_dma2 semaphore(%run_scoped3A : memref<!tpu.dma_semaphore, #tpu.memory_space<semaphore_mem>>) src(%arg7 : memref<28672xf32, #tpu.memory_space<vmem>>) dst(%dma_wait3A_503 : memref<28672xf32, #tpu.memory_space<hbm>>)
      tpu.yield
    }) : () -> ()
    return
  }
}

module attributes {stable_mosaic.version = 14 : i64} {
  func.func @_combine_body(%arg0: memref<7168x128xf32, #tpu.memory_space<vmem>>, %arg1: memref<4x32xi32, #tpu.memory_space<vmem>>, %arg2: memref<128x32xf32, #tpu.memory_space<vmem>>, %arg3: memref<6x32x32xf32, #tpu.memory_space<vmem>>, %arg4: memref<6x32xf32, #tpu.memory_space<vmem>>, %arg5: memref<32x32xf32, #tpu.memory_space<vmem>>, %arg6: memref<1x32xf32, #tpu.memory_space<vmem>>, %arg7: memref<32x1xf32, #tpu.memory_space<vmem>>, %arg8: memref<1x1xf32, #tpu.memory_space<vmem>>, %arg9: memref<32x1xf32, #tpu.memory_space<vmem>>) attributes {dimension_semantics = [], scalar_prefetch = 0 : i64, scratch_operands = 0 : i64, tpu.core_type = #tpu.core_type<tc>} {
    %get3A = arith.constant 0 : index
    %get3A_0 = arith.constant 0 : index
    %get3A_1 = vector.load %arg0[%get3A, %get3A_0] : memref<7168x128xf32, #tpu.memory_space<vmem>>, vector<224x128xf32>
    %get3A_2 = arith.constant 224 : index
    %get3A_3 = arith.constant 0 : index
    %get3A_4 = vector.load %arg0[%get3A_2, %get3A_3] : memref<7168x128xf32, #tpu.memory_space<vmem>>, vector<224x128xf32>
    %add3A = arith.addf %get3A_1, %get3A_4 : vector<224x128xf32>
    %get3A_5 = arith.constant 448 : index
    %get3A_6 = arith.constant 0 : index
    %get3A_7 = vector.load %arg0[%get3A_5, %get3A_6] : memref<7168x128xf32, #tpu.memory_space<vmem>>, vector<224x128xf32>
    %add3A_8 = arith.addf %add3A, %get3A_7 : vector<224x128xf32>
    %get3A_9 = arith.constant 672 : index
    %get3A_10 = arith.constant 0 : index
    %get3A_11 = vector.load %arg0[%get3A_9, %get3A_10] : memref<7168x128xf32, #tpu.memory_space<vmem>>, vector<224x128xf32>
    %add3A_12 = arith.addf %add3A_8, %get3A_11 : vector<224x128xf32>
    %get3A_13 = arith.constant 896 : index
    %get3A_14 = arith.constant 0 : index
    %get3A_15 = vector.load %arg0[%get3A_13, %get3A_14] : memref<7168x128xf32, #tpu.memory_space<vmem>>, vector<224x128xf32>
    %add3A_16 = arith.addf %add3A_12, %get3A_15 : vector<224x128xf32>
    %get3A_17 = arith.constant 1120 : index
    %get3A_18 = arith.constant 0 : index
    %get3A_19 = vector.load %arg0[%get3A_17, %get3A_18] : memref<7168x128xf32, #tpu.memory_space<vmem>>, vector<224x128xf32>
    %add3A_20 = arith.addf %add3A_16, %get3A_19 : vector<224x128xf32>
    %get3A_21 = arith.constant 1344 : index
    %get3A_22 = arith.constant 0 : index
    %get3A_23 = vector.load %arg0[%get3A_21, %get3A_22] : memref<7168x128xf32, #tpu.memory_space<vmem>>, vector<224x128xf32>
    %add3A_24 = arith.addf %add3A_20, %get3A_23 : vector<224x128xf32>
    %get3A_25 = arith.constant 1568 : index
    %get3A_26 = arith.constant 0 : index
    %get3A_27 = vector.load %arg0[%get3A_25, %get3A_26] : memref<7168x128xf32, #tpu.memory_space<vmem>>, vector<224x128xf32>
    %add3A_28 = arith.addf %add3A_24, %get3A_27 : vector<224x128xf32>
    %get3A_29 = arith.constant 1792 : index
    %get3A_30 = arith.constant 0 : index
    %get3A_31 = vector.load %arg0[%get3A_29, %get3A_30] : memref<7168x128xf32, #tpu.memory_space<vmem>>, vector<224x128xf32>
    %add3A_32 = arith.addf %add3A_28, %get3A_31 : vector<224x128xf32>
    %get3A_33 = arith.constant 2016 : index
    %get3A_34 = arith.constant 0 : index
    %get3A_35 = vector.load %arg0[%get3A_33, %get3A_34] : memref<7168x128xf32, #tpu.memory_space<vmem>>, vector<224x128xf32>
    %add3A_36 = arith.addf %add3A_32, %get3A_35 : vector<224x128xf32>
    %get3A_37 = arith.constant 2240 : index
    %get3A_38 = arith.constant 0 : index
    %get3A_39 = vector.load %arg0[%get3A_37, %get3A_38] : memref<7168x128xf32, #tpu.memory_space<vmem>>, vector<224x128xf32>
    %add3A_40 = arith.addf %add3A_36, %get3A_39 : vector<224x128xf32>
    %get3A_41 = arith.constant 2464 : index
    %get3A_42 = arith.constant 0 : index
    %get3A_43 = vector.load %arg0[%get3A_41, %get3A_42] : memref<7168x128xf32, #tpu.memory_space<vmem>>, vector<224x128xf32>
    %add3A_44 = arith.addf %add3A_40, %get3A_43 : vector<224x128xf32>
    %get3A_45 = arith.constant 2688 : index
    %get3A_46 = arith.constant 0 : index
    %get3A_47 = vector.load %arg0[%get3A_45, %get3A_46] : memref<7168x128xf32, #tpu.memory_space<vmem>>, vector<224x128xf32>
    %add3A_48 = arith.addf %add3A_44, %get3A_47 : vector<224x128xf32>
    %get3A_49 = arith.constant 2912 : index
    %get3A_50 = arith.constant 0 : index
    %get3A_51 = vector.load %arg0[%get3A_49, %get3A_50] : memref<7168x128xf32, #tpu.memory_space<vmem>>, vector<224x128xf32>
    %add3A_52 = arith.addf %add3A_48, %get3A_51 : vector<224x128xf32>
    %get3A_53 = arith.constant 3136 : index
    %get3A_54 = arith.constant 0 : index
    %get3A_55 = vector.load %arg0[%get3A_53, %get3A_54] : memref<7168x128xf32, #tpu.memory_space<vmem>>, vector<224x128xf32>
    %add3A_56 = arith.addf %add3A_52, %get3A_55 : vector<224x128xf32>
    %get3A_57 = arith.constant 3360 : index
    %get3A_58 = arith.constant 0 : index
    %get3A_59 = vector.load %arg0[%get3A_57, %get3A_58] : memref<7168x128xf32, #tpu.memory_space<vmem>>, vector<224x128xf32>
    %add3A_60 = arith.addf %add3A_56, %get3A_59 : vector<224x128xf32>
    %get3A_61 = arith.constant 3584 : index
    %get3A_62 = arith.constant 0 : index
    %get3A_63 = vector.load %arg0[%get3A_61, %get3A_62] : memref<7168x128xf32, #tpu.memory_space<vmem>>, vector<224x128xf32>
    %add3A_64 = arith.addf %add3A_60, %get3A_63 : vector<224x128xf32>
    %get3A_65 = arith.constant 3808 : index
    %get3A_66 = arith.constant 0 : index
    %get3A_67 = vector.load %arg0[%get3A_65, %get3A_66] : memref<7168x128xf32, #tpu.memory_space<vmem>>, vector<224x128xf32>
    %add3A_68 = arith.addf %add3A_64, %get3A_67 : vector<224x128xf32>
    %get3A_69 = arith.constant 4032 : index
    %get3A_70 = arith.constant 0 : index
    %get3A_71 = vector.load %arg0[%get3A_69, %get3A_70] : memref<7168x128xf32, #tpu.memory_space<vmem>>, vector<224x128xf32>
    %add3A_72 = arith.addf %add3A_68, %get3A_71 : vector<224x128xf32>
    %get3A_73 = arith.constant 4256 : index
    %get3A_74 = arith.constant 0 : index
    %get3A_75 = vector.load %arg0[%get3A_73, %get3A_74] : memref<7168x128xf32, #tpu.memory_space<vmem>>, vector<224x128xf32>
    %add3A_76 = arith.addf %add3A_72, %get3A_75 : vector<224x128xf32>
    %get3A_77 = arith.constant 4480 : index
    %get3A_78 = arith.constant 0 : index
    %get3A_79 = vector.load %arg0[%get3A_77, %get3A_78] : memref<7168x128xf32, #tpu.memory_space<vmem>>, vector<224x128xf32>
    %add3A_80 = arith.addf %add3A_76, %get3A_79 : vector<224x128xf32>
    %get3A_81 = arith.constant 4704 : index
    %get3A_82 = arith.constant 0 : index
    %get3A_83 = vector.load %arg0[%get3A_81, %get3A_82] : memref<7168x128xf32, #tpu.memory_space<vmem>>, vector<224x128xf32>
    %add3A_84 = arith.addf %add3A_80, %get3A_83 : vector<224x128xf32>
    %get3A_85 = arith.constant 4928 : index
    %get3A_86 = arith.constant 0 : index
    %get3A_87 = vector.load %arg0[%get3A_85, %get3A_86] : memref<7168x128xf32, #tpu.memory_space<vmem>>, vector<224x128xf32>
    %add3A_88 = arith.addf %add3A_84, %get3A_87 : vector<224x128xf32>
    %get3A_89 = arith.constant 5152 : index
    %get3A_90 = arith.constant 0 : index
    %get3A_91 = vector.load %arg0[%get3A_89, %get3A_90] : memref<7168x128xf32, #tpu.memory_space<vmem>>, vector<224x128xf32>
    %add3A_92 = arith.addf %add3A_88, %get3A_91 : vector<224x128xf32>
    %get3A_93 = arith.constant 5376 : index
    %get3A_94 = arith.constant 0 : index
    %get3A_95 = vector.load %arg0[%get3A_93, %get3A_94] : memref<7168x128xf32, #tpu.memory_space<vmem>>, vector<224x128xf32>
    %add3A_96 = arith.addf %add3A_92, %get3A_95 : vector<224x128xf32>
    %get3A_97 = arith.constant 5600 : index
    %get3A_98 = arith.constant 0 : index
    %get3A_99 = vector.load %arg0[%get3A_97, %get3A_98] : memref<7168x128xf32, #tpu.memory_space<vmem>>, vector<224x128xf32>
    %add3A_100 = arith.addf %add3A_96, %get3A_99 : vector<224x128xf32>
    %get3A_101 = arith.constant 5824 : index
    %get3A_102 = arith.constant 0 : index
    %get3A_103 = vector.load %arg0[%get3A_101, %get3A_102] : memref<7168x128xf32, #tpu.memory_space<vmem>>, vector<224x128xf32>
    %add3A_104 = arith.addf %add3A_100, %get3A_103 : vector<224x128xf32>
    %get3A_105 = arith.constant 6048 : index
    %get3A_106 = arith.constant 0 : index
    %get3A_107 = vector.load %arg0[%get3A_105, %get3A_106] : memref<7168x128xf32, #tpu.memory_space<vmem>>, vector<224x128xf32>
    %add3A_108 = arith.addf %add3A_104, %get3A_107 : vector<224x128xf32>
    %get3A_109 = arith.constant 6272 : index
    %get3A_110 = arith.constant 0 : index
    %get3A_111 = vector.load %arg0[%get3A_109, %get3A_110] : memref<7168x128xf32, #tpu.memory_space<vmem>>, vector<224x128xf32>
    %add3A_112 = arith.addf %add3A_108, %get3A_111 : vector<224x128xf32>
    %get3A_113 = arith.constant 6496 : index
    %get3A_114 = arith.constant 0 : index
    %get3A_115 = vector.load %arg0[%get3A_113, %get3A_114] : memref<7168x128xf32, #tpu.memory_space<vmem>>, vector<224x128xf32>
    %add3A_116 = arith.addf %add3A_112, %get3A_115 : vector<224x128xf32>
    %get3A_117 = arith.constant 6720 : index
    %get3A_118 = arith.constant 0 : index
    %get3A_119 = vector.load %arg0[%get3A_117, %get3A_118] : memref<7168x128xf32, #tpu.memory_space<vmem>>, vector<224x128xf32>
    %add3A_120 = arith.addf %add3A_116, %get3A_119 : vector<224x128xf32>
    %get3A_121 = arith.constant 6944 : index
    %get3A_122 = arith.constant 0 : index
    %get3A_123 = vector.load %arg0[%get3A_121, %get3A_122] : memref<7168x128xf32, #tpu.memory_space<vmem>>, vector<224x128xf32>
    %add3A_124 = arith.addf %add3A_120, %get3A_123 : vector<224x128xf32>
    %slice3A = vector.extract_strided_slice %add3A_124 {offsets = [0, 0], sizes = [72, 128], strides = [1, 1]} : vector<224x128xf32> to vector<72x128xf32>
    %slice3A_125 = vector.extract_strided_slice %add3A_124 {offsets = [72, 0], sizes = [72, 128], strides = [1, 1]} : vector<224x128xf32> to vector<72x128xf32>
    %slice3A_126 = vector.extract_strided_slice %add3A_124 {offsets = [144, 0], sizes = [40, 128], strides = [1, 1]} : vector<224x128xf32> to vector<40x128xf32>
    %slice3A_127 = vector.extract_strided_slice %add3A_124 {offsets = [184, 0], sizes = [40, 128], strides = [1, 1]} : vector<224x128xf32> to vector<40x128xf32>
    %get3A_128 = arith.constant 0 : index
    %get3A_129 = arith.constant 0 : index
    %get3A_130 = vector.load %arg2[%get3A_128, %get3A_129] : memref<128x32xf32, #tpu.memory_space<vmem>>, vector<128x32xf32>
    %dot_general3A = arith.constant dense<0.000000e+00> : vector<72x32xf32>
    %dot_general3A_131 = tpu.matmul %slice3A, %get3A_130, %dot_general3A {dimension_numbers = #tpu.dot_dimension_numbers<[1], [0], [0], [1], [0, 0, 1, 1], [], []>, transpose_lhs_hint = false} : vector<72x128xf32>, vector<128x32xf32>, vector<72x32xf32> -> vector<72x32xf32>
    %dot_general3A_132 = arith.constant dense<0.000000e+00> : vector<72x32xf32>
    %dot_general3A_133 = tpu.matmul %slice3A_125, %get3A_130, %dot_general3A_132 {dimension_numbers = #tpu.dot_dimension_numbers<[1], [0], [0], [1], [0, 0, 1, 1], [], []>, transpose_lhs_hint = false} : vector<72x128xf32>, vector<128x32xf32>, vector<72x32xf32> -> vector<72x32xf32>
    %dot_general3A_134 = arith.constant dense<0.000000e+00> : vector<40x32xf32>
    %dot_general3A_135 = tpu.matmul %slice3A_126, %get3A_130, %dot_general3A_134 {dimension_numbers = #tpu.dot_dimension_numbers<[1], [0], [0], [1], [0, 0, 1, 1], [], []>, transpose_lhs_hint = false} : vector<40x128xf32>, vector<128x32xf32>, vector<40x32xf32> -> vector<40x32xf32>
    %dot_general3A_136 = arith.constant dense<0.000000e+00> : vector<40x32xf32>
    %dot_general3A_137 = tpu.matmul %slice3A_127, %get3A_130, %dot_general3A_136 {dimension_numbers = #tpu.dot_dimension_numbers<[1], [0], [0], [1], [0, 0, 1, 1], [], []>, transpose_lhs_hint = false} : vector<40x128xf32>, vector<128x32xf32>, vector<40x32xf32> -> vector<40x32xf32>
    %reduce_sum3A = arith.constant dense<0.000000e+00> : vector<72xf32>
    %reduce_sum3A_138 = vector.multi_reduction <add>, %slice3A, %reduce_sum3A [1] : vector<72x128xf32> to vector<72xf32>
    %broadcast_in_dim3A = vector.shape_cast %reduce_sum3A_138 : vector<72xf32> to vector<72x1xf32>
    %reduce_sum3A_139 = arith.constant dense<0.000000e+00> : vector<72xf32>
    %reduce_sum3A_140 = vector.multi_reduction <add>, %slice3A_125, %reduce_sum3A_139 [1] : vector<72x128xf32> to vector<72xf32>
    %broadcast_in_dim3A_141 = vector.shape_cast %reduce_sum3A_140 : vector<72xf32> to vector<72x1xf32>
    %reduce_sum3A_142 = arith.constant dense<0.000000e+00> : vector<40xf32>
    %reduce_sum3A_143 = vector.multi_reduction <add>, %slice3A_126, %reduce_sum3A_142 [1] : vector<40x128xf32> to vector<40xf32>
    %broadcast_in_dim3A_144 = vector.shape_cast %reduce_sum3A_143 : vector<40xf32> to vector<40x1xf32>
    %reduce_sum3A_145 = arith.constant dense<0.000000e+00> : vector<40xf32>
    %reduce_sum3A_146 = vector.multi_reduction <add>, %slice3A_127, %reduce_sum3A_145 [1] : vector<40x128xf32> to vector<40xf32>
    %broadcast_in_dim3A_147 = vector.shape_cast %reduce_sum3A_146 : vector<40xf32> to vector<40x1xf32>
    %get3A_148 = arith.constant 0 : index
    %get3A_149 = arith.constant 0 : index
    %get3A_150 = vector.load %arg1[%get3A_148, %get3A_149] : memref<4x32xi32, #tpu.memory_space<vmem>>, vector<4x32xi32>
    %slice3A_151 = vector.extract_strided_slice %get3A_150 {offsets = [0, 0], sizes = [1, 32], strides = [1, 1]} : vector<4x32xi32> to vector<1x32xi32>
    %transpose3A = tpu.transpose %slice3A_151, [1, 0] : vector<1x32xi32> -> vector<32x1xi32>
    %slice3A_152 = vector.extract_strided_slice %get3A_150 {offsets = [1, 0], sizes = [1, 32], strides = [1, 1]} : vector<4x32xi32> to vector<1x32xi32>
    %transpose3A_153 = tpu.transpose %slice3A_152, [1, 0] : vector<1x32xi32> -> vector<32x1xi32>
    %slice3A_154 = vector.extract_strided_slice %get3A_150 {offsets = [2, 0], sizes = [1, 32], strides = [1, 1]} : vector<4x32xi32> to vector<1x32xi32>
    %transpose3A_155 = tpu.transpose %slice3A_154, [1, 0] : vector<1x32xi32> -> vector<32x1xi32>
    %slice3A_156 = vector.extract_strided_slice %get3A_150 {offsets = [3, 0], sizes = [1, 32], strides = [1, 1]} : vector<4x32xi32> to vector<1x32xi32>
    %transpose3A_157 = tpu.transpose %slice3A_156, [1, 0] : vector<1x32xi32> -> vector<32x1xi32>
    %iota3A = tpu.iota {dimensions = array<i32: 1>} : vector<32x72xi32>
    %eq3A = vector.broadcast %transpose3A : vector<32x1xi32> to vector<32x72xi32>
    %eq3A_158 = arith.cmpi eq, %iota3A, %eq3A : vector<32x72xi32>
    %convert_element_type3A = arith.extui %eq3A_158 : vector<32x72xi1> to vector<32x72xi32>
    %convert_element_type3A_159 = arith.sitofp %convert_element_type3A : vector<32x72xi32> to vector<32x72xf32>
    %iota3A_160 = tpu.iota {dimensions = array<i32: 1>} : vector<32x72xi32>
    %eq3A_161 = vector.broadcast %transpose3A_153 : vector<32x1xi32> to vector<32x72xi32>
    %eq3A_162 = arith.cmpi eq, %iota3A_160, %eq3A_161 : vector<32x72xi32>
    %convert_element_type3A_163 = arith.extui %eq3A_162 : vector<32x72xi1> to vector<32x72xi32>
    %convert_element_type3A_164 = arith.sitofp %convert_element_type3A_163 : vector<32x72xi32> to vector<32x72xf32>
    %iota3A_165 = tpu.iota {dimensions = array<i32: 1>} : vector<32x40xi32>
    %eq3A_166 = vector.broadcast %transpose3A_155 : vector<32x1xi32> to vector<32x40xi32>
    %eq3A_167 = arith.cmpi eq, %iota3A_165, %eq3A_166 : vector<32x40xi32>
    %convert_element_type3A_168 = arith.extui %eq3A_167 : vector<32x40xi1> to vector<32x40xi32>
    %convert_element_type3A_169 = arith.sitofp %convert_element_type3A_168 : vector<32x40xi32> to vector<32x40xf32>
    %iota3A_170 = tpu.iota {dimensions = array<i32: 1>} : vector<32x128xi32>
    %eq3A_171 = vector.broadcast %transpose3A_157 : vector<32x1xi32> to vector<32x128xi32>
    %eq3A_172 = arith.cmpi eq, %iota3A_170, %eq3A_171 : vector<32x128xi32>
    %convert_element_type3A_173 = arith.extui %eq3A_172 : vector<32x128xi1> to vector<32x128xi32>
    %convert_element_type3A_174 = arith.sitofp %convert_element_type3A_173 : vector<32x128xi32> to vector<32x128xf32>
    %dot_general3A_175 = arith.constant dense<0.000000e+00> : vector<32x32xf32>
    %dot_general3A_176 = tpu.matmul %convert_element_type3A_159, %dot_general3A_133, %dot_general3A_175 {dimension_numbers = #tpu.dot_dimension_numbers<[1], [0], [0], [1], [0, 0, 1, 1], [], []>, transpose_lhs_hint = false} : vector<32x72xf32>, vector<72x32xf32>, vector<32x32xf32> -> vector<32x32xf32>
    %dot_general3A_177 = arith.constant dense<0.000000e+00> : vector<32x1xf32>
    %dot_general3A_178 = tpu.matmul %convert_element_type3A_159, %broadcast_in_dim3A_141, %dot_general3A_177 {dimension_numbers = #tpu.dot_dimension_numbers<[1], [0], [0], [1], [0, 0, 1, 1], [], []>, transpose_lhs_hint = false} : vector<32x72xf32>, vector<72x1xf32>, vector<32x1xf32> -> vector<32x1xf32>
    %dot_general3A_179 = arith.constant dense<0.000000e+00> : vector<32x32xf32>
    %dot_general3A_180 = tpu.matmul %convert_element_type3A_159, %dot_general3A_131, %dot_general3A_179 {dimension_numbers = #tpu.dot_dimension_numbers<[1], [0], [0], [1], [0, 0, 1, 1], [], []>, transpose_lhs_hint = false} : vector<32x72xf32>, vector<72x32xf32>, vector<32x32xf32> -> vector<32x32xf32>
    %dot_general3A_181 = arith.constant dense<0.000000e+00> : vector<32x1xf32>
    %dot_general3A_182 = tpu.matmul %convert_element_type3A_159, %broadcast_in_dim3A, %dot_general3A_181 {dimension_numbers = #tpu.dot_dimension_numbers<[1], [0], [0], [1], [0, 0, 1, 1], [], []>, transpose_lhs_hint = false} : vector<32x72xf32>, vector<72x1xf32>, vector<32x1xf32> -> vector<32x1xf32>
    %dot_general3A_183 = arith.constant dense<0.000000e+00> : vector<32x32xf32>
    %dot_general3A_184 = tpu.matmul %convert_element_type3A_164, %dot_general3A_133, %dot_general3A_183 {dimension_numbers = #tpu.dot_dimension_numbers<[1], [0], [0], [1], [0, 0, 1, 1], [], []>, transpose_lhs_hint = false} : vector<32x72xf32>, vector<72x32xf32>, vector<32x32xf32> -> vector<32x32xf32>
    %dot_general3A_185 = arith.constant dense<0.000000e+00> : vector<32x1xf32>
    %dot_general3A_186 = tpu.matmul %convert_element_type3A_164, %broadcast_in_dim3A_141, %dot_general3A_185 {dimension_numbers = #tpu.dot_dimension_numbers<[1], [0], [0], [1], [0, 0, 1, 1], [], []>, transpose_lhs_hint = false} : vector<32x72xf32>, vector<72x1xf32>, vector<32x1xf32> -> vector<32x1xf32>
    %dot_general3A_187 = arith.constant dense<0.000000e+00> : vector<32x32xf32>
    %dot_general3A_188 = tpu.matmul %convert_element_type3A_164, %dot_general3A_131, %dot_general3A_187 {dimension_numbers = #tpu.dot_dimension_numbers<[1], [0], [0], [1], [0, 0, 1, 1], [], []>, transpose_lhs_hint = false} : vector<32x72xf32>, vector<72x32xf32>, vector<32x32xf32> -> vector<32x32xf32>
    %dot_general3A_189 = arith.constant dense<0.000000e+00> : vector<32x1xf32>
    %dot_general3A_190 = tpu.matmul %convert_element_type3A_164, %broadcast_in_dim3A, %dot_general3A_189 {dimension_numbers = #tpu.dot_dimension_numbers<[1], [0], [0], [1], [0, 0, 1, 1], [], []>, transpose_lhs_hint = false} : vector<32x72xf32>, vector<72x1xf32>, vector<32x1xf32> -> vector<32x1xf32>
    %dot_general3A_191 = arith.constant dense<0.000000e+00> : vector<32x32xf32>
    %dot_general3A_192 = tpu.matmul %convert_element_type3A_169, %dot_general3A_135, %dot_general3A_191 {dimension_numbers = #tpu.dot_dimension_numbers<[1], [0], [0], [1], [0, 0, 1, 1], [], []>, transpose_lhs_hint = false} : vector<32x40xf32>, vector<40x32xf32>, vector<32x32xf32> -> vector<32x32xf32>
    %dot_general3A_193 = arith.constant dense<0.000000e+00> : vector<32x1xf32>
    %dot_general3A_194 = tpu.matmul %convert_element_type3A_169, %broadcast_in_dim3A_144, %dot_general3A_193 {dimension_numbers = #tpu.dot_dimension_numbers<[1], [0], [0], [1], [0, 0, 1, 1], [], []>, transpose_lhs_hint = false} : vector<32x40xf32>, vector<40x1xf32>, vector<32x1xf32> -> vector<32x1xf32>
    %dot_general3A_195 = arith.constant dense<0.000000e+00> : vector<32x32xf32>
    %dot_general3A_196 = tpu.matmul %convert_element_type3A_169, %dot_general3A_137, %dot_general3A_195 {dimension_numbers = #tpu.dot_dimension_numbers<[1], [0], [0], [1], [0, 0, 1, 1], [], []>, transpose_lhs_hint = false} : vector<32x40xf32>, vector<40x32xf32>, vector<32x32xf32> -> vector<32x32xf32>
    %dot_general3A_197 = arith.constant dense<0.000000e+00> : vector<32x1xf32>
    %dot_general3A_198 = tpu.matmul %convert_element_type3A_169, %broadcast_in_dim3A_147, %dot_general3A_197 {dimension_numbers = #tpu.dot_dimension_numbers<[1], [0], [0], [1], [0, 0, 1, 1], [], []>, transpose_lhs_hint = false} : vector<32x40xf32>, vector<40x1xf32>, vector<32x1xf32> -> vector<32x1xf32>
    %get3A_199 = arith.constant 0 : index
    %get3A_200 = arith.constant 0 : index
    %get3A_201 = arith.constant 0 : index
    %get3A_202 = vector.load %arg3[%get3A_199, %get3A_200, %get3A_201] : memref<6x32x32xf32, #tpu.memory_space<vmem>>, vector<6x32x32xf32>
    %get3A_203 = arith.constant 0 : index
    %get3A_204 = arith.constant 0 : index
    %get3A_205 = vector.load %arg4[%get3A_203, %get3A_204] : memref<6x32xf32, #tpu.memory_space<vmem>>, vector<6x32xf32>
    %sub3A = arith.subf %dot_general3A_176, %dot_general3A_196 : vector<32x32xf32>
    %slice3A_206 = vector.extract_strided_slice %get3A_202 {offsets = [0, 0, 0], sizes = [1, 32, 32], strides = [1, 1, 1]} : vector<6x32x32xf32> to vector<1x32x32xf32>
    %squeeze3A = vector.shape_cast %slice3A_206 : vector<1x32x32xf32> to vector<32x32xf32>
    %dot_general3A_207 = arith.constant dense<0.000000e+00> : vector<32x32xf32>
    %dot_general3A_208 = tpu.matmul %sub3A, %squeeze3A, %dot_general3A_207 {dimension_numbers = #tpu.dot_dimension_numbers<[1], [0], [0], [1], [0, 0, 1, 1], [], []>, transpose_lhs_hint = false} : vector<32x32xf32>, vector<32x32xf32>, vector<32x32xf32> -> vector<32x32xf32>
    %sub3A_209 = arith.subf %dot_general3A_178, %dot_general3A_198 : vector<32x1xf32>
    %slice3A_210 = vector.extract_strided_slice %get3A_205 {offsets = [0, 0], sizes = [1, 32], strides = [1, 1]} : vector<6x32xf32> to vector<1x32xf32>
    %mul3A = vector.broadcast %sub3A_209 : vector<32x1xf32> to vector<32x32xf32>
    %mul3A_211 = vector.broadcast %slice3A_210 : vector<1x32xf32> to vector<32x32xf32>
    %mul3A_212 = arith.mulf %mul3A, %mul3A_211 : vector<32x32xf32>
    %add3A_213 = arith.addf %dot_general3A_208, %mul3A_212 : vector<32x32xf32>
    %sub3A_214 = arith.subf %dot_general3A_180, %dot_general3A_192 : vector<32x32xf32>
    %slice3A_215 = vector.extract_strided_slice %get3A_202 {offsets = [1, 0, 0], sizes = [1, 32, 32], strides = [1, 1, 1]} : vector<6x32x32xf32> to vector<1x32x32xf32>
    %squeeze3A_216 = vector.shape_cast %slice3A_215 : vector<1x32x32xf32> to vector<32x32xf32>
    %dot_general3A_217 = arith.constant dense<0.000000e+00> : vector<32x32xf32>
    %dot_general3A_218 = tpu.matmul %sub3A_214, %squeeze3A_216, %dot_general3A_217 {dimension_numbers = #tpu.dot_dimension_numbers<[1], [0], [0], [1], [0, 0, 1, 1], [], []>, transpose_lhs_hint = false} : vector<32x32xf32>, vector<32x32xf32>, vector<32x32xf32> -> vector<32x32xf32>
    %sub3A_219 = arith.subf %dot_general3A_182, %dot_general3A_194 : vector<32x1xf32>
    %slice3A_220 = vector.extract_strided_slice %get3A_205 {offsets = [1, 0], sizes = [1, 32], strides = [1, 1]} : vector<6x32xf32> to vector<1x32xf32>
    %mul3A_221 = vector.broadcast %sub3A_219 : vector<32x1xf32> to vector<32x32xf32>
    %mul3A_222 = vector.broadcast %slice3A_220 : vector<1x32xf32> to vector<32x32xf32>
    %mul3A_223 = arith.mulf %mul3A_221, %mul3A_222 : vector<32x32xf32>
    %add3A_224 = arith.addf %dot_general3A_218, %mul3A_223 : vector<32x32xf32>
    %sub3A_225 = arith.subf %dot_general3A_184, %dot_general3A_192 : vector<32x32xf32>
    %slice3A_226 = vector.extract_strided_slice %get3A_202 {offsets = [2, 0, 0], sizes = [1, 32, 32], strides = [1, 1, 1]} : vector<6x32x32xf32> to vector<1x32x32xf32>
    %squeeze3A_227 = vector.shape_cast %slice3A_226 : vector<1x32x32xf32> to vector<32x32xf32>
    %dot_general3A_228 = arith.constant dense<0.000000e+00> : vector<32x32xf32>
    %dot_general3A_229 = tpu.matmul %sub3A_225, %squeeze3A_227, %dot_general3A_228 {dimension_numbers = #tpu.dot_dimension_numbers<[1], [0], [0], [1], [0, 0, 1, 1], [], []>, transpose_lhs_hint = false} : vector<32x32xf32>, vector<32x32xf32>, vector<32x32xf32> -> vector<32x32xf32>
    %sub3A_230 = arith.subf %dot_general3A_186, %dot_general3A_194 : vector<32x1xf32>
    %slice3A_231 = vector.extract_strided_slice %get3A_205 {offsets = [2, 0], sizes = [1, 32], strides = [1, 1]} : vector<6x32xf32> to vector<1x32xf32>
    %mul3A_232 = vector.broadcast %sub3A_230 : vector<32x1xf32> to vector<32x32xf32>
    %mul3A_233 = vector.broadcast %slice3A_231 : vector<1x32xf32> to vector<32x32xf32>
    %mul3A_234 = arith.mulf %mul3A_232, %mul3A_233 : vector<32x32xf32>
    %add3A_235 = arith.addf %dot_general3A_229, %mul3A_234 : vector<32x32xf32>
    %sub3A_236 = arith.subf %dot_general3A_188, %dot_general3A_196 : vector<32x32xf32>
    %slice3A_237 = vector.extract_strided_slice %get3A_202 {offsets = [3, 0, 0], sizes = [1, 32, 32], strides = [1, 1, 1]} : vector<6x32x32xf32> to vector<1x32x32xf32>
    %squeeze3A_238 = vector.shape_cast %slice3A_237 : vector<1x32x32xf32> to vector<32x32xf32>
    %dot_general3A_239 = arith.constant dense<0.000000e+00> : vector<32x32xf32>
    %dot_general3A_240 = tpu.matmul %sub3A_236, %squeeze3A_238, %dot_general3A_239 {dimension_numbers = #tpu.dot_dimension_numbers<[1], [0], [0], [1], [0, 0, 1, 1], [], []>, transpose_lhs_hint = false} : vector<32x32xf32>, vector<32x32xf32>, vector<32x32xf32> -> vector<32x32xf32>
    %sub3A_241 = arith.subf %dot_general3A_190, %dot_general3A_198 : vector<32x1xf32>
    %slice3A_242 = vector.extract_strided_slice %get3A_205 {offsets = [3, 0], sizes = [1, 32], strides = [1, 1]} : vector<6x32xf32> to vector<1x32xf32>
    %mul3A_243 = vector.broadcast %sub3A_241 : vector<32x1xf32> to vector<32x32xf32>
    %mul3A_244 = vector.broadcast %slice3A_242 : vector<1x32xf32> to vector<32x32xf32>
    %mul3A_245 = arith.mulf %mul3A_243, %mul3A_244 : vector<32x32xf32>
    %add3A_246 = arith.addf %dot_general3A_240, %mul3A_245 : vector<32x32xf32>
    %slice3A_247 = vector.extract_strided_slice %get3A_202 {offsets = [4, 0, 0], sizes = [1, 32, 32], strides = [1, 1, 1]} : vector<6x32x32xf32> to vector<1x32x32xf32>
    %squeeze3A_248 = vector.shape_cast %slice3A_247 : vector<1x32x32xf32> to vector<32x32xf32>
    %dot_general3A_249 = arith.constant dense<0.000000e+00> : vector<32x32xf32>
    %dot_general3A_250 = tpu.matmul %dot_general3A_192, %squeeze3A_248, %dot_general3A_249 {dimension_numbers = #tpu.dot_dimension_numbers<[1], [0], [0], [1], [0, 0, 1, 1], [], []>, transpose_lhs_hint = false} : vector<32x32xf32>, vector<32x32xf32>, vector<32x32xf32> -> vector<32x32xf32>
    %slice3A_251 = vector.extract_strided_slice %get3A_205 {offsets = [4, 0], sizes = [1, 32], strides = [1, 1]} : vector<6x32xf32> to vector<1x32xf32>
    %mul3A_252 = vector.broadcast %dot_general3A_194 : vector<32x1xf32> to vector<32x32xf32>
    %mul3A_253 = vector.broadcast %slice3A_251 : vector<1x32xf32> to vector<32x32xf32>
    %mul3A_254 = arith.mulf %mul3A_252, %mul3A_253 : vector<32x32xf32>
    %add3A_255 = arith.addf %dot_general3A_250, %mul3A_254 : vector<32x32xf32>
    %slice3A_256 = vector.extract_strided_slice %get3A_202 {offsets = [5, 0, 0], sizes = [1, 32, 32], strides = [1, 1, 1]} : vector<6x32x32xf32> to vector<1x32x32xf32>
    %squeeze3A_257 = vector.shape_cast %slice3A_256 : vector<1x32x32xf32> to vector<32x32xf32>
    %dot_general3A_258 = arith.constant dense<0.000000e+00> : vector<32x32xf32>
    %dot_general3A_259 = tpu.matmul %dot_general3A_196, %squeeze3A_257, %dot_general3A_258 {dimension_numbers = #tpu.dot_dimension_numbers<[1], [0], [0], [1], [0, 0, 1, 1], [], []>, transpose_lhs_hint = false} : vector<32x32xf32>, vector<32x32xf32>, vector<32x32xf32> -> vector<32x32xf32>
    %slice3A_260 = vector.extract_strided_slice %get3A_205 {offsets = [5, 0], sizes = [1, 32], strides = [1, 1]} : vector<6x32xf32> to vector<1x32xf32>
    %mul3A_261 = vector.broadcast %dot_general3A_198 : vector<32x1xf32> to vector<32x32xf32>
    %mul3A_262 = vector.broadcast %slice3A_260 : vector<1x32xf32> to vector<32x32xf32>
    %mul3A_263 = arith.mulf %mul3A_261, %mul3A_262 : vector<32x32xf32>
    %add3A_264 = arith.addf %dot_general3A_259, %mul3A_263 : vector<32x32xf32>
    %add3A_265 = arith.addf %add3A_213, %add3A_224 : vector<32x32xf32>
    %add3A_266 = arith.addf %add3A_265, %add3A_235 : vector<32x32xf32>
    %add3A_267 = arith.addf %add3A_266, %add3A_246 : vector<32x32xf32>
    %add3A_268 = arith.addf %add3A_267, %add3A_255 : vector<32x32xf32>
    %add3A_269 = arith.addf %add3A_268, %add3A_264 : vector<32x32xf32>
    %gt3A = arith.constant 0.000000e+00 : f32
    %gt3A_270 = vector.broadcast %gt3A : f32 to vector<32x32xf32>
    %gt3A_271 = arith.cmpf ogt, %add3A_269, %gt3A_270 : vector<32x32xf32>
    %mul3A_272 = arith.constant 2.000000e-01 : f32
    %mul3A_273 = vector.broadcast %mul3A_272 : f32 to vector<32x32xf32>
    %mul3A_274 = arith.mulf %mul3A_273, %add3A_269 : vector<32x32xf32>
    %select_n3A = arith.select %gt3A_271, %add3A_269, %mul3A_274 : vector<32x32xi1>, vector<32x32xf32>
    %dot_general3A_275 = arith.constant dense<0.000000e+00> : vector<32x32xf32>
    %dot_general3A_276 = tpu.matmul %convert_element_type3A_174, %get3A_130, %dot_general3A_275 {dimension_numbers = #tpu.dot_dimension_numbers<[1], [0], [0], [1], [0, 0, 1, 1], [], []>, transpose_lhs_hint = false} : vector<32x128xf32>, vector<128x32xf32>, vector<32x32xf32> -> vector<32x32xf32>
    %get3A_277 = arith.constant 0 : index
    %get3A_278 = arith.constant 0 : index
    %get3A_279 = vector.load %arg5[%get3A_277, %get3A_278] : memref<32x32xf32, #tpu.memory_space<vmem>>, vector<32x32xf32>
    %dot_general3A_280 = arith.constant dense<0.000000e+00> : vector<32x32xf32>
    %dot_general3A_281 = tpu.matmul %dot_general3A_276, %get3A_279, %dot_general3A_280 {dimension_numbers = #tpu.dot_dimension_numbers<[1], [0], [0], [1], [0, 0, 1, 1], [], []>, transpose_lhs_hint = false} : vector<32x32xf32>, vector<32x32xf32>, vector<32x32xf32> -> vector<32x32xf32>
    %get3A_282 = arith.constant 0 : index
    %get3A_283 = arith.constant 0 : index
    %get3A_284 = vector.load %arg6[%get3A_282, %get3A_283] : memref<1x32xf32, #tpu.memory_space<vmem>>, vector<1x32xf32>
    %add3A_285 = vector.broadcast %get3A_284 : vector<1x32xf32> to vector<32x32xf32>
    %add3A_286 = arith.addf %dot_general3A_281, %add3A_285 : vector<32x32xf32>
    %add3A_287 = arith.addf %add3A_286, %select_n3A : vector<32x32xf32>
    %get3A_288 = arith.constant 0 : index
    %get3A_289 = arith.constant 0 : index
    %get3A_290 = vector.load %arg7[%get3A_288, %get3A_289] : memref<32x1xf32, #tpu.memory_space<vmem>>, vector<32x1xf32>
    %dot_general3A_291 = arith.constant dense<0.000000e+00> : vector<32x1xf32>
    %dot_general3A_292 = tpu.matmul %add3A_287, %get3A_290, %dot_general3A_291 {dimension_numbers = #tpu.dot_dimension_numbers<[1], [0], [0], [1], [0, 0, 1, 1], [], []>, transpose_lhs_hint = false} : vector<32x32xf32>, vector<32x1xf32>, vector<32x1xf32> -> vector<32x1xf32>
    %get3A_293 = arith.constant 0 : index
    %get3A_294 = arith.constant 0 : index
    %get3A_295 = vector.load %arg8[%get3A_293, %get3A_294] : memref<1x1xf32, #tpu.memory_space<vmem>>, vector<1x1xf32>
    %add3A_296 = vector.broadcast %get3A_295 : vector<1x1xf32> to vector<32x1xf32>
    %add3A_297 = arith.addf %dot_general3A_292, %add3A_296 : vector<32x1xf32>
    %swap3A = arith.constant 0 : index
    %swap3A_298 = arith.constant 0 : index
    %swap3A_299 = vector.load %arg9[%swap3A, %swap3A_298] : memref<32x1xf32, #tpu.memory_space<vmem>>, vector<32x1xf32>
    tpu.vector_store %arg9[%swap3A, %swap3A_298], %add3A_297 {strides = array<i32>} : memref<32x1xf32, #tpu.memory_space<vmem>>, vector<32x1xf32>,
    return
  }
}

</mosaic_0001>

<sc_bundles>
// kernel: kernel.4.cloned.1.call-start
scs
__scs_entry_jumppad:
0x0: {  	(pc) =	sbr.rel $0x88, $3  }
0x1: {  	(tag) =	ssettag $0x0;
	lr =	simm.s32 $0x1  }
0x2: {  	[smem:$0x3F95] =	sst lr;
	_ =	strace $0xD0000000  }
0x3: {  	_ = 	snop  }
0x4: {  	_ = 	snop  }
0x5: {  	_ = 	snop  }
0x6: {  	_ = 	snop  }
0x7: {  	_ = 	snop  }
__scs_overlays_trampoline_lowered:
0x8: {  	[smem:$0x3FA4] =	sst s0  }
0x9: {  	[smem:$0x3FA5] =	sst s1  }
0xa: {  	[smem:$0x3FA6] =	sst s2  }
0xb: {  	[smem:$0x3FA7] =	sst s3  }
0xc: {  	[smem:$0x3FA8] =	sst s4  }
0xd: {  	[smem:$0x3FA9] =	sst s5  }
0xe: {  	[smem:$0x3FAA] =	sst s6  }
0xf: {  	[smem:$0x3FAB] =	sst s7  }
0x10: {  	[smem:$0x3FAC] =	sst s8  }
0x11: {  	[smem:$0x3FAD] =	sst s9;
	s0 =	simm.s32 @!p0 $0x0  }
0x12: {  	s1 =	sld [smem:$0x3F93];
	s0 =	simm.s32 @p0 $0x1  }
0x13: {  	[smem:$0x3FAE] =	sst s0;
	s0 =	simm.s32 @!p1 $0x0  }
0x14: {  	s2 =	sld [smem:$0x3F92];
	s0 =	simm.s32 @p1 $0x1  }
0x15: {  	[smem:$0x3FAF] =	sst s0;
	s0 =	simm.s32 @!p2 $0x0  }
0x16: {  	s3 =	sld [smem:$0x3FDB];
	s0 =	simm.s32 @p2 $0x1  }
0x17: {  	s4 =	simm.s32 $0x1BF5;
	[smem:$0x3FB1] =	sst s0  }
0x18: {  	s0 =	sld [smem:$0x3F94];
	_ =	swait.ge [sflag:s4], $0x0  }
0x19: {  	s7 =	sld [smem:$0x3F95]  }
0x1a: {  	s8 =	sadd.s32 $0xFFFFE003, lr  }
0x1b: {  	s9 =	sadd.s32 $0xFFFFFEF7, lr;
	s5 =	simm.s32 $0xFFFFFFFF;
	p2 =	slt.u32 s8, $0xFFFFF086  }
0x1c: {  	p1 =	slt.u32 s9, $0xF7A;
	s5 =	simm.s32 @!p2 $0x0  }
0x1d: {  	s5 =	simm.s32 @p1 $0x1;
	p0 =	seq.s32 s7, s2  }
0x1e: {  	s7 =	smul.u32 @!p0 $0xF7A, s2;
	p2 =	seq.s32 @!p0 s5, $0x0  }
0x1f: {  	s9 =	smul.u32 $0xF7A, s1;
	s8 =	simm.s32 @!p0 $0x1BF5;
	p2 =	por !p2, p0  }
0x20: {  	[sflag:s8] =	ssyncset.s32 @!p0 $0xFFFFF086;
	s6 =	sadd.s32 @!p0 s3, s7;
	s7 =	simm.s32 @!p0 $0x108  }
0x21: {  	s3 =	sadd.s32 s3, s9;
	s6 =	sadd.s32 @!p0 $0x88, s6;
	s7 =	simm.s32 @p2 $0x1082  }
0x22: {  	[simem:s7], [sflag:s8] =	dma.local @!p0 [hbm:s6], $0xF7A  }
0x23: {  	s9 =	sor.u32 $0xD0000000, s2;
	s6 =	simm.s32 $0x108;
	_ =	swait.ge @!p0 [sflag:s8], $0x0  }
0x24: {  	s3 =	sadd.s32 $0x88, s3;
	s6 =	simm.s32 @!p1 $0x1082;
	[sflag:s4] =	ssyncset.s32 $0xFFFFF086  }
0x25: {  	[simem:s6], [sflag:s4] =	dma.local [hbm:s3], $0xF7A  }
0x26: {  	[smem:$0x3F95] =	sst s1;
	(tag) =	ssettag s2;
	_ =	strace s9  }
0x27: {  	s1 =	sld [smem:$0x3FA5]  }
0x28: {  	s2 =	sld [smem:$0x3FA6]  }
0x29: {  	s4 =	sld [smem:$0x3FA8]  }
0x2a: {  	p0 =	seq.s32 s5, $0x0;
	s5 =	sld [smem:$0x3FA9]  }
0x2b: {  	s6 =	sld [smem:$0x3FAA]  }
0x2c: {  	s7 =	sld [smem:$0x3FAB]  }
0x2d: {  	s3 =	simm.s32 $0x108;
	s8 =	sld [smem:$0x3FAC]  }
0x2e: {  	s3 =	simm.s32 @!p0 $0x1082;
	s9 =	sld [smem:$0x3FAD]  }
0x2f: {  	lr =	sadd.s32 s0, s3;
	s0 =	sld [smem:$0x3FA4]  }
0x30: {  	s3 =	sld [smem:$0x3FA7]  }
0x31: {  	[smem:$0x3FB0] =	sst s10  }
0x32: {  	s10 =	sld [smem:$0x3FAE];
	_ =	sdelay $0x3  }
0x33: {  	p0 =	seq.s32 s10, $0x1;
	s10 =	sld [smem:$0x3FB0];
	_ =	sdelay $0x3  }
0x34: {  	[smem:$0x3FB0] =	sst s10  }
0x35: {  	s10 =	sld [smem:$0x3FAF];
	_ =	sdelay $0x3  }
0x36: {  	p1 =	seq.s32 s10, $0x1;
	s10 =	sld [smem:$0x3FB0];
	_ =	sdelay $0x3  }
0x37: {  	[smem:$0x3FB0] =	sst s10  }
0x38: {  	s10 =	sld [smem:$0x3FB1]  }
0x39: {  	_ = 	snop;
	(pc) =	sbr.ind lr, $3  }
0x3a: {  	_ = 	snop  }
0x3b: {  	_ = 	snop  }
0x3c: {  	p2 =	seq.s32 s10, $0x1;
	s10 =	sld [smem:$0x3FB0]  }
0x3d: {  	_ =	shalt  }
0x3e: {  	_ =	shalt  }
0x3f: {  	_ =	shalt  }
0x40: {  	_ =	shalt  }
0x41: {  	_ =	shalt  }
0x42: {  	_ =	shalt  }
0x43: {  	_ =	shalt  }
0x44: {  	_ =	shalt  }
0x45: {  	_ =	shalt  }
0x46: {  	_ =	shalt  }
0x47: {  	_ =	shalt  }
0x48: {  	_ =	shalt  }
0x49: {  	_ =	shalt  }
0x4a: {  	_ =	shalt  }
0x4b: {  	_ =	shalt  }
0x4c: {  	_ =	shalt  }
0x4d: {  	_ =	shalt  }
0x4e: {  	_ =	shalt  }
0x4f: {  	_ =	shalt  }
0x50: {  	_ =	shalt  }
0x51: {  	_ =	shalt  }
0x52: {  	_ =	shalt  }
0x53: {  	_ =	shalt  }
0x54: {  	_ =	shalt  }
0x55: {  	_ =	shalt  }
0x56: {  	_ =	shalt  }
0x57: {  	_ =	shalt  }
0x58: {  	_ =	shalt  }
0x59: {  	_ =	shalt  }
0x5a: {  	_ =	shalt  }
0x5b: {  	_ =	shalt  }
0x5c: {  	_ =	shalt  }
0x5d: {  	_ =	shalt  }
0x5e: {  	_ =	shalt  }
0x5f: {  	_ =	shalt  }
0x60: {  	_ =	shalt  }
0x61: {  	_ =	shalt  }
0x62: {  	_ =	shalt  }
0x63: {  	_ =	shalt  }
0x64: {  	_ =	shalt  }
0x65: {  	_ =	shalt  }
0x66: {  	_ =	shalt  }
0x67: {  	_ =	shalt  }
0x68: {  	_ =	shalt  }
0x69: {  	_ =	shalt  }
0x6a: {  	_ =	shalt  }
0x6b: {  	_ =	shalt  }
0x6c: {  	_ =	shalt  }
0x6d: {  	_ =	shalt  }
0x6e: {  	_ =	shalt  }
0x6f: {  	_ =	shalt  }
0x70: {  	_ =	shalt  }
0x71: {  	_ =	shalt  }
0x72: {  	_ =	shalt  }
0x73: {  	_ =	shalt  }
0x74: {  	_ =	shalt  }
0x75: {  	_ =	shalt  }
0x76: {  	_ =	shalt  }
0x77: {  	_ =	shalt  }
0x78: {  	_ =	shalt  }
0x79: {  	_ =	shalt  }
0x7a: {  	_ =	shalt  }
0x7b: {  	_ =	shalt  }
0x7c: {  	_ =	shalt  }
0x7d: {  	_ =	shalt  }
0x7e: {  	_ =	shalt  }
0x7f: {  	_ =	shalt  }
0x80: {  	_ =	shalt  }
0x81: {  	_ =	shalt  }
0x82: {  	_ =	shalt  }
0x83: {  	_ =	shalt  }
0x84: {  	_ =	shalt  }
0x85: {  	_ =	shalt  }
0x86: {  	_ =	shalt  }
0x87: {  	_ =	shalt  }
.Lfunc_end0:
.L_simem_size_0:
called_computation_lowered:
.L_overlay_start_0:
0x88: {  	s2 =	sld [smem:$0x3FD9]  }
0x89: {  	s3 =	sld [smem:$0x3FFE];
	_ =	sdelay $0x1  }
0x8a: {  	s1 =	srdreg.scid  }
0x8b: {  	s0 =	sand.u32 $0x1, s1  }
0x8c: {  	s17 =	sshll.u32 s0, $0xA;
	s2 =	sadd.s32 s3, s2  }
0x8d: {  	s2 =	sadd.s32 s2, s17  }
0x8e: {  	[smem:$0x3FBC] =	sst s2  }
0x8f: {  	_ = 	snop  }
0x90: {  	s2 =	sld [smem:$0x3FC8];
	(tm) =	ssettm $0x1  }
0x91: {  	s18 =	sld [smem:$0x3FFB];
	_ =	sdelay $0x3  }
0x92: {  	_ =	strace s18  }
0x93: {  	s3 =	sld [smem:$0x3FFC];
	_ =	sdelay $0x3  }
0x94: {  	_ =	strace s3  }
0x95: {  	s3 =	sld [smem:$0x3FFD];
	_ =	sdelay $0x3  }
0x96: {  	_ =	strace s3  }
0x97: {  	_ =	strace $0x8FFFFFFF  }
0x98: {  	s19 =	sld [smem:$0x3FDB];
	_ =	sdelay $0x1  }
0x99: {  	s4 =	simm.s32 $_scs_section_size  }
0x9a: {  	s5 =	simm.s32 $_size__tile_overlayer_lowered;
	s6 =	simm.s32 $_tile_overlayer_lowered  }
0x9b: {  	s22 =	simm.s32 $0x1BFF;
	s21 =	sshll.u32 s6, $0x1;
	s3 =	sadd.s32 s4, s19  }
0x9c: {  	s7 =	simm.s32 $0x0;
	s20 =	sshll.u32 s5, $0x1;
	s5 =	sadd.s32 s21, s3  }
0x9d: {  	[timem:s7], [sflag:s22] =	dma.local [hbm:s5], s20  }
0x9e: {  	_ =	swait.ge [sflag:s22], s20  }
0x9f: {  	s4 =	ssub.s32 $0x0, s20;
	[sflag:s22] =	ssyncset.done $0x0  }
0xa0: {  	[sflag:s22] =	ssyncadd.s32 s4;
	_ =	sdelay $0x1  }
0xa1: {  	s23 =	simm.s32 $0x1B8B  }
0xa2: {  	_ =	swait.ge [sflag:s23], $0x1  }
0xa3: {  	[sflag:s23] =	ssyncset.done $0x0  }
0xa4: {  	s25 =	simm.s32 $0x1B8E;
	s24 =	sld [smem:$0x3FFE];
	[sflag:s23] =	ssyncadd.s32 $0xFFFFFFFF  }
0xa5: {  	s26 =	simm.s32 $execute0_lowered;
	[smem:$0x3FD2] =	sst s25  }
0xa6: {  	s5 =	sshll.u32 s26, $0x1;
	_ =	strace $0x80000046;
	[dreg:$0x1] =	wrdreg $0xFFFFFFFF  }
0xa7: {  	s28 =	simm.s32 $_size_execute0_lowered;
	s3 =	sadd.s32 s3, s5;
	[dreg:$0x0] =	wrdreg $0x0  }
0xa8: {  	s5 =	sshll.u32 s28, $0x1;
	[dreg:$0x2] =	wrdreg s3  }
0xa9: {  	[dreg:$0x3] =	wrdreg s5  }
0xaa: {  	[dreg:$0x4] =	wrdreg $0xC0  }
0xab: {  	_ =	task [dreg:s7], $0x5FFFF  }
0xac: {  	[dreg:$0x1] =	wrdreg $0xFFFFFFFF  }
0xad: {  	[dreg:$0x0] =	wrdreg $0x60  }
0xae: {  	[dreg:$0x2] =	wrdreg s24  }
0xaf: {  	[dreg:$0x3] =	wrdreg s2  }
0xb0: {  	[dreg:$0x4] =	wrdreg $0x9  }
0xb1: {  	_ =	task.clear_ibuf [dreg:s7], $0x5FFFF;
	_ =	strace $0x90000046  }
0xb2: {  	s29 =	simm.s32 $0x9;
	_ =	strace $0x80000048  }
0xb3: {  	_ =	swait.ge [sflag:s29], $0x1  }
0xb4: {  	[sflag:s29] =	ssyncadd.s32 $0xFFFFFFFF  }
0xb5: {  	_ =	strace $0x90000048  }
0xb6: {  	_ =	sfence  }
0xb7: {  	s30 =	sld [smem:$0x0];
	_ =	sdelay $0x2  }
0xb8: {  	s31 =	sshll.u32 s1, $0xD;
	s1 =	sshrl.u32 s1, $0x2  }
0xb9: {  	s3 =	sand.u32 $0x4000, s31;
	s1 =	sadd.s32 s1, s30  }
0xba: {  	s0 =	sor.u32 s3, s0;
	s1 =	sshll.u32 s1, $0x11  }
0xbb: {  	s0 =	sor.u32 s1, s0  }
0xbc: {  	s0 =	sadd.s32 $0x8F2B, s0  }
0xbd: {  	[sflag:s0] =	ssyncadd.remote.s32 $0x1  }
0xbe: {  	_ =	sfence.sel $0xFFFF  }
0xbf: {  	[dreg:$0x0] =	wrdreg $0xFFFFFFFF;
	(pc) =	sbr.abs _section_cstart, $3  }
0xc0: {  	[dreg:$0x1] =	wrdreg $0xFFFFFFFF  }
0xc1: {  	_ =	task.clear_ibuf [dreg:s7], $0x2FFFF;
	_ =	strace $0x9FFFFFFF  }
0xc2: {  	(tm) =	ssettm $0x7FFFFFFF  }
0xc3: {  	_ =	shalt  }
tec
execute0_lowered:
.L_overlay_start_1:
0x0: {  	(tag) =	ssettag $0x1  }
0x1: {  	s0 =	srdreg.scid;
	s1 =	rddreg [dreg:$0x0]  }
0x2: {  	s2 =	stileid.u32;
	s3 =	rddreg [dreg:$0x1]  }
0x3: {  	s19 =	simm.s32 $0x14600;
	s20 =	simm.s32 $0x1A800;
	s21 =	simm.s32 $0x15E70  }
0x4: {  	s22 =	simm.s32 $0x18F70;
	s23 =	simm.s32 $0x1C070;
	s28 =	simm.s32 $0x1  }
0x5: {  	s29 =	simm.s32 $0xC380;
	s0 =	sand.u32 $0x1, s0;
	s2 =	sshll.u32 s2, $0x1  }
0x6: {  	s30 =	simm.s32 $0x0;
	s25 =	sadd.s32 $0x30E00, s1;
	s4 =	sor.u32 s0, s2  }
0x7: {  	s2 =	simm.s32 $0x0;
	s0 =	ssub.s32 $0x2, s0;
	s5 =	smul.u32 $0xE00, s4  }
0x8: {  	[smem:$0x7FF] =	sst s2;
	s9 =	smul.u32 $0x61A8, s4;
	s26 =	sshrl.u32 s0, $0x1  }
0x9: {  	_ =	strace $0x80000047;
	[dreg:$0x3] =	wrdreg s25;
	s0 =	ssub.s32 s0, s26  }
0xa: {  	s25 =	simm.s32 $0x2;
	s26 =	simm.s32 $0x13380;
	s16 =	sadd.s32 s5, s1  }
0xb: {  	s12 =	sshrl.u32 s9, $0x3;
	s11 =	sadd.s32 $0x30D8, s9;
	s13 =	sadd.s32 $0xC65D8, s9  }
0xc: {  	s17 =	smax.u32 s0, $0x1;
	s4 =	sadd.s32 s1, s12;
	s10 =	sadd.s32 $0x30E, s12  }
0xd: {  	s6 =	sadd.s32 s3, s12;
	s14 =	sshrl.u32 s11, $0x3;
	s31 =	sshrl.u32 s13, $0x3  }
0xe: {  	s15 =	sadd.s32 $0x928, s12;
	s16 =	sadd.s32 $0x31000, s16;
	s5 =	sadd.s32 $0x186A0, s4  }
0xf: {  	s7 =	sadd.s32 s1, s10;
	s8 =	sadd.s32 $0x189AE, s4;
	s9 =	sadd.s32 s3, s10  }
0x10: {  	v0 =	vimm.s32 $0x0;
	s10 =	sadd.s32 s1, s14;
	s11 =	sadd.s32 s1, s31;
	s12 =	sadd.s32 s3, s14  }
0x11: {  	v1 =	vimm.f32 $0.0e+00;
	v2 =	vimm.f32 $1.000000000e+00;
	vm0 =	vmmov $0xff;
	s13 =	sadd.s32 s1, s15;
	s14 =	sadd.s32 $0x18FC8, s4;
	s15 =	sadd.s32 s3, s15  }
.LBB2_1:
0x12: {  	[tilespmem:s19], [sflag:$0x1] =	stream.linear.gather [hbm4b:s4+s2], $0x1870, $0x38;
	[tilespmem:$0x1D900] =	vst v63  }
0x13: {  	s0 =	simm.s32 $0x17700  }
0x14: {  	[tilespmem:s0], [sflag:$0x1] =	stream.linear.gather [hbm4b:s5+s2], $0x1870, $0x38;
	[tilespmem:$0x1D900] =	vst v63  }
0x15: {  	_ = 	snop  }
0x16: {  	[tilespmem:s20], [sflag:$0x1] =	stream.linear.gather [hbm4b:s6+s2], $0x1870, $0x38;
	[tilespmem:$0x1D900] =	vst v63  }
0x17: {  	_ = 	snop  }
0x18: {  	[tilespmem:s21], [sflag:$0x1] =	stream.linear.gather [hbm4b:s7+s2], $0x1868, $0x38;
	[tilespmem:$0x1D900] =	vst v63  }
0x19: {  	_ = 	snop  }
0x1a: {  	[tilespmem:s22], [sflag:$0x1] =	stream.linear.gather [hbm4b:s8+s2], $0x1868, $0x38;
	[tilespmem:$0x1D900] =	vst v63  }
0x1b: {  	s0 =	simm.s32 $0x40  }
0x1c: {  	[tilespmem:s23], [sflag:$0x1] =	stream.linear.gather [hbm4b:s9+s2], $0x1868, $0x38;
	[tilespmem:$0x1D900] =	vst v63  }
0x1d: {  	[tilespmem:s0+$0xFFFFFFC0] =	vst v0  }
0x1e: {  	[tilespmem:s0+$0x30] =	vst v0  }
0x1f: {  	[tilespmem:s0+$0x20] =	vst v0  }
0x20: {  	[tilespmem:s0+$0x10] =	vst v0  }
0x21: {  	[tilespmem:s0+$0x0] =	vst v0  }
0x22: {  	[tilespmem:s0+$0xFFFFFFF0] =	vst v0  }
0x23: {  	s1 =	simm.s32 $0x0;
	[tilespmem:s0+$0xFFFFFFE0] =	vst v0  }
.LBB2_2:
0x24: {  	s1 =	sadd.s32 $0x8, s1;
	[tilespmem:s0+$0xFFFFFFD0] =	vst v0;
	s0 =	sadd.s32 $0x80, s0  }
0x25: {  	[tilespmem:s0+$0xFFFFFFC0] =	vst v0;
	p0 =	slt.u32 s1, $0xC28  }
0x26: {  	[tilespmem:s0+$0x30] =	vst v0  }
.Ltmp0:
0x27: {  	[tilespmem:s0+$0x20] =	vst v0;
	(pc) =	sbr.rel @p0 .LBB2_2-.Ltmp0, $4  }
0x28: {  	[tilespmem:s0+$0x10] =	vst v0  }
0x29: {  	[tilespmem:s0+$0x0] =	vst v0  }
0x2a: {  	[tilespmem:s0+$0xFFFFFFF0] =	vst v0  }
0x2b: {  	[tilespmem:s0+$0xFFFFFFE0] =	vst v0  }
0x2c: {  	[tilespmem:s0+$0xFFFFFFD0] =	vst v0  }
0x2d: {  	[tilespmem:$0xC300] =	vst v0  }
0x2e: {  	[tilespmem:$0xC310] =	vst v0  }
0x2f: {  	[tilespmem:$0xC320] =	vst v0  }
0x30: {  	[tilespmem:$0xC330] =	vst v0  }
0x31: {  	s0 =	simm.s32 $0x133C0;
	[tilespmem:$0xC340] =	vst v0  }
0x32: {  	[tilespmem:s0+$0xFFFFFFC0] =	vst v0  }
0x33: {  	[tilespmem:s0+$0x30] =	vst v0  }
0x34: {  	[tilespmem:s0+$0x20] =	vst v0  }
0x35: {  	[tilespmem:s0+$0x10] =	vst v0  }
0x36: {  	[tilespmem:s0+$0x0] =	vst v0  }
0x37: {  	[tilespmem:s0+$0xFFFFFFF0] =	vst v0  }
0x38: {  	s1 =	simm.s32 $0x0;
	[tilespmem:s0+$0xFFFFFFE0] =	vst v0  }
.LBB2_4:
0x39: {  	s1 =	sadd.s32 $0x8, s1;
	[tilespmem:s0+$0xFFFFFFD0] =	vst v0;
	s0 =	sadd.s32 $0x80, s0  }
0x3a: {  	[tilespmem:s0+$0xFFFFFFC0] =	vst v0;
	p0 =	slt.u32 s1, $0x100  }
0x3b: {  	[tilespmem:s0+$0x30] =	vst v0  }
.Ltmp1:
0x3c: {  	[tilespmem:s0+$0x20] =	vst v0;
	(pc) =	sbr.rel @p0 .LBB2_4-.Ltmp1, $4  }
0x3d: {  	[tilespmem:s0+$0x10] =	vst v0  }
0x3e: {  	[tilespmem:s0+$0x0] =	vst v0  }
0x3f: {  	[tilespmem:s0+$0xFFFFFFF0] =	vst v0  }
0x40: {  	[tilespmem:s0+$0xFFFFFFE0] =	vst v0  }
0x41: {  	[tilespmem:s0+$0xFFFFFFD0] =	vst v0  }
0x42: {  	s0 =	simm.s32 $0xC3C0;
	[tilespmem:$0x14400] =	vst v0  }
0x43: {  	[tilespmem:s0+$0xFFFFFFC0] =	vst v1  }
0x44: {  	[tilespmem:s0+$0x30] =	vst v1  }
0x45: {  	[tilespmem:s0+$0x20] =	vst v1  }
0x46: {  	[tilespmem:s0+$0x10] =	vst v1  }
0x47: {  	[tilespmem:s0+$0x0] =	vst v1  }
0x48: {  	[tilespmem:s0+$0xFFFFFFF0] =	vst v1  }
0x49: {  	s1 =	simm.s32 $0x0;
	[tilespmem:s0+$0xFFFFFFE0] =	vst v1  }
.LBB2_6:
0x4a: {  	s1 =	sadd.s32 $0x8, s1;
	[tilespmem:s0+$0xFFFFFFD0] =	vst v1;
	s0 =	sadd.s32 $0x80, s0  }
0x4b: {  	[tilespmem:s0+$0xFFFFFFC0] =	vst v1;
	p0 =	slt.u32 s1, $0x6F8  }
0x4c: {  	[tilespmem:s0+$0x30] =	vst v1  }
.Ltmp2:
0x4d: {  	[tilespmem:s0+$0x20] =	vst v1;
	(pc) =	sbr.rel @p0 .LBB2_6-.Ltmp2, $4  }
0x4e: {  	[tilespmem:s0+$0x10] =	vst v1  }
0x4f: {  	[tilespmem:s0+$0x0] =	vst v1  }
0x50: {  	[tilespmem:s0+$0xFFFFFFF0] =	vst v1  }
0x51: {  	[tilespmem:s0+$0xFFFFFFE0] =	vst v1  }
0x52: {  	[tilespmem:s0+$0xFFFFFFD0] =	vst v1;
	s18 =	rddreg [dreg:$0x3];
	s1 =	simm.s32 $0x14480  }
0x53: {  	[tilespmem:s1], [sflag:$0x2] =	stream.linear.gather [hbm4b:s18+s2], $0x180, $0x38;
	[tilespmem:$0x1D900] =	vst v63  }
0x54: {  	_ =	swait.ge [sflag:s25], $0x180  }
0x55: {  	[sflag:s25] =	ssyncset.done $0x0  }
0x56: {  	[sflag:s25] =	ssyncadd.s32 $0xFFFFFE80  }
0x57: {  	v3 =	vld [tilespmem:$0x14540];
	_ =	sdelay $0x2  }
0x58: {  	v4 =	vld [tilespmem:$0x14480];
	_ =	sdelay $0x1  }
0x59: {  	vm1 =	vgt.s32 v3, $0x0  }
0x5a: {  	v3 =	vld [tilespmem:$0x144C0];
	_ =	sdelay $0x4  }
0x5b: {  	[tilespmem:v4+s2+$0x0] =	vst.idx.add.s32.msk vm1, v3  }
0x5c: {  	v3 =	vld [tilespmem:$0x14550];
	_ =	sdelay $0x2  }
0x5d: {  	v4 =	vld [tilespmem:$0x14490];
	_ =	sdelay $0x1  }
0x5e: {  	vm1 =	vgt.s32 v3, $0x0  }
0x5f: {  	v3 =	vld [tilespmem:$0x144D0];
	_ =	sdelay $0x4  }
0x60: {  	[tilespmem:v4+s2+$0x0] =	vst.idx.add.s32.msk vm1, v3  }
0x61: {  	v3 =	vld [tilespmem:$0x14560];
	_ =	sdelay $0x2  }
0x62: {  	v4 =	vld [tilespmem:$0x144A0];
	_ =	sdelay $0x1  }
0x63: {  	vm1 =	vgt.s32 v3, $0x0  }
0x64: {  	v3 =	vld [tilespmem:$0x144E0];
	_ =	sdelay $0x4  }
0x65: {  	[tilespmem:v4+s2+$0x0] =	vst.idx.add.s32.msk vm1, v3  }
0x66: {  	v3 =	vld [tilespmem:$0x14570];
	_ =	sdelay $0x2  }
0x67: {  	v4 =	vld [tilespmem:$0x144B0];
	_ =	sdelay $0x1  }
0x68: {  	vm1 =	vgt.s32 v3, $0x0  }
0x69: {  	v3 =	vld [tilespmem:$0x144F0];
	_ =	sdelay $0x4  }
0x6a: {  	[tilespmem:v4+s2+$0x0] =	vst.idx.add.s32.msk vm1, v3  }
0x6b: {  	v3 =	vld [tilespmem:$0x14580];
	_ =	sdelay $0x2  }
0x6c: {  	v4 =	vld [tilespmem:$0x14500];
	_ =	sdelay $0x1  }
0x6d: {  	vm1 =	vgt.s32 v3, $0x0  }
0x6e: {  	v3 =	vld [tilespmem:$0x14520];
	_ =	sdelay $0x4  }
0x6f: {  	[tilespmem:v4+s26+$0x0] =	vst.idx.add.s32.msk vm1, v3  }
0x70: {  	v3 =	vld [tilespmem:$0x14590];
	_ =	sdelay $0x2  }
0x71: {  	v4 =	vld [tilespmem:$0x14510];
	_ =	sdelay $0x1  }
0x72: {  	vm1 =	vgt.s32 v3, $0x0  }
0x73: {  	v3 =	vld [tilespmem:$0x14530];
	_ =	sdelay $0x4  }
0x74: {  	[tilespmem:v4+s26+$0x0] =	vst.idx.add.s32.msk vm1, v3  }
0x75: {  	_ =	swait.ge [sflag:s28], $0x1870  }
0x76: {  	[sflag:s28] =	ssyncset.done $0x0  }
0x77: {  	[sflag:s28] =	ssyncadd.s32 $0xFFFFE790  }
0x78: {  	_ =	swait.ge [sflag:s28], $0x1870  }
0x79: {  	[sflag:s28] =	ssyncset.done $0x0  }
0x7a: {  	[sflag:s28] =	ssyncadd.s32 $0xFFFFE790  }
0x7b: {  	_ =	swait.ge [sflag:s28], $0x1870  }
0x7c: {  	[sflag:s28] =	ssyncset.done $0x0  }
0x7d: {  	s24 =	simm.s32 $0x14620;
	[sflag:s28] =	ssyncadd.s32 $0xFFFFE790  }
0x7e: {  	v5 =	vld [tilespmem:s24+$0xFFFFFFF0]  }
0x7f: {  	s1 =	simm.s32 $0x1A820;
	v6 =	vld [tilespmem:s24+$0x10]  }
0x80: {  	s3 =	simm.s32 $0x17720;
	v4 =	vld [tilespmem:s1+$0x10]  }
0x81: {  	v7 =	vld [tilespmem:s3+$0x10]  }
0x82: {  	v8 =	vld [tilespmem:s3+$0x0]  }
0x83: {  	v9 =	vld [tilespmem:s24+$0x0]  }
0x84: {  	v10 =	vld [tilespmem:s24+$0xFFFFFFE0]  }
0x85: {  	v13 =	vld [tilespmem:s3+$0xFFFFFFF0]  }
0x86: {  	s31 =	simm.s32 $0x0;
	v17 =	vld [tilespmem:s3+$0xFFFFFFE0]  }
0x87: {  	v11 =	vld.idx.msk [tilespmem:v6+s31+$0x0], $0xffff  }
0x88: {  	v12 =	vld.idx.msk [tilespmem:v5+s31+$0x0], $0xffff  }
0x89: {  	v15 =	vld.idx.msk [tilespmem:v7+s31+$0x0], $0xffff  }
0x8a: {  	v7 =	vld.idx.msk [tilespmem:v8+s31+$0x0], $0xffff  }
0x8b: {  	v14 =	vld.idx.msk [tilespmem:v9+s31+$0x0], $0xffff  }
0x8c: {  	v16 =	vld.idx.msk [tilespmem:v10+s31+$0x0], $0xffff  }
0x8d: {  	v8 =	vld.idx.msk [tilespmem:v13+s31+$0x0], $0xffff;
	v6 =	vmul.u32 $0x41, v11  }
0x8e: {  	v3 =	vld [tilespmem:s1+$0x0];
	v5 =	vshll.u32 v11, $0x7;
	v21 =	vmul.u32 $0x41, v12  }
0x8f: {  	v9 =	vadd.s32 v4, v5;
	v5 =	vmul.u32 $0x41, v15;
	v13 =	vadd.s32 v15, v6  }
0x90: {  	v17 =	vld.idx.msk [tilespmem:v17+s31+$0x0], $0xffff;
	v20 =	vshll.u32 v12, $0x7;
	v22 =	vmul.u32 $0x41, v14;
	v10 =	vshll.u32 v14, $0x7  }
0x91: {  	v28 =	vmul.u32 $0x41, v7;
	v25 =	vshll.u32 v7, $0x7;
	v18 =	vadd.s32 v11, v5;
	v5 =	vld [tilespmem:s1+$0xFFFFFFF0]  }
0x92: {  	v26 =	vmul.u32 $0x41, v16;
	v27 =	vmul.u32 $0x41, v8;
	v6 =	vshll.u32 v15, $0x7  }
0x93: {  	v10 =	vadd.s32 v3, v10;
	v24 =	vadd.s32 v8, v21;
	v19 =	vadd.s32 v6, v4;
	v6 =	vld [tilespmem:s1+$0xFFFFFFE0]  }
0x94: {  	s0 =	simm.s32 $0x0;
	s18 =	simm.s32 $0x14660;
	s24 =	simm.s32 $0x17760;
	v23 =	vadd.s32 v7, v22;
	v22 =	vshll.u32 v16, $0x7;
	v21 =	vadd.s32 v14, v28;
	v13 =	vld.idx.msk [tilespmem:v13+s26+$0x0], $0xffff  }
.LBB2_8:
0x95: {  	v28 =	vld [tilespmem:s18+$0xFFFFFFF0];
	s0 =	sadd.s32 $0x4, s0;
	v26 =	vadd.s32 v17, v26;
	v29 =	vshll.u32 v8, $0x7;
	v25 =	vadd.s32 v25, v3;
	s1 =	sadd.s32 $0x40, s1  }
0x96: {  	v30 =	vld [tilespmem:s1+$0xFFFFFFE0];
	p0 =	slt.u32 s0, $0x180;
	v27 =	vadd.s32 v12, v27;
	v29 =	vadd.s32 v29, v5  }
0x97: {  	v31 =	vld [tilespmem:s1+$0xFFFFFFF0]  }
0x98: {  	v32 =	vld [tilespmem:s1+$0x10]  }
0x99: {  	v24 =	vld.idx.msk [tilespmem:v24+s26+$0x0], $0xffff  }
0x9a: {  	vm1 =	vgt.s32 v12, $0x0;
	v12 =	vshll.u32 v13, $0x7;
	v26 =	vld.idx.msk [tilespmem:v26+s26+$0x0], $0xffff  }
0x9b: {  	v20 =	vadd.s32 v5, v20;
	v34 =	vadd.s32 v12, v4;
	v33 =	vld [tilespmem:s1+$0x0]  }
0x9c: {  	v35 =	vld [tilespmem:s24+$0x0]  }
0x9d: {  	v12 =	vmul.u32 $0x41, v17;
	v36 =	vld [tilespmem:s24+$0xFFFFFFE0]  }
0x9e: {  	vm5 =	vgt.s32 v11, $0x0;
	v23 =	vld.idx.msk [tilespmem:v23+s26+$0x0], $0xffff  }
0x9f: {  	vm4 =	vgt.s32 v16, $0x0;
	v11 =	vadd.s32 v16, v12;
	v12 =	vshll.u32 v24, $0x7;
	v27 =	vld.idx.msk [tilespmem:v27+s26+$0x0], $0xffff  }
0xa0: {  	v16 =	vadd.s32 v6, v22;
	v22 =	vshll.u32 v26, $0x7;
	v38 =	vadd.s32 v12, v5;
	v37 =	vld [tilespmem:s18+$0x0]  }
0xa1: {  	vm6 =	vgt.s32 v15, $0x0;
	v22 =	vadd.s32 v22, v6;
	v21 =	vld.idx.msk [tilespmem:v21+s26+$0x0], $0xffff  }
0xa2: {  	v12 =	vadd.s32 $0x2400, v19;
	v15 =	vld [tilespmem:s24+$0x10]  }
0xa3: {  	v19 =	vld [tilespmem:s18+$0x10]  }
0xa4: {  	vm3 =	vgt.s32 v14, $0x0;
	v39 =	vld.idx.msk [tilespmem:v11+s26+$0x0], $0xffff;
	v11 =	vshll.u32 v23, $0x7  }
0xa5: {  	v14 =	vshll.u32 v27, $0x7;
	v40 =	vadd.s32 v11, v3;
	v18 =	vld.idx.msk [tilespmem:v18+s26+$0x0], $0xffff  }
0xa6: {  	vm2 =	vgt.s32 v7, $0x0;
	v11 =	vshll.u32 v17, $0x7;
	v41 =	vadd.s32 v14, v5;
	v5 =	vmovc v31;
	[tilespmem:v9+s29+$0x0] =	vst.idx.add.f32.msk vm5, v2  }
0xa7: {  	v14 =	vadd.s32 $0x2400, v25;
	vm5 =	vgt.s32 v17, $0x0;
	v7 =	vadd.s32 v11, v6;
	[tilespmem:v12+s29+$0x0] =	vst.idx.add.f32.msk vm6, v2  }
0xa8: {  	v7 =	vadd.s32 $0x2400, v7;
	[tilespmem:v16+s29+$0x0] =	vst.idx.add.f32.msk vm4, v2  }
0xa9: {  	vm4 =	vgt.s32 v26, $0x0;
	v17 =	vld [tilespmem:s24+$0xFFFFFFF0]  }
0xaa: {  	v9 =	vadd.s32 $0x4800, v22;
	v11 =	vshll.u32 v39, $0x7;
	v12 =	vld.idx.msk [tilespmem:v28+s31+$0x0], $0xffff  }
0xab: {  	v22 =	vadd.s32 v11, v6;
	v25 =	vshll.u32 v18, $0x7;
	v6 =	vmov v30;
	v16 =	vld [tilespmem:s18+$0xFFFFFFE0]  }
0xac: {  	vm6 =	vgt.s32 v8, $0x0;
	v8 =	vshll.u32 v21, $0x7;
	v11 =	vld.idx.msk [tilespmem:v19+s31+$0x0], $0xffff;
	v19 =	vadd.s32 v25, v4;
	v4 =	vmovc v32  }
0xad: {  	v8 =	vadd.s32 v8, v3;
	v3 =	vmov v33;
	v25 =	vadd.s32 $0x2400, v29;
	[tilespmem:v7+s29+$0x0] =	vst.idx.add.f32.msk vm5, v2  }
0xae: {  	[tilespmem:v10+s29+$0x0] =	vst.idx.add.f32.msk vm3, v2  }
0xaf: {  	[tilespmem:v9+s29+$0x0] =	vst.idx.add.f32.msk vm4, v2  }
0xb0: {  	vm4 =	vgt.s32 v13, $0x0;
	[tilespmem:v20+s29+$0x0] =	vst.idx.add.f32.msk vm1, v2  }
0xb1: {  	vm3 =	vgt.s32 v23, $0x0;
	v10 =	vadd.s32 $0x4800, v34;
	v7 =	vld.idx.msk [tilespmem:v35+s31+$0x0], $0xffff  }
0xb2: {  	v13 =	vadd.s32 $0x4800, v40;
	vm1 =	vgt.s32 v18, $0x0;
	v9 =	vshll.u32 v11, $0x7;
	[tilespmem:v25+s29+$0x0] =	vst.idx.add.f32.msk vm6, v2  }
0xb3: {  	v18 =	vadd.s32 $0x5C00, v19;
	v9 =	vadd.s32 v4, v9;
	[tilespmem:v14+s29+$0x0] =	vst.idx.add.f32.msk vm2, v2  }
0xb4: {  	vm5 =	vgt.s32 v39, $0x0;
	v19 =	vadd.s32 $0x5C00, v22;
	v16 =	vld.idx.msk [tilespmem:v16+s31+$0x0], $0xffff  }
0xb5: {  	vm2 =	vgt.s32 v21, $0x0;
	v15 =	vld.idx.msk [tilespmem:v15+s31+$0x0], $0xffff  }
0xb6: {  	v21 =	vadd.s32 $0x5C00, v8;
	[tilespmem:v10+s29+$0x0] =	vst.idx.add.f32.msk vm4, v2  }
0xb7: {  	vm4 =	vgt.s32 v24, $0x0;
	v10 =	vadd.s32 $0x4800, v38;
	v14 =	vld.idx.msk [tilespmem:v37+s31+$0x0], $0xffff  }
0xb8: {  	v22 =	vmul.u32 $0x41, v12;
	v20 =	vshll.u32 v12, $0x7;
	vm6 =	vgt.s32 v27, $0x0;
	v8 =	vld.idx.msk [tilespmem:v17+s31+$0x0], $0xffff  }
0xb9: {  	v23 =	vmul.u32 $0x41, v11;
	v27 =	vadd.s32 $0x5C00, v41;
	[tilespmem:v13+s29+$0x0] =	vst.idx.add.f32.msk vm3, v2  }
0xba: {  	[tilespmem:v19+s29+$0x0] =	vst.idx.add.f32.msk vm5, v2  }
0xbb: {  	v13 =	vadd.s32 v15, v23;
	v23 =	vmul.u32 $0x41, v15;
	v19 =	vshll.u32 v15, $0x7;
	v17 =	vld.idx.msk [tilespmem:v36+s31+$0x0], $0xffff  }
.Ltmp3:
0xbc: {  	v19 =	vadd.s32 v19, v4;
	[tilespmem:v18+s29+$0x0] =	vst.idx.add.f32.msk vm1, v2;
	(pc) =	sbr.rel @p0 .LBB2_8-.Ltmp3, $4  }
0xbd: {  	v28 =	vmul.u32 $0x41, v14;
	v24 =	vshll.u32 v14, $0x7;
	v18 =	vadd.s32 v11, v23;
	[tilespmem:v10+s29+$0x0] =	vst.idx.add.f32.msk vm4, v2  }
0xbe: {  	v29 =	vmul.u32 $0x41, v7;
	v25 =	vshll.u32 v7, $0x7;
	v10 =	vadd.s32 v3, v24;
	[tilespmem:v21+s29+$0x0] =	vst.idx.add.f32.msk vm2, v2  }
0xbf: {  	v26 =	vmul.u32 $0x41, v16;
	v24 =	vadd.s32 v8, v22;
	v23 =	vadd.s32 v7, v28;
	[tilespmem:v27+s29+$0x0] =	vst.idx.add.f32.msk vm6, v2  }
0xc0: {  	s24 =	sadd.s32 $0x40, s24;
	s18 =	sadd.s32 $0x40, s18;
	v22 =	vshll.u32 v16, $0x7;
	v21 =	vadd.s32 v14, v29;
	v27 =	vmul.u32 $0x41, v8;
	v13 =	vld.idx.msk [tilespmem:v13+s26+$0x0], $0xffff  }
0xc1: {  	_ =	sdelay $0x2  }
0xc2: {  	v26 =	vadd.s32 v17, v26;
	v28 =	vmul.u32 $0x41, v17;
	v29 =	vshll.u32 v8, $0x7  }
0xc3: {  	vm2 =	vgt.s32 v11, $0x0;
	v39 =	vadd.s32 v25, v3;
	v24 =	vld.idx.msk [tilespmem:v24+s26+$0x0], $0xffff;
	v27 =	vadd.s32 v12, v27  }
0xc4: {  	vm1 =	vgt.s32 v12, $0x0;
	v20 =	vadd.s32 v5, v20;
	v23 =	vld.idx.msk [tilespmem:v23+s26+$0x0], $0xffff;
	vm6 =	vgt.s32 v14, $0x0  }
0xc5: {  	vm3 =	vgt.s32 v15, $0x0;
	vm4 =	vgt.s32 v16, $0x0;
	v43 =	vadd.s32 $0x2400, v19;
	v48 =	vld.idx.msk [tilespmem:v18+s26+$0x0], $0xffff  }
0xc6: {  	v44 =	vshll.u32 v17, $0x7;
	v22 =	vadd.s32 v6, v22;
	vm5 =	vgt.s32 v17, $0x0;
	v52 =	vld.idx.msk [tilespmem:v21+s26+$0x0], $0xffff  }
0xc7: {  	vm11 =	vgt.s32 v7, $0x0;
	v40 =	vadd.s32 v29, v5;
	v46 =	vadd.s32 v44, v6;
	v26 =	vld.idx.msk [tilespmem:v26+s26+$0x0], $0xffff  }
0xc8: {  	v11 =	vadd.s32 $0x2400, v39;
	v28 =	vadd.s32 v16, v28;
	v17 =	vadd.s32 $0x2400, v46;
	v42 =	vld.idx.msk [tilespmem:v27+s26+$0x0], $0xffff  }
0xc9: {  	v56 =	vadd.s32 $0x2400, v40;
	v41 =	vshll.u32 v13, $0x7;
	vm12 =	vgt.s32 v13, $0x0;
	[tilespmem:v9+s29+$0x0] =	vst.idx.add.f32.msk vm2, v2  }
0xca: {  	v49 =	vshll.u32 v24, $0x7;
	v50 =	vadd.s32 v41, v4;
	v53 =	vshll.u32 v23, $0x7;
	[tilespmem:v10+s29+$0x0] =	vst.idx.add.f32.msk vm6, v2  }
0xcb: {  	vm13 =	vgt.s32 v23, $0x0;
	v59 =	vshll.u32 v48, $0x7;
	[tilespmem:v43+s29+$0x0] =	vst.idx.add.f32.msk vm3, v2;
	vm3 =	vgt.s32 v8, $0x0  }
0xcc: {  	v61 =	vshll.u32 v52, $0x7;
	vm14 =	vgt.s32 v52, $0x0;
	[tilespmem:v20+s29+$0x0] =	vst.idx.add.f32.msk vm1, v2;
	v47 =	vshll.u32 v26, $0x7  }
0xcd: {  	v9 =	vadd.s32 $0x4800, v50;
	v45 =	vld.idx.msk [tilespmem:v28+s26+$0x0], $0xffff;
	vm2 =	vgt.s32 v26, $0x0;
	v19 =	vadd.s32 v47, v6  }
0xce: {  	v51 =	vadd.s32 v49, v5;
	v55 =	vadd.s32 v53, v3;
	[tilespmem:v22+s29+$0x0] =	vst.idx.add.f32.msk vm4, v2;
	v19 =	vadd.s32 $0x4800, v19  }
0xcf: {  	v60 =	vadd.s32 v59, v4;
	vm1 =	vgt.s32 v48, $0x0;
	v8 =	vadd.s32 $0x4800, v55;
	[tilespmem:v11+s29+$0x0] =	vst.idx.add.f32.msk vm11, v2  }
0xd0: {  	v3 =	vadd.s32 v61, v3;
	v4 =	vadd.s32 $0x5C00, v60;
	v62 =	vadd.s32 $0x4800, v51;
	[tilespmem:v17+s29+$0x0] =	vst.idx.add.f32.msk vm5, v2  }
0xd1: {  	v3 =	vadd.s32 $0x5C00, v3;
	v54 =	vshll.u32 v42, $0x7;
	[tilespmem:v56+s29+$0x0] =	vst.idx.add.f32.msk vm3, v2;
	vm3 =	vgt.s32 v24, $0x0  }
0xd2: {  	[tilespmem:v9+s29+$0x0] =	vst.idx.add.f32.msk vm12, v2;
	vm15 =	vgt.s32 v42, $0x0;
	v57 =	vshll.u32 v45, $0x7;
	v63 =	vadd.s32 v54, v5  }
0xd3: {  	v58 =	vadd.s32 v57, v6;
	v5 =	vadd.s32 $0x5C00, v63;
	[tilespmem:v19+s29+$0x0] =	vst.idx.add.f32.msk vm2, v2;
	vm2 =	vgt.s32 v45, $0x0  }
0xd4: {  	[tilespmem:v8+s29+$0x0] =	vst.idx.add.f32.msk vm13, v2;
	v6 =	vadd.s32 $0x5C00, v58  }
0xd5: {  	[tilespmem:v4+s29+$0x0] =	vst.idx.add.f32.msk vm1, v2  }
0xd6: {  	[tilespmem:v3+s29+$0x0] =	vst.idx.add.f32.msk vm14, v2  }
0xd7: {  	[tilespmem:v62+s29+$0x0] =	vst.idx.add.f32.msk vm3, v2  }
0xd8: {  	[tilespmem:v5+s29+$0x0] =	vst.idx.add.f32.msk vm15, v2  }
0xd9: {  	[tilespmem:v6+s29+$0x0] =	vst.idx.add.f32.msk vm2, v2  }
.LBB2_10:
0xda: {  	s0 =	sshra.s32 s31, $0x2  }
0xdb: {  	v3 =	vld [tilespmem:s0+$0x15E40]  }
0xdc: {  	v4 =	vld [tilespmem:s0+$0x18F40];
	_ =	sdelay $0x6  }
0xdd: {  	v3 =	vld.idx.msk [tilespmem:v3+s2+$0x0], $0xffff  }
0xde: {  	v4 =	vld.idx.msk [tilespmem:v4+s2+$0x0], $0xffff;
	_ =	sdelay $0x3  }
0xdf: {  	v5 =	vmul.u32 $0x41, v3  }
0xe0: {  	v6 =	vmul.u32 $0x41, v4  }
0xe1: {  	v5 =	vadd.s32 v4, v5  }
0xe2: {  	v6 =	vadd.s32 v3, v6;
	_ =	sdelay $0x2  }
0xe3: {  	v7 =	vld [tilespmem:s0+$0x1C040]  }
0xe4: {  	v5 =	vld.idx.msk [tilespmem:v5+s26+$0x0], $0xffff  }
0xe5: {  	v6 =	vld.idx.msk [tilespmem:v6+s26+$0x0], $0xffff;
	_ =	sdelay $0x1  }
0xe6: {  	vm1 =	vgt.s32 v3, $0x0;
	v3 =	vshll.u32 v3, $0x7  }
0xe7: {  	vm2 =	vgt.s32 v4, $0x0;
	v4 =	vshll.u32 v4, $0x7;
	v3 =	vadd.s32 v7, v3  }
0xe8: {  	v4 =	vadd.s32 v4, v7;
	vm3 =	vgt.s32 v5, $0x0;
	v5 =	vshll.u32 v5, $0x7  }
0xe9: {  	v4 =	vadd.s32 $0x2400, v4;
	v8 =	vshll.u32 v6, $0x7;
	v5 =	vadd.s32 v5, v7  }
0xea: {  	vm4 =	vgt.s32 v6, $0x0;
	v63 =	vadd.s32 v8, v7;
	v5 =	vadd.s32 $0x4800, v5  }
0xeb: {  	p0 =	sne.s32 s31, $0x80;
	v6 =	vadd.s32 $0x5C00, v63  }
.Ltmp4:
0xec: {  	_ = 	snop;
	(pc) =	sbr.rel @p0 .LBB2_10-.Ltmp4, $4  }
0xed: {  	[tilespmem:v3+s29+$0x0] =	vst.idx.add.f32.msk vm1, v2  }
0xee: {  	[tilespmem:v4+s29+$0x0] =	vst.idx.add.f32.msk vm2, v2  }
0xef: {  	[tilespmem:v5+s29+$0x0] =	vst.idx.add.f32.msk vm3, v2  }
0xf0: {  	s31 =	sadd.s32 $0x40, s31;
	[tilespmem:v6+s29+$0x0] =	vst.idx.add.f32.msk vm4, v2  }
0xf1: {  	s31 =	simm.s32 $0x0  }
0xf2: {  	[tilespmem:s19], [sflag:$0x1] =	stream.linear.gather [hbm4b:s10+s31], $0x1868, $0x38;
	[tilespmem:$0x1D900] =	vst v63  }
0xf3: {  	s0 =	simm.s32 $0x17700  }
0xf4: {  	[tilespmem:s0], [sflag:$0x1] =	stream.linear.gather [hbm4b:s11+s31], $0x1868, $0x38;
	[tilespmem:$0x1D900] =	vst v63  }
0xf5: {  	_ = 	snop  }
0xf6: {  	[tilespmem:s20], [sflag:$0x1] =	stream.linear.gather [hbm4b:s12+s31], $0x1868, $0x38;
	[tilespmem:$0x1D900] =	vst v63  }
0xf7: {  	_ =	swait.ge [sflag:s28], $0x1868  }
0xf8: {  	[sflag:s28] =	ssyncset.done $0x0  }
0xf9: {  	[sflag:s28] =	ssyncadd.s32 $0xFFFFE798  }
0xfa: {  	_ =	swait.ge [sflag:s28], $0x1868  }
0xfb: {  	[sflag:s28] =	ssyncset.done $0x0  }
0xfc: {  	[sflag:s28] =	ssyncadd.s32 $0xFFFFE798  }
0xfd: {  	_ =	swait.ge [sflag:s28], $0x1868  }
0xfe: {  	[sflag:s28] =	ssyncset.done $0x0  }
0xff: {  	s24 =	simm.s32 $0x18FA0;
	[sflag:s28] =	ssyncadd.s32 $0xFFFFE798  }
0x100: {  	v3 =	vld [tilespmem:s24+$0xFFFFFFF0]  }
0x101: {  	s1 =	simm.s32 $0x15EA0  }
0x102: {  	v4 =	vld [tilespmem:s1+$0xFFFFFFF0]  }
0x103: {  	v6 =	vld [tilespmem:s1+$0x0]  }
0x104: {  	v7 =	vld [tilespmem:s1+$0xFFFFFFD0]  }
0x105: {  	v8 =	vld [tilespmem:s24+$0x0]  }
0x106: {  	s3 =	sand.u32 $0x1FC0, s31;
	v9 =	vld [tilespmem:s24+$0xFFFFFFD0]  }
0x107: {  	v10 =	vld [tilespmem:s3+$0x15E80]  }
0x108: {  	v12 =	vld.idx.msk [tilespmem:v3+s31+$0x0], $0xffff  }
0x109: {  	v17 =	vld [tilespmem:s3+$0x18F80]  }
0x10a: {  	s1 =	simm.s32 $0x1C0A0;
	v13 =	vld.idx.msk [tilespmem:v4+s31+$0x0], $0xffff  }
0x10b: {  	v5 =	vld [tilespmem:s1+$0xFFFFFFF0]  }
0x10c: {  	v14 =	vld.idx.msk [tilespmem:v7+s31+$0x0], $0xffff  }
0x10d: {  	v4 =	vld.idx.msk [tilespmem:v8+s31+$0x0], $0xffff;
	v7 =	vmul.u32 $0x41, v12  }
0x10e: {  	v11 =	vld.idx.msk [tilespmem:v9+s31+$0x0], $0xffff  }
0x10f: {  	v3 =	vld.idx.msk [tilespmem:v6+s31+$0x0], $0xffff;
	v7 =	vadd.s32 v13, v7  }
0x110: {  	v15 =	vld.idx.msk [tilespmem:v10+s31+$0x0], $0xffff  }
0x111: {  	v6 =	vld [tilespmem:s3+$0x1C080];
	v8 =	vmul.u32 $0x41, v14;
	v9 =	vmul.u32 $0x41, v13  }
0x112: {  	v10 =	vld [tilespmem:s1+$0xFFFFFFD0];
	v16 =	vshll.u32 v14, $0x7;
	v18 =	vshll.u32 v12, $0x7;
	v20 =	vmul.u32 $0x41, v4  }
0x113: {  	v17 =	vld.idx.msk [tilespmem:v17+s31+$0x0], $0xffff;
	vm1 =	vgt.s32 v12, $0x0;
	v22 =	vmul.u32 $0x41, v11;
	v21 =	vadd.s32 v11, v8  }
0x114: {  	s18 =	simm.s32 $0x18FE0;
	v18 =	vadd.s32 v18, v5;
	v19 =	vadd.s32 v12, v9;
	v8 =	vadd.s32 v3, v20;
	v12 =	vld.idx.msk [tilespmem:v7+s26+$0x0], $0xffff  }
0x115: {  	s0 =	simm.s32 $0x0;
	s24 =	simm.s32 $0x15EE0;
	s3 =	simm.s32 $0x40;
	v20 =	vshll.u32 v13, $0x7;
	v9 =	vadd.s32 $0x2400, v18;
	v18 =	vshll.u32 v11, $0x7;
	v7 =	vld [tilespmem:s1+$0x0]  }
.LBB2_12:
0x116: {  	s19 =	sand.u32 $0x1FC0, s3;
	v23 =	vld [tilespmem:s24+$0x0];
	s0 =	sadd.s32 $0x4, s0;
	s1 =	sadd.s32 $0x40, s1  }
0x117: {  	v24 =	vld [tilespmem:s1+$0xFFFFFFF0];
	p0 =	slt.u32 s0, $0x180  }
0x118: {  	vm2 =	vgt.s32 v13, $0x0;
	v21 =	vld.idx.msk [tilespmem:v21+s26+$0x0], $0xffff  }
0x119: {  	v27 =	vshll.u32 v4, $0x7;
	v13 =	vmul.u32 $0x41, v17;
	v26 =	vshll.u32 v17, $0x7;
	v25 =	vld [tilespmem:s24+$0xFFFFFFD0]  }
0x11a: {  	v22 =	vadd.s32 v14, v22;
	vm4 =	vgt.s32 v14, $0x0;
	v14 =	vadd.s32 v5, v20;
	v28 =	vld [tilespmem:s18+$0xFFFFFFD0]  }
0x11b: {  	v16 =	vadd.s32 v10, v16;
	vm3 =	vgt.s32 v17, $0x0;
	v20 =	vadd.s32 v26, v6;
	v19 =	vld.idx.msk [tilespmem:v19+s26+$0x0], $0xffff  }
0x11c: {  	v29 =	vmul.u32 $0x41, v15;
	v30 =	vshll.u32 v12, $0x7;
	v13 =	vadd.s32 v15, v13;
	v26 =	vld [tilespmem:s18+$0xFFFFFFF0]  }
0x11d: {  	vm5 =	vgt.s32 v15, $0x0;
	v15 =	vshll.u32 v15, $0x7;
	v30 =	vadd.s32 v30, v5;
	v31 =	vld [tilespmem:s18+$0x0]  }
0x11e: {  	v18 =	vadd.s32 v18, v10;
	v17 =	vadd.s32 v17, v29;
	v33 =	vshll.u32 v21, $0x7;
	v32 =	vld [tilespmem:s24+$0xFFFFFFF0]  }
0x11f: {  	v18 =	vadd.s32 $0x2400, v18;
	v15 =	vadd.s32 v6, v15;
	v29 =	vadd.s32 v33, v10;
	v22 =	vld.idx.msk [tilespmem:v22+s26+$0x0], $0xffff  }
0x120: {  	vm6 =	vgt.s32 v11, $0x0;
	v11 =	vadd.s32 $0x2400, v20;
	[tilespmem:v16+s29+$0x0] =	vst.idx.add.f32.msk vm4, v2;
	v16 =	vadd.s32 v27, v7  }
0x121: {  	v20 =	vld.idx.msk [tilespmem:v13+s26+$0x0], $0xffff;
	v13 =	vshll.u32 v19, $0x7  }
0x122: {  	[tilespmem:v14+s29+$0x0] =	vst.idx.add.f32.msk vm2, v2;
	v13 =	vadd.s32 v13, v5;
	v5 =	vmov v24  }
0x123: {  	vm2 =	vgt.s32 v12, $0x0;
	v14 =	vld.idx.msk [tilespmem:v17+s26+$0x0], $0xffff  }
0x124: {  	v12 =	vmul.u32 $0x41, v3;
	[tilespmem:v15+s29+$0x0] =	vst.idx.add.f32.msk vm5, v2  }
0x125: {  	v15 =	vshll.u32 v22, $0x7;
	[tilespmem:v11+s29+$0x0] =	vst.idx.add.f32.msk vm3, v2;
	vm3 =	vgt.s32 v19, $0x0;
	v11 =	vadd.s32 $0x5C00, v30  }
0x126: {  	v12 =	vadd.s32 v4, v12;
	v10 =	vadd.s32 v15, v10;
	v15 =	vadd.s32 $0x4800, v13;
	[tilespmem:v18+s29+$0x0] =	vst.idx.add.f32.msk vm6, v2  }
0x127: {  	vm4 =	vgt.s32 v21, $0x0;
	v17 =	vshll.u32 v20, $0x7;
	[tilespmem:v9+s29+$0x0] =	vst.idx.add.f32.msk vm1, v2  }
0x128: {  	v18 =	vadd.s32 $0x4800, v29;
	vm1 =	vgt.s32 v22, $0x0;
	v9 =	vld [tilespmem:s19+$0x18F80]  }
0x129: {  	v10 =	vadd.s32 $0x5C00, v10;
	v13 =	vshll.u32 v14, $0x7;
	v19 =	vld [tilespmem:s19+$0x15E80]  }
0x12a: {  	v21 =	vadd.s32 v13, v6;
	v8 =	vld.idx.msk [tilespmem:v8+s26+$0x0], $0xffff  }
0x12b: {  	v12 =	vld.idx.msk [tilespmem:v12+s26+$0x0], $0xffff  }
0x12c: {  	v13 =	vld.idx.msk [tilespmem:v32+s31+$0x0], $0xffff  }
0x12d: {  	[tilespmem:v18+s29+$0x0] =	vst.idx.add.f32.msk vm4, v2;
	vm4 =	vgt.s32 v14, $0x0  }
0x12e: {  	[tilespmem:v10+s29+$0x0] =	vst.idx.add.f32.msk vm1, v2;
	v10 =	vadd.s32 $0x4800, v21  }
0x12f: {  	v6 =	vadd.s32 v17, v6;
	vm1 =	vgt.s32 v20, $0x0;
	[tilespmem:v15+s29+$0x0] =	vst.idx.add.f32.msk vm3, v2  }
0x130: {  	v6 =	vadd.s32 $0x5C00, v6;
	v15 =	vshll.u32 v3, $0x7;
	v17 =	vshll.u32 v8, $0x7;
	v14 =	vld.idx.msk [tilespmem:v25+s31+$0x0], $0xffff  }
0x131: {  	vm3 =	vgt.s32 v3, $0x0;
	v20 =	vshll.u32 v12, $0x7;
	v17 =	vadd.s32 v17, v7;
	v18 =	vld.idx.msk [tilespmem:v26+s31+$0x0], $0xffff  }
0x132: {  	vm5 =	vgt.s32 v4, $0x0;
	v15 =	vadd.s32 v7, v15;
	v4 =	vadd.s32 v20, v7;
	v3 =	vld.idx.msk [tilespmem:v23+s31+$0x0], $0xffff  }
0x133: {  	v7 =	vadd.s32 $0x2400, v16;
	[tilespmem:v10+s29+$0x0] =	vst.idx.add.f32.msk vm4, v2  }
0x134: {  	[tilespmem:v11+s29+$0x0] =	vst.idx.add.f32.msk vm2, v2;
	vm2 =	vgt.s32 v12, $0x0  }
0x135: {  	[tilespmem:v6+s29+$0x0] =	vst.idx.add.f32.msk vm1, v2;
	vm1 =	vgt.s32 v8, $0x0;
	v6 =	vadd.s32 $0x4800, v4  }
0x136: {  	v16 =	vshll.u32 v14, $0x7;
	v8 =	vadd.s32 $0x5C00, v17;
	v4 =	vld.idx.msk [tilespmem:v31+s31+$0x0], $0xffff  }
0x137: {  	[tilespmem:v15+s29+$0x0] =	vst.idx.add.f32.msk vm3, v2  }
0x138: {  	[tilespmem:v7+s29+$0x0] =	vst.idx.add.f32.msk vm5, v2  }
0x139: {  	v7 =	vmul.u32 $0x41, v18;
	v11 =	vld.idx.msk [tilespmem:v28+s31+$0x0], $0xffff  }
0x13a: {  	v12 =	vmul.u32 $0x41, v14;
	v10 =	vshll.u32 v18, $0x7;
	[tilespmem:v6+s29+$0x0] =	vst.idx.add.f32.msk vm2, v2  }
0x13b: {  	v23 =	vadd.s32 v10, v5;
	v7 =	vadd.s32 v13, v7;
	[tilespmem:v8+s29+$0x0] =	vst.idx.add.f32.msk vm1, v2  }
0x13c: {  	v8 =	vmul.u32 $0x41, v13;
	v20 =	vmul.u32 $0x41, v4;
	v15 =	vld.idx.msk [tilespmem:v19+s31+$0x0], $0xffff  }
.Ltmp5:
0x13d: {  	v6 =	vld [tilespmem:s19+$0x1C080];
	(pc) =	sbr.rel @p0 .LBB2_12-.Ltmp5, $4  }
0x13e: {  	v19 =	vadd.s32 v18, v8;
	v10 =	vld [tilespmem:s1+$0xFFFFFFD0]  }
0x13f: {  	vm1 =	vgt.s32 v18, $0x0;
	v8 =	vadd.s32 v3, v20;
	v21 =	vadd.s32 v11, v12;
	v17 =	vld.idx.msk [tilespmem:v9+s31+$0x0], $0xffff  }
0x140: {  	v20 =	vshll.u32 v13, $0x7;
	v22 =	vmul.u32 $0x41, v11;
	v9 =	vadd.s32 $0x2400, v23;
	v12 =	vld.idx.msk [tilespmem:v7+s26+$0x0], $0xffff  }
0x141: {  	s3 =	sadd.s32 $0x40, s3;
	s18 =	sadd.s32 $0x40, s18;
	s24 =	sadd.s32 $0x40, s24;
	v18 =	vshll.u32 v11, $0x7;
	v7 =	vld [tilespmem:s1+$0x0]  }
0x142: {  	_ = 	snop  }
0x143: {  	v22 =	vadd.s32 v14, v22;
	v40 =	vmul.u32 $0x41, v15  }
0x144: {  	vm3 =	vgt.s32 v14, $0x0;
	vm4 =	vgt.s32 v13, $0x0;
	v24 =	vshll.u32 v4, $0x7  }
0x145: {  	v20 =	vadd.s32 v5, v20;
	vm5 =	vgt.s32 v15, $0x0;
	v14 =	vadd.s32 v17, v40  }
0x146: {  	v21 =	vld.idx.msk [tilespmem:v21+s26+$0x0], $0xffff;
	v42 =	vshll.u32 v15, $0x7;
	v25 =	vmul.u32 $0x41, v3;
	v16 =	vadd.s32 v10, v16  }
0x147: {  	v19 =	vld.idx.msk [tilespmem:v19+s26+$0x0], $0xffff;
	v59 =	vshll.u32 v3, $0x7;
	vm13 =	vgt.s32 v3, $0x0;
	v23 =	vmul.u32 $0x41, v17  }
0x148: {  	v8 =	vld.idx.msk [tilespmem:v8+s26+$0x0], $0xffff;
	vm14 =	vgt.s32 v4, $0x0;
	v44 =	vadd.s32 v18, v10;
	v25 =	vadd.s32 v4, v25  }
0x149: {  	v41 =	vshll.u32 v17, $0x7;
	vm2 =	vgt.s32 v17, $0x0;
	v23 =	vadd.s32 v15, v23;
	v22 =	vld.idx.msk [tilespmem:v22+s26+$0x0], $0xffff  }
0x14a: {  	v43 =	vshll.u32 v12, $0x7;
	v13 =	vadd.s32 v41, v6;
	v15 =	vadd.s32 v6, v42;
	v14 =	vld.idx.msk [tilespmem:v14+s26+$0x0], $0xffff  }
0x14b: {  	v17 =	vadd.s32 v43, v5;
	v46 =	vadd.s32 $0x2400, v13;
	v24 =	vadd.s32 v24, v7;
	[tilespmem:v16+s29+$0x0] =	vst.idx.add.f32.msk vm3, v2  }
0x14c: {  	v61 =	vadd.s32 v7, v59;
	v26 =	vshll.u32 v21, $0x7;
	v48 =	vshll.u32 v19, $0x7;
	[tilespmem:v20+s29+$0x0] =	vst.idx.add.f32.msk vm4, v2  }
0x14d: {  	vm11 =	vgt.s32 v19, $0x0;
	vm12 =	vgt.s32 v21, $0x0;
	vm3 =	vgt.s32 v11, $0x0;
	v54 =	vld.idx.msk [tilespmem:v25+s26+$0x0], $0xffff  }
0x14e: {  	v58 =	vadd.s32 $0x5C00, v17;
	v60 =	vshll.u32 v8, $0x7;
	v16 =	vadd.s32 $0x2400, v44;
	v47 =	vld.idx.msk [tilespmem:v23+s26+$0x0], $0xffff  }
0x14f: {  	v62 =	vadd.s32 $0x2400, v24;
	v49 =	vadd.s32 v48, v5;
	[tilespmem:v15+s29+$0x0] =	vst.idx.add.f32.msk vm5, v2;
	v53 =	vshll.u32 v14, $0x7  }
0x150: {  	v5 =	vadd.s32 $0x4800, v49;
	[tilespmem:v46+s29+$0x0] =	vst.idx.add.f32.msk vm2, v2;
	vm2 =	vgt.s32 v14, $0x0;
	v18 =	vadd.s32 v53, v6  }
0x151: {  	v45 =	vadd.s32 v26, v10;
	[tilespmem:v9+s29+$0x0] =	vst.idx.add.f32.msk vm1, v2;
	v50 =	vshll.u32 v22, $0x7;
	v56 =	vadd.s32 $0x4800, v18  }
0x152: {  	v52 =	vadd.s32 $0x4800, v45;
	[tilespmem:v61+s29+$0x0] =	vst.idx.add.f32.msk vm13, v2;
	vm6 =	vgt.s32 v22, $0x0;
	v51 =	vadd.s32 v50, v10  }
0x153: {  	v10 =	vadd.s32 $0x5C00, v51;
	[tilespmem:v16+s29+$0x0] =	vst.idx.add.f32.msk vm3, v2;
	vm3 =	vgt.s32 v12, $0x0;
	v3 =	vshll.u32 v54, $0x7  }
0x154: {  	[tilespmem:v62+s29+$0x0] =	vst.idx.add.f32.msk vm14, v2;
	vm15 =	vgt.s32 v54, $0x0;
	v3 =	vadd.s32 v3, v7;
	v55 =	vshll.u32 v47, $0x7  }
0x155: {  	[tilespmem:v5+s29+$0x0] =	vst.idx.add.f32.msk vm11, v2;
	vm1 =	vgt.s32 v47, $0x0;
	v3 =	vadd.s32 $0x4800, v3;
	v57 =	vadd.s32 v55, v6  }
0x156: {  	v63 =	vadd.s32 v60, v7;
	v6 =	vadd.s32 $0x5C00, v57;
	[tilespmem:v56+s29+$0x0] =	vst.idx.add.f32.msk vm2, v2;
	vm2 =	vgt.s32 v8, $0x0  }
0x157: {  	[tilespmem:v52+s29+$0x0] =	vst.idx.add.f32.msk vm12, v2;
	v7 =	vadd.s32 $0x5C00, v63  }
0x158: {  	[tilespmem:v10+s29+$0x0] =	vst.idx.add.f32.msk vm6, v2  }
0x159: {  	[tilespmem:v58+s29+$0x0] =	vst.idx.add.f32.msk vm3, v2  }
0x15a: {  	[tilespmem:v3+s29+$0x0] =	vst.idx.add.f32.msk vm15, v2  }
0x15b: {  	[tilespmem:v6+s29+$0x0] =	vst.idx.add.f32.msk vm1, v2  }
0x15c: {  	[tilespmem:v7+s29+$0x0] =	vst.idx.add.f32.msk vm2, v2  }
.LBB2_14:
0x15d: {  	s0 =	sshra.s32 s31, $0x2  }
0x15e: {  	v3 =	vld [tilespmem:s0+$0x176B0]  }
0x15f: {  	v4 =	vld [tilespmem:s0+$0x1A7B0];
	_ =	sdelay $0x6  }
0x160: {  	v3 =	vld.idx.msk [tilespmem:v3+s2+$0x0], $0xffff  }
0x161: {  	v4 =	vld.idx.msk [tilespmem:v4+s2+$0x0], $0xffff;
	_ =	sdelay $0x3  }
0x162: {  	v5 =	vmul.u32 $0x41, v3  }
0x163: {  	v6 =	vmul.u32 $0x41, v4  }
0x164: {  	v5 =	vadd.s32 v4, v5  }
0x165: {  	v6 =	vadd.s32 v3, v6;
	_ =	sdelay $0x2  }
0x166: {  	v7 =	vld [tilespmem:s0+$0x1D8B0]  }
0x167: {  	v5 =	vld.idx.msk [tilespmem:v5+s26+$0x0], $0xffff  }
0x168: {  	v6 =	vld.idx.msk [tilespmem:v6+s26+$0x0], $0xffff;
	_ =	sdelay $0x1  }
0x169: {  	vm1 =	vgt.s32 v3, $0x0;
	v3 =	vshll.u32 v3, $0x7  }
0x16a: {  	vm2 =	vgt.s32 v4, $0x0;
	v4 =	vshll.u32 v4, $0x7;
	v3 =	vadd.s32 v7, v3  }
0x16b: {  	v4 =	vadd.s32 v4, v7;
	vm3 =	vgt.s32 v5, $0x0;
	v5 =	vshll.u32 v5, $0x7  }
0x16c: {  	v4 =	vadd.s32 $0x2400, v4;
	v8 =	vshll.u32 v6, $0x7;
	v5 =	vadd.s32 v5, v7  }
0x16d: {  	vm4 =	vgt.s32 v6, $0x0;
	v63 =	vadd.s32 v8, v7;
	v5 =	vadd.s32 $0x4800, v5  }
0x16e: {  	p0 =	sne.s32 s31, $0x40;
	v6 =	vadd.s32 $0x5C00, v63  }
.Ltmp6:
0x16f: {  	_ = 	snop;
	(pc) =	sbr.rel @p0 .LBB2_14-.Ltmp6, $4  }
0x170: {  	[tilespmem:v3+s29+$0x0] =	vst.idx.add.f32.msk vm1, v2  }
0x171: {  	[tilespmem:v4+s29+$0x0] =	vst.idx.add.f32.msk vm2, v2  }
0x172: {  	[tilespmem:v5+s29+$0x0] =	vst.idx.add.f32.msk vm3, v2  }
0x173: {  	s31 =	sadd.s32 $0x40, s31;
	[tilespmem:v6+s29+$0x0] =	vst.idx.add.f32.msk vm4, v2  }
0x174: {  	v3 =	vld [tilespmem:$0x176D0]  }
0x175: {  	v4 =	vld [tilespmem:$0x1A7D0];
	_ =	sdelay $0x3  }
0x176: {  	v3 =	vnsel vm0, $0x0, v3  }
0x177: {  	v4 =	vnsel vm0, $0x0, v4;
	_ =	sdelay $0x3  }
0x178: {  	v3 =	vld.idx.msk [tilespmem:v3+s2+$0x0], $0xffff  }
0x179: {  	v4 =	vld.idx.msk [tilespmem:v4+s2+$0x0], $0xffff;
	_ =	sdelay $0x3  }
0x17a: {  	v5 =	vmul.u32 $0x41, v3  }
0x17b: {  	v6 =	vmul.u32 $0x41, v4  }
0x17c: {  	v5 =	vadd.s32 v4, v5  }
0x17d: {  	v6 =	vadd.s32 v3, v6  }
0x17e: {  	v7 =	vld [tilespmem:$0x1D8D0];
	_ =	sdelay $0x2  }
0x17f: {  	v5 =	vld.idx.msk [tilespmem:v5+s26+$0x0], $0xffff  }
0x180: {  	v6 =	vld.idx.msk [tilespmem:v6+s26+$0x0], $0xffff  }
0x181: {  	v7 =	vnsel vm0, $0x0, v7  }
0x182: {  	vm1 =	vgt.s32 v3, $0x0;
	vm2 =	vgt.s32 v4, $0x0;
	v4 =	vshll.u32 v4, $0x7  }
0x183: {  	vm1 =	vmand vm1, vm0;
	v3 =	vshll.u32 v3, $0x7;
	v4 =	vadd.s32 v4, v7  }
0x184: {  	vm2 =	vmand vm2, vm0;
	v3 =	vadd.s32 v7, v3;
	v4 =	vadd.s32 $0x2400, v4  }
0x185: {  	vm3 =	vgt.s32 v5, $0x0;
	vm4 =	vgt.s32 v6, $0x0;
	v5 =	vshll.u32 v5, $0x7  }
0x186: {  	v6 =	vshll.u32 v6, $0x7;
	vm3 =	vmand vm3, vm0;
	v5 =	vadd.s32 v5, v7  }
0x187: {  	vm4 =	vmand vm4, vm0;
	v6 =	vadd.s32 v6, v7;
	v5 =	vadd.s32 $0x4800, v5  }
0x188: {  	v6 =	vadd.s32 $0x5C00, v6;
	_ =	sdelay $0x1  }
0x189: {  	[tilespmem:v3+s29+$0x0] =	vst.idx.add.f32.msk vm1, v2  }
0x18a: {  	[tilespmem:v4+s29+$0x0] =	vst.idx.add.f32.msk vm2, v2  }
0x18b: {  	[tilespmem:v5+s29+$0x0] =	vst.idx.add.f32.msk vm3, v2  }
0x18c: {  	[tilespmem:v6+s29+$0x0] =	vst.idx.add.f32.msk vm4, v2  }
0x18d: {  	[tilespmem:s21], [sflag:$0x1] =	stream.linear.gather [hbm4b:s13+s2], $0x1868, $0x38;
	[tilespmem:$0x1D900] =	vst v63  }
0x18e: {  	_ = 	snop  }
0x18f: {  	[tilespmem:s22], [sflag:$0x1] =	stream.linear.gather [hbm4b:s14+s2], $0x1868, $0x38;
	[tilespmem:$0x1D900] =	vst v63  }
0x190: {  	_ = 	snop  }
0x191: {  	[tilespmem:s23], [sflag:$0x1] =	stream.linear.gather [hbm4b:s15+s2], $0x1868, $0x38;
	[tilespmem:$0x1D900] =	vst v63  }
0x192: {  	_ =	swait.ge [sflag:s28], $0x1868  }
0x193: {  	[sflag:s28] =	ssyncset.done $0x0  }
0x194: {  	[sflag:s28] =	ssyncadd.s32 $0xFFFFE798  }
0x195: {  	_ =	swait.ge [sflag:s28], $0x1868  }
0x196: {  	[sflag:s28] =	ssyncset.done $0x0  }
0x197: {  	[sflag:s28] =	ssyncadd.s32 $0xFFFFE798  }
0x198: {  	_ =	swait.ge [sflag:s28], $0x1868  }
0x199: {  	[sflag:s28] =	ssyncset.done $0x0  }
0x19a: {  	s0 =	simm.s32 $0x14620;
	[sflag:s28] =	ssyncadd.s32 $0xFFFFE798  }
0x19b: {  	v5 =	vld [tilespmem:s0+$0xFFFFFFF0]  }
0x19c: {  	s1 =	simm.s32 $0x1A820;
	v6 =	vld [tilespmem:s0+$0x10]  }
0x19d: {  	s3 =	simm.s32 $0x17720;
	v4 =	vld [tilespmem:s1+$0x10]  }
0x19e: {  	v7 =	vld [tilespmem:s3+$0x10]  }
0x19f: {  	v8 =	vld [tilespmem:s3+$0x0]  }
0x1a0: {  	v9 =	vld [tilespmem:s0+$0x0]  }
0x1a1: {  	v10 =	vld [tilespmem:s0+$0xFFFFFFE0]  }
0x1a2: {  	v13 =	vld [tilespmem:s3+$0xFFFFFFF0]  }
0x1a3: {  	s31 =	simm.s32 $0x0;
	v17 =	vld [tilespmem:s3+$0xFFFFFFE0]  }
0x1a4: {  	v11 =	vld.idx.msk [tilespmem:v6+s31+$0x0], $0xffff  }
0x1a5: {  	v12 =	vld.idx.msk [tilespmem:v5+s31+$0x0], $0xffff  }
0x1a6: {  	v15 =	vld.idx.msk [tilespmem:v7+s31+$0x0], $0xffff  }
0x1a7: {  	v7 =	vld.idx.msk [tilespmem:v8+s31+$0x0], $0xffff  }
0x1a8: {  	v14 =	vld.idx.msk [tilespmem:v9+s31+$0x0], $0xffff  }
0x1a9: {  	v16 =	vld.idx.msk [tilespmem:v10+s31+$0x0], $0xffff  }
0x1aa: {  	v8 =	vld.idx.msk [tilespmem:v13+s31+$0x0], $0xffff;
	v6 =	vmul.u32 $0x41, v11  }
0x1ab: {  	v3 =	vld [tilespmem:s1+$0x0];
	v5 =	vshll.u32 v11, $0x7;
	v21 =	vmul.u32 $0x41, v12  }
0x1ac: {  	v9 =	vadd.s32 v4, v5;
	v5 =	vmul.u32 $0x41, v15;
	v13 =	vadd.s32 v15, v6  }
0x1ad: {  	v17 =	vld.idx.msk [tilespmem:v17+s31+$0x0], $0xffff;
	v20 =	vshll.u32 v12, $0x7;
	v22 =	vmul.u32 $0x41, v14;
	v10 =	vshll.u32 v14, $0x7  }
0x1ae: {  	v28 =	vmul.u32 $0x41, v7;
	v25 =	vshll.u32 v7, $0x7;
	v18 =	vadd.s32 v11, v5;
	v5 =	vld [tilespmem:s1+$0xFFFFFFF0]  }
0x1af: {  	v26 =	vmul.u32 $0x41, v16;
	v27 =	vmul.u32 $0x41, v8;
	v6 =	vshll.u32 v15, $0x7  }
0x1b0: {  	v10 =	vadd.s32 v3, v10;
	v24 =	vadd.s32 v8, v21;
	v19 =	vadd.s32 v6, v4;
	v6 =	vld [tilespmem:s1+$0xFFFFFFE0]  }
0x1b1: {  	s24 =	simm.s32 $0x17760;
	s18 =	simm.s32 $0x14660;
	s0 =	simm.s32 $0x0;
	v23 =	vadd.s32 v7, v22;
	v22 =	vshll.u32 v16, $0x7;
	v21 =	vadd.s32 v14, v28;
	v13 =	vld.idx.msk [tilespmem:v13+s26+$0x0], $0xffff  }
.LBB2_16:
0x1b2: {  	v28 =	vld [tilespmem:s18+$0xFFFFFFF0];
	s0 =	sadd.s32 $0x4, s0;
	v26 =	vadd.s32 v17, v26;
	v29 =	vshll.u32 v8, $0x7;
	v25 =	vadd.s32 v25, v3;
	s1 =	sadd.s32 $0x40, s1  }
0x1b3: {  	v30 =	vld [tilespmem:s1+$0xFFFFFFE0];
	p0 =	slt.u32 s0, $0x180;
	v27 =	vadd.s32 v12, v27;
	v29 =	vadd.s32 v29, v5  }
0x1b4: {  	v31 =	vld [tilespmem:s1+$0xFFFFFFF0]  }
0x1b5: {  	v32 =	vld [tilespmem:s1+$0x10]  }
0x1b6: {  	v24 =	vld.idx.msk [tilespmem:v24+s26+$0x0], $0xffff  }
0x1b7: {  	vm1 =	vgt.s32 v12, $0x0;
	v12 =	vshll.u32 v13, $0x7;
	v26 =	vld.idx.msk [tilespmem:v26+s26+$0x0], $0xffff  }
0x1b8: {  	v20 =	vadd.s32 v5, v20;
	v34 =	vadd.s32 v12, v4;
	v33 =	vld [tilespmem:s1+$0x0]  }
0x1b9: {  	v35 =	vld [tilespmem:s24+$0x0]  }
0x1ba: {  	v12 =	vmul.u32 $0x41, v17;
	v36 =	vld [tilespmem:s24+$0xFFFFFFE0]  }
0x1bb: {  	vm5 =	vgt.s32 v11, $0x0;
	v23 =	vld.idx.msk [tilespmem:v23+s26+$0x0], $0xffff  }
0x1bc: {  	vm4 =	vgt.s32 v16, $0x0;
	v11 =	vadd.s32 v16, v12;
	v12 =	vshll.u32 v24, $0x7;
	v27 =	vld.idx.msk [tilespmem:v27+s26+$0x0], $0xffff  }
0x1bd: {  	v16 =	vadd.s32 v6, v22;
	v22 =	vshll.u32 v26, $0x7;
	v38 =	vadd.s32 v12, v5;
	v37 =	vld [tilespmem:s18+$0x0]  }
0x1be: {  	vm6 =	vgt.s32 v15, $0x0;
	v22 =	vadd.s32 v22, v6;
	v21 =	vld.idx.msk [tilespmem:v21+s26+$0x0], $0xffff  }
0x1bf: {  	v12 =	vadd.s32 $0x2400, v19;
	v15 =	vld [tilespmem:s24+$0x10]  }
0x1c0: {  	v19 =	vld [tilespmem:s18+$0x10]  }
0x1c1: {  	vm3 =	vgt.s32 v14, $0x0;
	v39 =	vld.idx.msk [tilespmem:v11+s26+$0x0], $0xffff;
	v11 =	vshll.u32 v23, $0x7  }
0x1c2: {  	v14 =	vshll.u32 v27, $0x7;
	v40 =	vadd.s32 v11, v3;
	v18 =	vld.idx.msk [tilespmem:v18+s26+$0x0], $0xffff  }
0x1c3: {  	vm2 =	vgt.s32 v7, $0x0;
	v11 =	vshll.u32 v17, $0x7;
	v41 =	vadd.s32 v14, v5;
	v5 =	vmovc v31;
	[tilespmem:v9+s29+$0x0] =	vst.idx.add.f32.msk vm5, v2  }
0x1c4: {  	v14 =	vadd.s32 $0x2400, v25;
	vm5 =	vgt.s32 v17, $0x0;
	v7 =	vadd.s32 v11, v6;
	[tilespmem:v12+s29+$0x0] =	vst.idx.add.f32.msk vm6, v2  }
0x1c5: {  	v7 =	vadd.s32 $0x2400, v7;
	[tilespmem:v16+s29+$0x0] =	vst.idx.add.f32.msk vm4, v2  }
0x1c6: {  	vm4 =	vgt.s32 v26, $0x0;
	v17 =	vld [tilespmem:s24+$0xFFFFFFF0]  }
0x1c7: {  	v9 =	vadd.s32 $0x4800, v22;
	v11 =	vshll.u32 v39, $0x7;
	v12 =	vld.idx.msk [tilespmem:v28+s31+$0x0], $0xffff  }
0x1c8: {  	v22 =	vadd.s32 v11, v6;
	v25 =	vshll.u32 v18, $0x7;
	v6 =	vmov v30;
	v16 =	vld [tilespmem:s18+$0xFFFFFFE0]  }
0x1c9: {  	vm6 =	vgt.s32 v8, $0x0;
	v8 =	vshll.u32 v21, $0x7;
	v11 =	vld.idx.msk [tilespmem:v19+s31+$0x0], $0xffff;
	v19 =	vadd.s32 v25, v4;
	v4 =	vmovc v32  }
0x1ca: {  	v8 =	vadd.s32 v8, v3;
	v3 =	vmov v33;
	v25 =	vadd.s32 $0x2400, v29;
	[tilespmem:v7+s29+$0x0] =	vst.idx.add.f32.msk vm5, v2  }
0x1cb: {  	[tilespmem:v10+s29+$0x0] =	vst.idx.add.f32.msk vm3, v2  }
0x1cc: {  	[tilespmem:v9+s29+$0x0] =	vst.idx.add.f32.msk vm4, v2  }
0x1cd: {  	vm4 =	vgt.s32 v13, $0x0;
	[tilespmem:v20+s29+$0x0] =	vst.idx.add.f32.msk vm1, v2  }
0x1ce: {  	vm3 =	vgt.s32 v23, $0x0;
	v10 =	vadd.s32 $0x4800, v34;
	v7 =	vld.idx.msk [tilespmem:v35+s31+$0x0], $0xffff  }
0x1cf: {  	v13 =	vadd.s32 $0x4800, v40;
	vm1 =	vgt.s32 v18, $0x0;
	v9 =	vshll.u32 v11, $0x7;
	[tilespmem:v25+s29+$0x0] =	vst.idx.add.f32.msk vm6, v2  }
0x1d0: {  	v18 =	vadd.s32 $0x5C00, v19;
	v9 =	vadd.s32 v4, v9;
	[tilespmem:v14+s29+$0x0] =	vst.idx.add.f32.msk vm2, v2  }
0x1d1: {  	vm5 =	vgt.s32 v39, $0x0;
	v19 =	vadd.s32 $0x5C00, v22;
	v16 =	vld.idx.msk [tilespmem:v16+s31+$0x0], $0xffff  }
0x1d2: {  	vm2 =	vgt.s32 v21, $0x0;
	v15 =	vld.idx.msk [tilespmem:v15+s31+$0x0], $0xffff  }
0x1d3: {  	v21 =	vadd.s32 $0x5C00, v8;
	[tilespmem:v10+s29+$0x0] =	vst.idx.add.f32.msk vm4, v2  }
0x1d4: {  	vm4 =	vgt.s32 v24, $0x0;
	v10 =	vadd.s32 $0x4800, v38;
	v14 =	vld.idx.msk [tilespmem:v37+s31+$0x0], $0xffff  }
0x1d5: {  	v22 =	vmul.u32 $0x41, v12;
	v20 =	vshll.u32 v12, $0x7;
	vm6 =	vgt.s32 v27, $0x0;
	v8 =	vld.idx.msk [tilespmem:v17+s31+$0x0], $0xffff  }
0x1d6: {  	v23 =	vmul.u32 $0x41, v11;
	v27 =	vadd.s32 $0x5C00, v41;
	[tilespmem:v13+s29+$0x0] =	vst.idx.add.f32.msk vm3, v2  }
0x1d7: {  	[tilespmem:v19+s29+$0x0] =	vst.idx.add.f32.msk vm5, v2  }
0x1d8: {  	v13 =	vadd.s32 v15, v23;
	v23 =	vmul.u32 $0x41, v15;
	v19 =	vshll.u32 v15, $0x7;
	v17 =	vld.idx.msk [tilespmem:v36+s31+$0x0], $0xffff  }
.Ltmp7:
0x1d9: {  	v19 =	vadd.s32 v19, v4;
	[tilespmem:v18+s29+$0x0] =	vst.idx.add.f32.msk vm1, v2;
	(pc) =	sbr.rel @p0 .LBB2_16-.Ltmp7, $4  }
0x1da: {  	v28 =	vmul.u32 $0x41, v14;
	v24 =	vshll.u32 v14, $0x7;
	v18 =	vadd.s32 v11, v23;
	[tilespmem:v10+s29+$0x0] =	vst.idx.add.f32.msk vm4, v2  }
0x1db: {  	v29 =	vmul.u32 $0x41, v7;
	v25 =	vshll.u32 v7, $0x7;
	v10 =	vadd.s32 v3, v24;
	[tilespmem:v21+s29+$0x0] =	vst.idx.add.f32.msk vm2, v2  }
0x1dc: {  	v26 =	vmul.u32 $0x41, v16;
	v24 =	vadd.s32 v8, v22;
	v23 =	vadd.s32 v7, v28;
	[tilespmem:v27+s29+$0x0] =	vst.idx.add.f32.msk vm6, v2  }
0x1dd: {  	s24 =	sadd.s32 $0x40, s24;
	s18 =	sadd.s32 $0x40, s18;
	v22 =	vshll.u32 v16, $0x7;
	v21 =	vadd.s32 v14, v29;
	v27 =	vmul.u32 $0x41, v8;
	v13 =	vld.idx.msk [tilespmem:v13+s26+$0x0], $0xffff  }
0x1de: {  	_ =	sdelay $0x2  }
0x1df: {  	v26 =	vadd.s32 v17, v26;
	v28 =	vmul.u32 $0x41, v17;
	v29 =	vshll.u32 v8, $0x7  }
0x1e0: {  	vm2 =	vgt.s32 v11, $0x0;
	v39 =	vadd.s32 v25, v3;
	v24 =	vld.idx.msk [tilespmem:v24+s26+$0x0], $0xffff;
	v27 =	vadd.s32 v12, v27  }
0x1e1: {  	vm1 =	vgt.s32 v12, $0x0;
	v20 =	vadd.s32 v5, v20;
	v23 =	vld.idx.msk [tilespmem:v23+s26+$0x0], $0xffff;
	vm6 =	vgt.s32 v14, $0x0  }
0x1e2: {  	vm3 =	vgt.s32 v15, $0x0;
	vm4 =	vgt.s32 v16, $0x0;
	v43 =	vadd.s32 $0x2400, v19;
	v48 =	vld.idx.msk [tilespmem:v18+s26+$0x0], $0xffff  }
0x1e3: {  	v44 =	vshll.u32 v17, $0x7;
	v22 =	vadd.s32 v6, v22;
	vm5 =	vgt.s32 v17, $0x0;
	v52 =	vld.idx.msk [tilespmem:v21+s26+$0x0], $0xffff  }
0x1e4: {  	vm11 =	vgt.s32 v7, $0x0;
	v40 =	vadd.s32 v29, v5;
	v46 =	vadd.s32 v44, v6;
	v26 =	vld.idx.msk [tilespmem:v26+s26+$0x0], $0xffff  }
0x1e5: {  	v11 =	vadd.s32 $0x2400, v39;
	v28 =	vadd.s32 v16, v28;
	v17 =	vadd.s32 $0x2400, v46;
	v42 =	vld.idx.msk [tilespmem:v27+s26+$0x0], $0xffff  }
0x1e6: {  	v56 =	vadd.s32 $0x2400, v40;
	v41 =	vshll.u32 v13, $0x7;
	vm12 =	vgt.s32 v13, $0x0;
	[tilespmem:v9+s29+$0x0] =	vst.idx.add.f32.msk vm2, v2  }
0x1e7: {  	v49 =	vshll.u32 v24, $0x7;
	v50 =	vadd.s32 v41, v4;
	v53 =	vshll.u32 v23, $0x7;
	[tilespmem:v10+s29+$0x0] =	vst.idx.add.f32.msk vm6, v2  }
0x1e8: {  	vm13 =	vgt.s32 v23, $0x0;
	v59 =	vshll.u32 v48, $0x7;
	[tilespmem:v43+s29+$0x0] =	vst.idx.add.f32.msk vm3, v2;
	vm3 =	vgt.s32 v8, $0x0  }
0x1e9: {  	v61 =	vshll.u32 v52, $0x7;
	vm14 =	vgt.s32 v52, $0x0;
	[tilespmem:v20+s29+$0x0] =	vst.idx.add.f32.msk vm1, v2;
	v47 =	vshll.u32 v26, $0x7  }
0x1ea: {  	v9 =	vadd.s32 $0x4800, v50;
	v45 =	vld.idx.msk [tilespmem:v28+s26+$0x0], $0xffff;
	vm2 =	vgt.s32 v26, $0x0;
	v19 =	vadd.s32 v47, v6  }
0x1eb: {  	v51 =	vadd.s32 v49, v5;
	v55 =	vadd.s32 v53, v3;
	[tilespmem:v22+s29+$0x0] =	vst.idx.add.f32.msk vm4, v2;
	v19 =	vadd.s32 $0x4800, v19  }
0x1ec: {  	v60 =	vadd.s32 v59, v4;
	vm1 =	vgt.s32 v48, $0x0;
	v8 =	vadd.s32 $0x4800, v55;
	[tilespmem:v11+s29+$0x0] =	vst.idx.add.f32.msk vm11, v2  }
0x1ed: {  	v3 =	vadd.s32 v61, v3;
	v4 =	vadd.s32 $0x5C00, v60;
	v62 =	vadd.s32 $0x4800, v51;
	[tilespmem:v17+s29+$0x0] =	vst.idx.add.f32.msk vm5, v2  }
0x1ee: {  	v3 =	vadd.s32 $0x5C00, v3;
	v54 =	vshll.u32 v42, $0x7;
	[tilespmem:v56+s29+$0x0] =	vst.idx.add.f32.msk vm3, v2;
	vm3 =	vgt.s32 v24, $0x0  }
0x1ef: {  	[tilespmem:v9+s29+$0x0] =	vst.idx.add.f32.msk vm12, v2;
	vm15 =	vgt.s32 v42, $0x0;
	v57 =	vshll.u32 v45, $0x7;
	v63 =	vadd.s32 v54, v5  }
0x1f0: {  	v58 =	vadd.s32 v57, v6;
	v5 =	vadd.s32 $0x5C00, v63;
	[tilespmem:v19+s29+$0x0] =	vst.idx.add.f32.msk vm2, v2;
	vm2 =	vgt.s32 v45, $0x0  }
0x1f1: {  	[tilespmem:v8+s29+$0x0] =	vst.idx.add.f32.msk vm13, v2;
	v6 =	vadd.s32 $0x5C00, v58  }
0x1f2: {  	[tilespmem:v4+s29+$0x0] =	vst.idx.add.f32.msk vm1, v2  }
0x1f3: {  	[tilespmem:v3+s29+$0x0] =	vst.idx.add.f32.msk vm14, v2  }
0x1f4: {  	[tilespmem:v62+s29+$0x0] =	vst.idx.add.f32.msk vm3, v2  }
0x1f5: {  	[tilespmem:v5+s29+$0x0] =	vst.idx.add.f32.msk vm15, v2  }
0x1f6: {  	[tilespmem:v6+s29+$0x0] =	vst.idx.add.f32.msk vm2, v2  }
.LBB2_18:
0x1f7: {  	s0 =	sshra.s32 s31, $0x2  }
0x1f8: {  	v3 =	vld [tilespmem:s0+$0x15E40]  }
0x1f9: {  	v4 =	vld [tilespmem:s0+$0x18F40];
	_ =	sdelay $0x6  }
0x1fa: {  	v3 =	vld.idx.msk [tilespmem:v3+s2+$0x0], $0xffff  }
0x1fb: {  	v4 =	vld.idx.msk [tilespmem:v4+s2+$0x0], $0xffff;
	_ =	sdelay $0x3  }
0x1fc: {  	v5 =	vmul.u32 $0x41, v3  }
0x1fd: {  	v6 =	vmul.u32 $0x41, v4  }
0x1fe: {  	v5 =	vadd.s32 v4, v5  }
0x1ff: {  	v6 =	vadd.s32 v3, v6;
	_ =	sdelay $0x2  }
0x200: {  	v7 =	vld [tilespmem:s0+$0x1C040]  }
0x201: {  	v5 =	vld.idx.msk [tilespmem:v5+s26+$0x0], $0xffff  }
0x202: {  	v6 =	vld.idx.msk [tilespmem:v6+s26+$0x0], $0xffff;
	_ =	sdelay $0x1  }
0x203: {  	vm1 =	vgt.s32 v3, $0x0;
	v3 =	vshll.u32 v3, $0x7  }
0x204: {  	vm2 =	vgt.s32 v4, $0x0;
	v4 =	vshll.u32 v4, $0x7;
	v3 =	vadd.s32 v7, v3  }
0x205: {  	v4 =	vadd.s32 v4, v7;
	vm3 =	vgt.s32 v5, $0x0;
	v5 =	vshll.u32 v5, $0x7  }
0x206: {  	v4 =	vadd.s32 $0x2400, v4;
	v8 =	vshll.u32 v6, $0x7;
	v5 =	vadd.s32 v5, v7  }
0x207: {  	vm4 =	vgt.s32 v6, $0x0;
	v63 =	vadd.s32 v8, v7;
	v5 =	vadd.s32 $0x4800, v5  }
0x208: {  	p0 =	sne.s32 s31, $0x40;
	v6 =	vadd.s32 $0x5C00, v63  }
.Ltmp8:
0x209: {  	_ = 	snop;
	(pc) =	sbr.rel @p0 .LBB2_18-.Ltmp8, $4  }
0x20a: {  	[tilespmem:v3+s29+$0x0] =	vst.idx.add.f32.msk vm1, v2  }
0x20b: {  	[tilespmem:v4+s29+$0x0] =	vst.idx.add.f32.msk vm2, v2  }
0x20c: {  	[tilespmem:v5+s29+$0x0] =	vst.idx.add.f32.msk vm3, v2  }
0x20d: {  	s31 =	sadd.s32 $0x40, s31;
	[tilespmem:v6+s29+$0x0] =	vst.idx.add.f32.msk vm4, v2  }
0x20e: {  	v3 =	vld [tilespmem:$0x15E60]  }
0x20f: {  	v4 =	vld [tilespmem:$0x18F60];
	_ =	sdelay $0x3  }
0x210: {  	v3 =	vnsel vm0, $0x0, v3  }
0x211: {  	v4 =	vnsel vm0, $0x0, v4;
	_ =	sdelay $0x2  }
0x212: {  	s31 =	simm.s32 $0x0  }
0x213: {  	v3 =	vld.idx.msk [tilespmem:v3+s31+$0x0], $0xffff  }
0x214: {  	v4 =	vld.idx.msk [tilespmem:v4+s31+$0x0], $0xffff;
	_ =	sdelay $0x3  }
0x215: {  	v5 =	vmul.u32 $0x41, v3  }
0x216: {  	v6 =	vmul.u32 $0x41, v4  }
0x217: {  	v5 =	vadd.s32 v4, v5  }
0x218: {  	v6 =	vadd.s32 v3, v6  }
0x219: {  	v7 =	vld [tilespmem:$0x1C060];
	_ =	sdelay $0x2  }
0x21a: {  	v5 =	vld.idx.msk [tilespmem:v5+s26+$0x0], $0xffff  }
0x21b: {  	v6 =	vld.idx.msk [tilespmem:v6+s26+$0x0], $0xffff  }
0x21c: {  	v7 =	vnsel vm0, $0x0, v7  }
0x21d: {  	vm1 =	vgt.s32 v3, $0x0;
	vm2 =	vgt.s32 v4, $0x0;
	v4 =	vshll.u32 v4, $0x7  }
0x21e: {  	vm1 =	vmand vm1, vm0;
	v3 =	vshll.u32 v3, $0x7;
	v4 =	vadd.s32 v4, v7  }
0x21f: {  	vm2 =	vmand vm2, vm0;
	v3 =	vadd.s32 v7, v3;
	v4 =	vadd.s32 $0x2400, v4  }
0x220: {  	vm3 =	vgt.s32 v5, $0x0;
	vm4 =	vgt.s32 v6, $0x0;
	v5 =	vshll.u32 v5, $0x7  }
0x221: {  	v6 =	vshll.u32 v6, $0x7;
	vm3 =	vmand vm3, vm0;
	v5 =	vadd.s32 v5, v7  }
0x222: {  	vm4 =	vmand vm4, vm0;
	v6 =	vadd.s32 v6, v7;
	v5 =	vadd.s32 $0x4800, v5  }
0x223: {  	v6 =	vadd.s32 $0x5C00, v6;
	_ =	sdelay $0x1  }
0x224: {  	[tilespmem:v3+s29+$0x0] =	vst.idx.add.f32.msk vm1, v2  }
0x225: {  	[tilespmem:v4+s29+$0x0] =	vst.idx.add.f32.msk vm2, v2  }
0x226: {  	[tilespmem:v5+s29+$0x0] =	vst.idx.add.f32.msk vm3, v2  }
0x227: {  	[tilespmem:v6+s29+$0x0] =	vst.idx.add.f32.msk vm4, v2  }
0x228: {  	_ =	swait.ge [sflag:s28], $0x1868  }
0x229: {  	[sflag:s28] =	ssyncset.done $0x0  }
0x22a: {  	[sflag:s28] =	ssyncadd.s32 $0xFFFFE798  }
0x22b: {  	_ =	swait.ge [sflag:s28], $0x1868  }
0x22c: {  	[sflag:s28] =	ssyncset.done $0x0  }
0x22d: {  	[sflag:s28] =	ssyncadd.s32 $0xFFFFE798  }
0x22e: {  	_ =	swait.ge [sflag:s28], $0x1868  }
0x22f: {  	[sflag:s28] =	ssyncset.done $0x0  }
0x230: {  	s0 =	simm.s32 $0x18FA0;
	[sflag:s28] =	ssyncadd.s32 $0xFFFFE798  }
0x231: {  	v3 =	vld [tilespmem:s0+$0xFFFFFFF0]  }
0x232: {  	s1 =	simm.s32 $0x15EA0  }
0x233: {  	v4 =	vld [tilespmem:s1+$0xFFFFFFF0]  }
0x234: {  	v6 =	vld [tilespmem:s1+$0x0]  }
0x235: {  	v7 =	vld [tilespmem:s1+$0xFFFFFFD0]  }
0x236: {  	v8 =	vld [tilespmem:s0+$0x0]  }
0x237: {  	s3 =	sand.u32 $0x1FC0, s31;
	v9 =	vld [tilespmem:s0+$0xFFFFFFD0]  }
0x238: {  	v10 =	vld [tilespmem:s3+$0x15E80]  }
0x239: {  	v12 =	vld.idx.msk [tilespmem:v3+s31+$0x0], $0xffff  }
0x23a: {  	v17 =	vld [tilespmem:s3+$0x18F80]  }
0x23b: {  	s1 =	simm.s32 $0x1C0A0;
	v13 =	vld.idx.msk [tilespmem:v4+s31+$0x0], $0xffff  }
0x23c: {  	v5 =	vld [tilespmem:s1+$0xFFFFFFF0]  }
0x23d: {  	v14 =	vld.idx.msk [tilespmem:v7+s31+$0x0], $0xffff  }
0x23e: {  	v4 =	vld.idx.msk [tilespmem:v8+s31+$0x0], $0xffff;
	v7 =	vmul.u32 $0x41, v12  }
0x23f: {  	v11 =	vld.idx.msk [tilespmem:v9+s31+$0x0], $0xffff  }
0x240: {  	v3 =	vld.idx.msk [tilespmem:v6+s31+$0x0], $0xffff;
	v7 =	vadd.s32 v13, v7  }
0x241: {  	v15 =	vld.idx.msk [tilespmem:v10+s31+$0x0], $0xffff  }
0x242: {  	v6 =	vld [tilespmem:s3+$0x1C080];
	v8 =	vmul.u32 $0x41, v14;
	v9 =	vmul.u32 $0x41, v13  }
0x243: {  	v10 =	vld [tilespmem:s1+$0xFFFFFFD0];
	v16 =	vshll.u32 v14, $0x7;
	v18 =	vshll.u32 v12, $0x7;
	v20 =	vmul.u32 $0x41, v4  }
0x244: {  	v17 =	vld.idx.msk [tilespmem:v17+s31+$0x0], $0xffff;
	vm1 =	vgt.s32 v12, $0x0;
	v22 =	vmul.u32 $0x41, v11;
	v21 =	vadd.s32 v11, v8  }
0x245: {  	s24 =	simm.s32 $0x15EE0;
	v18 =	vadd.s32 v18, v5;
	v19 =	vadd.s32 v12, v9;
	v8 =	vadd.s32 v3, v20;
	v12 =	vld.idx.msk [tilespmem:v7+s26+$0x0], $0xffff  }
0x246: {  	s18 =	simm.s32 $0x18FE0;
	s0 =	simm.s32 $0x0;
	s3 =	simm.s32 $0x40;
	v20 =	vshll.u32 v13, $0x7;
	v9 =	vadd.s32 $0x2400, v18;
	v18 =	vshll.u32 v11, $0x7;
	v7 =	vld [tilespmem:s1+$0x0]  }
.LBB2_20:
0x247: {  	s19 =	sand.u32 $0x1FC0, s3;
	v23 =	vld [tilespmem:s24+$0x0];
	s0 =	sadd.s32 $0x4, s0;
	s1 =	sadd.s32 $0x40, s1  }
0x248: {  	v24 =	vld [tilespmem:s1+$0xFFFFFFF0];
	p0 =	slt.u32 s0, $0x180  }
0x249: {  	vm2 =	vgt.s32 v13, $0x0;
	v21 =	vld.idx.msk [tilespmem:v21+s26+$0x0], $0xffff  }
0x24a: {  	v27 =	vshll.u32 v4, $0x7;
	v13 =	vmul.u32 $0x41, v17;
	v26 =	vshll.u32 v17, $0x7;
	v25 =	vld [tilespmem:s24+$0xFFFFFFD0]  }
0x24b: {  	v22 =	vadd.s32 v14, v22;
	vm4 =	vgt.s32 v14, $0x0;
	v14 =	vadd.s32 v5, v20;
	v28 =	vld [tilespmem:s18+$0xFFFFFFD0]  }
0x24c: {  	v16 =	vadd.s32 v10, v16;
	vm3 =	vgt.s32 v17, $0x0;
	v20 =	vadd.s32 v26, v6;
	v19 =	vld.idx.msk [tilespmem:v19+s26+$0x0], $0xffff  }
0x24d: {  	v29 =	vmul.u32 $0x41, v15;
	v30 =	vshll.u32 v12, $0x7;
	v13 =	vadd.s32 v15, v13;
	v26 =	vld [tilespmem:s18+$0xFFFFFFF0]  }
0x24e: {  	vm5 =	vgt.s32 v15, $0x0;
	v15 =	vshll.u32 v15, $0x7;
	v30 =	vadd.s32 v30, v5;
	v31 =	vld [tilespmem:s18+$0x0]  }
0x24f: {  	v18 =	vadd.s32 v18, v10;
	v17 =	vadd.s32 v17, v29;
	v33 =	vshll.u32 v21, $0x7;
	v32 =	vld [tilespmem:s24+$0xFFFFFFF0]  }
0x250: {  	v18 =	vadd.s32 $0x2400, v18;
	v15 =	vadd.s32 v6, v15;
	v29 =	vadd.s32 v33, v10;
	v22 =	vld.idx.msk [tilespmem:v22+s26+$0x0], $0xffff  }
0x251: {  	vm6 =	vgt.s32 v11, $0x0;
	v11 =	vadd.s32 $0x2400, v20;
	[tilespmem:v16+s29+$0x0] =	vst.idx.add.f32.msk vm4, v2;
	v16 =	vadd.s32 v27, v7  }
0x252: {  	v20 =	vld.idx.msk [tilespmem:v13+s26+$0x0], $0xffff;
	v13 =	vshll.u32 v19, $0x7  }
0x253: {  	[tilespmem:v14+s29+$0x0] =	vst.idx.add.f32.msk vm2, v2;
	v13 =	vadd.s32 v13, v5;
	v5 =	vmov v24  }
0x254: {  	vm2 =	vgt.s32 v12, $0x0;
	v14 =	vld.idx.msk [tilespmem:v17+s26+$0x0], $0xffff  }
0x255: {  	v12 =	vmul.u32 $0x41, v3;
	[tilespmem:v15+s29+$0x0] =	vst.idx.add.f32.msk vm5, v2  }
0x256: {  	v15 =	vshll.u32 v22, $0x7;
	[tilespmem:v11+s29+$0x0] =	vst.idx.add.f32.msk vm3, v2;
	vm3 =	vgt.s32 v19, $0x0;
	v11 =	vadd.s32 $0x5C00, v30  }
0x257: {  	v12 =	vadd.s32 v4, v12;
	v10 =	vadd.s32 v15, v10;
	v15 =	vadd.s32 $0x4800, v13;
	[tilespmem:v18+s29+$0x0] =	vst.idx.add.f32.msk vm6, v2  }
0x258: {  	vm4 =	vgt.s32 v21, $0x0;
	v17 =	vshll.u32 v20, $0x7;
	[tilespmem:v9+s29+$0x0] =	vst.idx.add.f32.msk vm1, v2  }
0x259: {  	v18 =	vadd.s32 $0x4800, v29;
	vm1 =	vgt.s32 v22, $0x0;
	v9 =	vld [tilespmem:s19+$0x18F80]  }
0x25a: {  	v10 =	vadd.s32 $0x5C00, v10;
	v13 =	vshll.u32 v14, $0x7;
	v19 =	vld [tilespmem:s19+$0x15E80]  }
0x25b: {  	v21 =	vadd.s32 v13, v6;
	v8 =	vld.idx.msk [tilespmem:v8+s26+$0x0], $0xffff  }
0x25c: {  	v12 =	vld.idx.msk [tilespmem:v12+s26+$0x0], $0xffff  }
0x25d: {  	v13 =	vld.idx.msk [tilespmem:v32+s31+$0x0], $0xffff  }
0x25e: {  	[tilespmem:v18+s29+$0x0] =	vst.idx.add.f32.msk vm4, v2;
	vm4 =	vgt.s32 v14, $0x0  }
0x25f: {  	[tilespmem:v10+s29+$0x0] =	vst.idx.add.f32.msk vm1, v2;
	v10 =	vadd.s32 $0x4800, v21  }
0x260: {  	v6 =	vadd.s32 v17, v6;
	vm1 =	vgt.s32 v20, $0x0;
	[tilespmem:v15+s29+$0x0] =	vst.idx.add.f32.msk vm3, v2  }
0x261: {  	v6 =	vadd.s32 $0x5C00, v6;
	v15 =	vshll.u32 v3, $0x7;
	v17 =	vshll.u32 v8, $0x7;
	v14 =	vld.idx.msk [tilespmem:v25+s31+$0x0], $0xffff  }
0x262: {  	vm3 =	vgt.s32 v3, $0x0;
	v20 =	vshll.u32 v12, $0x7;
	v17 =	vadd.s32 v17, v7;
	v18 =	vld.idx.msk [tilespmem:v26+s31+$0x0], $0xffff  }
0x263: {  	vm5 =	vgt.s32 v4, $0x0;
	v15 =	vadd.s32 v7, v15;
	v4 =	vadd.s32 v20, v7;
	v3 =	vld.idx.msk [tilespmem:v23+s31+$0x0], $0xffff  }
0x264: {  	v7 =	vadd.s32 $0x2400, v16;
	[tilespmem:v10+s29+$0x0] =	vst.idx.add.f32.msk vm4, v2  }
0x265: {  	[tilespmem:v11+s29+$0x0] =	vst.idx.add.f32.msk vm2, v2;
	vm2 =	vgt.s32 v12, $0x0  }
0x266: {  	[tilespmem:v6+s29+$0x0] =	vst.idx.add.f32.msk vm1, v2;
	vm1 =	vgt.s32 v8, $0x0;
	v6 =	vadd.s32 $0x4800, v4  }
0x267: {  	v16 =	vshll.u32 v14, $0x7;
	v8 =	vadd.s32 $0x5C00, v17;
	v4 =	vld.idx.msk [tilespmem:v31+s31+$0x0], $0xffff  }
0x268: {  	[tilespmem:v15+s29+$0x0] =	vst.idx.add.f32.msk vm3, v2  }
0x269: {  	[tilespmem:v7+s29+$0x0] =	vst.idx.add.f32.msk vm5, v2  }
0x26a: {  	v7 =	vmul.u32 $0x41, v18;
	v11 =	vld.idx.msk [tilespmem:v28+s31+$0x0], $0xffff  }
0x26b: {  	v12 =	vmul.u32 $0x41, v14;
	v10 =	vshll.u32 v18, $0x7;
	[tilespmem:v6+s29+$0x0] =	vst.idx.add.f32.msk vm2, v2  }
0x26c: {  	v23 =	vadd.s32 v10, v5;
	v7 =	vadd.s32 v13, v7;
	[tilespmem:v8+s29+$0x0] =	vst.idx.add.f32.msk vm1, v2  }
0x26d: {  	v8 =	vmul.u32 $0x41, v13;
	v20 =	vmul.u32 $0x41, v4;
	v15 =	vld.idx.msk [tilespmem:v19+s31+$0x0], $0xffff  }
.Ltmp9:
0x26e: {  	v6 =	vld [tilespmem:s19+$0x1C080];
	(pc) =	sbr.rel @p0 .LBB2_20-.Ltmp9, $4  }
0x26f: {  	v19 =	vadd.s32 v18, v8;
	v10 =	vld [tilespmem:s1+$0xFFFFFFD0]  }
0x270: {  	vm1 =	vgt.s32 v18, $0x0;
	v8 =	vadd.s32 v3, v20;
	v21 =	vadd.s32 v11, v12;
	v17 =	vld.idx.msk [tilespmem:v9+s31+$0x0], $0xffff  }
0x271: {  	v20 =	vshll.u32 v13, $0x7;
	v22 =	vmul.u32 $0x41, v11;
	v9 =	vadd.s32 $0x2400, v23;
	v12 =	vld.idx.msk [tilespmem:v7+s26+$0x0], $0xffff  }
0x272: {  	s3 =	sadd.s32 $0x40, s3;
	s18 =	sadd.s32 $0x40, s18;
	s24 =	sadd.s32 $0x40, s24;
	v18 =	vshll.u32 v11, $0x7;
	v7 =	vld [tilespmem:s1+$0x0]  }
0x273: {  	_ = 	snop  }
0x274: {  	v22 =	vadd.s32 v14, v22;
	v40 =	vmul.u32 $0x41, v15  }
0x275: {  	vm3 =	vgt.s32 v14, $0x0;
	vm4 =	vgt.s32 v13, $0x0;
	v24 =	vshll.u32 v4, $0x7  }
0x276: {  	v20 =	vadd.s32 v5, v20;
	vm5 =	vgt.s32 v15, $0x0;
	v14 =	vadd.s32 v17, v40  }
0x277: {  	v21 =	vld.idx.msk [tilespmem:v21+s26+$0x0], $0xffff;
	v42 =	vshll.u32 v15, $0x7;
	v25 =	vmul.u32 $0x41, v3;
	v16 =	vadd.s32 v10, v16  }
0x278: {  	v19 =	vld.idx.msk [tilespmem:v19+s26+$0x0], $0xffff;
	v59 =	vshll.u32 v3, $0x7;
	vm13 =	vgt.s32 v3, $0x0;
	v23 =	vmul.u32 $0x41, v17  }
0x279: {  	v8 =	vld.idx.msk [tilespmem:v8+s26+$0x0], $0xffff;
	vm14 =	vgt.s32 v4, $0x0;
	v44 =	vadd.s32 v18, v10;
	v25 =	vadd.s32 v4, v25  }
0x27a: {  	v41 =	vshll.u32 v17, $0x7;
	vm2 =	vgt.s32 v17, $0x0;
	v23 =	vadd.s32 v15, v23;
	v22 =	vld.idx.msk [tilespmem:v22+s26+$0x0], $0xffff  }
0x27b: {  	v43 =	vshll.u32 v12, $0x7;
	v13 =	vadd.s32 v41, v6;
	v15 =	vadd.s32 v6, v42;
	v14 =	vld.idx.msk [tilespmem:v14+s26+$0x0], $0xffff  }
0x27c: {  	v17 =	vadd.s32 v43, v5;
	v46 =	vadd.s32 $0x2400, v13;
	v24 =	vadd.s32 v24, v7;
	[tilespmem:v16+s29+$0x0] =	vst.idx.add.f32.msk vm3, v2  }
0x27d: {  	v61 =	vadd.s32 v7, v59;
	v26 =	vshll.u32 v21, $0x7;
	v48 =	vshll.u32 v19, $0x7;
	[tilespmem:v20+s29+$0x0] =	vst.idx.add.f32.msk vm4, v2  }
0x27e: {  	vm11 =	vgt.s32 v19, $0x0;
	vm12 =	vgt.s32 v21, $0x0;
	vm3 =	vgt.s32 v11, $0x0;
	v54 =	vld.idx.msk [tilespmem:v25+s26+$0x0], $0xffff  }
0x27f: {  	v58 =	vadd.s32 $0x5C00, v17;
	v60 =	vshll.u32 v8, $0x7;
	v16 =	vadd.s32 $0x2400, v44;
	v47 =	vld.idx.msk [tilespmem:v23+s26+$0x0], $0xffff  }
0x280: {  	v62 =	vadd.s32 $0x2400, v24;
	v49 =	vadd.s32 v48, v5;
	[tilespmem:v15+s29+$0x0] =	vst.idx.add.f32.msk vm5, v2;
	v53 =	vshll.u32 v14, $0x7  }
0x281: {  	v5 =	vadd.s32 $0x4800, v49;
	[tilespmem:v46+s29+$0x0] =	vst.idx.add.f32.msk vm2, v2;
	vm2 =	vgt.s32 v14, $0x0;
	v18 =	vadd.s32 v53, v6  }
0x282: {  	v45 =	vadd.s32 v26, v10;
	[tilespmem:v9+s29+$0x0] =	vst.idx.add.f32.msk vm1, v2;
	v50 =	vshll.u32 v22, $0x7;
	v56 =	vadd.s32 $0x4800, v18  }
0x283: {  	v52 =	vadd.s32 $0x4800, v45;
	[tilespmem:v61+s29+$0x0] =	vst.idx.add.f32.msk vm13, v2;
	vm6 =	vgt.s32 v22, $0x0;
	v51 =	vadd.s32 v50, v10  }
0x284: {  	v10 =	vadd.s32 $0x5C00, v51;
	[tilespmem:v16+s29+$0x0] =	vst.idx.add.f32.msk vm3, v2;
	vm3 =	vgt.s32 v12, $0x0;
	v3 =	vshll.u32 v54, $0x7  }
0x285: {  	[tilespmem:v62+s29+$0x0] =	vst.idx.add.f32.msk vm14, v2;
	vm15 =	vgt.s32 v54, $0x0;
	v3 =	vadd.s32 v3, v7;
	v55 =	vshll.u32 v47, $0x7  }
0x286: {  	[tilespmem:v5+s29+$0x0] =	vst.idx.add.f32.msk vm11, v2;
	vm1 =	vgt.s32 v47, $0x0;
	v3 =	vadd.s32 $0x4800, v3;
	v57 =	vadd.s32 v55, v6  }
0x287: {  	v63 =	vadd.s32 v60, v7;
	v6 =	vadd.s32 $0x5C00, v57;
	[tilespmem:v56+s29+$0x0] =	vst.idx.add.f32.msk vm2, v2;
	vm2 =	vgt.s32 v8, $0x0  }
0x288: {  	[tilespmem:v52+s29+$0x0] =	vst.idx.add.f32.msk vm12, v2;
	v7 =	vadd.s32 $0x5C00, v63  }
0x289: {  	[tilespmem:v10+s29+$0x0] =	vst.idx.add.f32.msk vm6, v2  }
0x28a: {  	[tilespmem:v58+s29+$0x0] =	vst.idx.add.f32.msk vm3, v2  }
0x28b: {  	[tilespmem:v3+s29+$0x0] =	vst.idx.add.f32.msk vm15, v2  }
0x28c: {  	[tilespmem:v6+s29+$0x0] =	vst.idx.add.f32.msk vm1, v2  }
0x28d: {  	[tilespmem:v7+s29+$0x0] =	vst.idx.add.f32.msk vm2, v2  }
.LBB2_22:
0x28e: {  	s0 =	sshra.s32 s31, $0x2  }
0x28f: {  	v3 =	vld [tilespmem:s0+$0x176B0]  }
0x290: {  	v4 =	vld [tilespmem:s0+$0x1A7B0];
	_ =	sdelay $0x6  }
0x291: {  	v3 =	vld.idx.msk [tilespmem:v3+s2+$0x0], $0xffff  }
0x292: {  	v4 =	vld.idx.msk [tilespmem:v4+s2+$0x0], $0xffff;
	_ =	sdelay $0x3  }
0x293: {  	v5 =	vmul.u32 $0x41, v3  }
0x294: {  	v6 =	vmul.u32 $0x41, v4  }
0x295: {  	v5 =	vadd.s32 v4, v5  }
0x296: {  	v6 =	vadd.s32 v3, v6;
	_ =	sdelay $0x2  }
0x297: {  	v7 =	vld [tilespmem:s0+$0x1D8B0]  }
0x298: {  	v5 =	vld.idx.msk [tilespmem:v5+s26+$0x0], $0xffff  }
0x299: {  	v6 =	vld.idx.msk [tilespmem:v6+s26+$0x0], $0xffff;
	_ =	sdelay $0x1  }
0x29a: {  	vm1 =	vgt.s32 v3, $0x0;
	v3 =	vshll.u32 v3, $0x7  }
0x29b: {  	vm2 =	vgt.s32 v4, $0x0;
	v4 =	vshll.u32 v4, $0x7;
	v3 =	vadd.s32 v7, v3  }
0x29c: {  	v4 =	vadd.s32 v4, v7;
	vm3 =	vgt.s32 v5, $0x0;
	v5 =	vshll.u32 v5, $0x7  }
0x29d: {  	v4 =	vadd.s32 $0x2400, v4;
	v8 =	vshll.u32 v6, $0x7;
	v5 =	vadd.s32 v5, v7  }
0x29e: {  	vm4 =	vgt.s32 v6, $0x0;
	v63 =	vadd.s32 v8, v7;
	v5 =	vadd.s32 $0x4800, v5  }
0x29f: {  	p0 =	sne.s32 s31, $0x40;
	v6 =	vadd.s32 $0x5C00, v63  }
.Ltmp10:
0x2a0: {  	_ = 	snop;
	(pc) =	sbr.rel @p0 .LBB2_22-.Ltmp10, $4  }
0x2a1: {  	[tilespmem:v3+s29+$0x0] =	vst.idx.add.f32.msk vm1, v2  }
0x2a2: {  	[tilespmem:v4+s29+$0x0] =	vst.idx.add.f32.msk vm2, v2  }
0x2a3: {  	[tilespmem:v5+s29+$0x0] =	vst.idx.add.f32.msk vm3, v2  }
0x2a4: {  	s31 =	sadd.s32 $0x40, s31;
	[tilespmem:v6+s29+$0x0] =	vst.idx.add.f32.msk vm4, v2  }
0x2a5: {  	v3 =	vld [tilespmem:$0x176D0]  }
0x2a6: {  	v4 =	vld [tilespmem:$0x1A7D0];
	_ =	sdelay $0x3  }
0x2a7: {  	v3 =	vnsel vm0, $0x0, v3  }
0x2a8: {  	v4 =	vnsel vm0, $0x0, v4;
	_ =	sdelay $0x3  }
0x2a9: {  	v3 =	vld.idx.msk [tilespmem:v3+s2+$0x0], $0xffff  }
0x2aa: {  	v4 =	vld.idx.msk [tilespmem:v4+s2+$0x0], $0xffff;
	_ =	sdelay $0x3  }
0x2ab: {  	v5 =	vmul.u32 $0x41, v3  }
0x2ac: {  	v6 =	vmul.u32 $0x41, v4  }
0x2ad: {  	v5 =	vadd.s32 v4, v5  }
0x2ae: {  	v6 =	vadd.s32 v3, v6  }
0x2af: {  	v7 =	vld [tilespmem:$0x1D8D0];
	_ =	sdelay $0x2  }
0x2b0: {  	v5 =	vld.idx.msk [tilespmem:v5+s26+$0x0], $0xffff  }
0x2b1: {  	v6 =	vld.idx.msk [tilespmem:v6+s26+$0x0], $0xffff  }
0x2b2: {  	v7 =	vnsel vm0, $0x0, v7  }
0x2b3: {  	vm1 =	vgt.s32 v3, $0x0;
	vm2 =	vgt.s32 v4, $0x0;
	v4 =	vshll.u32 v4, $0x7  }
0x2b4: {  	vm1 =	vmand vm1, vm0;
	v3 =	vshll.u32 v3, $0x7;
	v4 =	vadd.s32 v4, v7  }
0x2b5: {  	vm2 =	vmand vm2, vm0;
	v3 =	vadd.s32 v7, v3;
	v4 =	vadd.s32 $0x2400, v4  }
0x2b6: {  	vm3 =	vgt.s32 v5, $0x0;
	vm4 =	vgt.s32 v6, $0x0;
	v5 =	vshll.u32 v5, $0x7  }
0x2b7: {  	v6 =	vshll.u32 v6, $0x7;
	vm3 =	vmand vm3, vm0;
	v5 =	vadd.s32 v5, v7  }
0x2b8: {  	vm4 =	vmand vm4, vm0;
	v6 =	vadd.s32 v6, v7;
	v5 =	vadd.s32 $0x4800, v5  }
0x2b9: {  	v6 =	vadd.s32 $0x5C00, v6;
	_ =	sdelay $0x1  }
0x2ba: {  	[tilespmem:v3+s29+$0x0] =	vst.idx.add.f32.msk vm1, v2  }
0x2bb: {  	s30 =	sadd.s32 $0x1, s30;
	[tilespmem:v4+s29+$0x0] =	vst.idx.add.f32.msk vm2, v2  }
0x2bc: {  	p0 =	sne.s32 s30, s17;
	[tilespmem:v5+s29+$0x0] =	vst.idx.add.f32.msk vm3, v2  }
.Ltmp11:
0x2bd: {  	[tilespmem:v6+s29+$0x0] =	vst.idx.add.f32.msk vm4, v2;
	(pc) =	sbr.rel @p0 .LBB2_1-.Ltmp11, $4  }
0x2be: {  	[hbm4b:s16+s2] =	stream.linear.scatter [tilespmem:s29], [sflag:$0x2], $0x7000, $0x38;
	[tilespmem:$0x1D900] =	vst v63  }
0x2bf: {  	_ =	swait.ge [sflag:s25], $0x7000  }
0x2c0: {  	[sflag:s25] =	ssyncset.done $0x0  }
0x2c1: {  	s19 =	simm.s32 $0x14600;
	[sflag:s25] =	ssyncadd.s32 $0xFFFF9000  }
0x2c2: {  	_ =	sfence.sel $0x180000  }
0x2c3: {  	[bflag:$0x0] =	sbarrier.arrive $0xFFFF  }
0x2c4: {  	_ =	strace $0x90000047  }
0x2c5: {  	s0 =	stileid.u32;
	[bflag:$0x2] =	sbarrier.arrive $0xFFFF  }
0x2c6: {  	p0 =	sne.s32 s0, $0x0;
	s0 =	rddreg [dreg:$0x2]  }
0x2c7: {  	s0 =	sadd.s32 @!p0 $0x100000, s0  }
0x2c8: {  	[sflag:s0] =	ssyncadd.tile.s32 @!p0 $0x1;
	_ =	shalt  }
.Lfunc_end2:
_tile_overlayer_lowered:
.L_overlay_start_2:
0x2c9: {  	(tag) =	ssettag $0x2  }
0x2ca: {  	s0 =	rddreg [dreg:$0x0];
	s2 =	stileid.u32  }
0x2cb: {  	s1 =	rddreg [dreg:$0x1];
	p0 =	sne.s32 s2, $0x0  }
0x2cc: {  	s3 =	rddreg [dreg:$0x2];
	[bflag:$0x3] =	sbarrier.arrive $0xFFFF;
	s2 =	simm.s32 @!p0 $0x1C02  }
0x2cd: {  	[timem:s3], [sflag:s2] =	dma.local @!p0 [hbm:s0], s1  }
0x2ce: {  	s0 =	simm.s32 @!p0 $0x2  }
0x2cf: {  	_ =	swait.ge @!p0 [sflag:s0], s1  }
0x2d0: {  	s1 =	ssub.s32 @!p0 $0x0, s1;
	[sflag:s0] =	ssyncset.done @!p0 $0x0  }
0x2d1: {  	[sflag:s0] =	ssyncadd.s32 @!p0 s1  }
0x2d2: {  	[bflag:$0x3] =	sbarrier.arrive $0xFFFF  }
0x2d3: {  	_ =	shalt  }

</sc_bundles>
